<compile_context>
chip_gen: v7x
topology: tpu7x:2x2x1
jax: 0.10.2.dev20260603
libtpu: 0.0.44.dev20260713+nightly
codegen_flags: <defaults>
</compile_context>

<pallas_src>
import functools

import jax
import jax.numpy as jnp
from jax import lax
from jax.experimental import pallas as pl
from jax.experimental.pallas import tpu as pltpu
from jax.experimental.pallas import tpu_sc as plsc

N = 10000
E = 320000
D = 128
D_OUT = 64

NC = 2
NS = 16
NW = NC * NS
CH = 128
NCHUNK = 80
GRP = 40
NGRP = NCHUNK // GRP
EP = NW * NCHUNK * CH
NPAD = 10016
RSTRIDE = 624
RSZ = 656
DEGW = 16

_sc_mesh = plsc.VectorSubcoreMesh(core_axis_name="c", subcore_axis_name="s")


@functools.partial(
    pl.kernel,
    out_type=jax.ShapeDtypeStruct((NC, NPAD, D), jnp.float32),
    mesh=_sc_mesh,
    scratch_types=[
        pltpu.VMEM((NCHUNK, CH), jnp.int32),
        pltpu.VMEM((CH, D), jnp.float32),
        pltpu.VMEM_SHARED((NPAD, D), jnp.float32),
    ],
)
def _deg_kernel(col_hbm, ones_hbm, zeros_hbm, deg_out, idx_v, ones_v, table_s):
    c = lax.axis_index("c")
    s = lax.axis_index("s")
    wid = c * NS + s
    sl = pl.ds(s * RSTRIDE, RSZ)
    pltpu.sync_copy(col_hbm.at[wid], idx_v)
    pltpu.sync_copy(ones_hbm, ones_v)
    pltpu.sync_copy(zeros_hbm, table_s.at[sl])
    plsc.subcore_barrier()

    def body(j, carry):
        pltpu.sync_copy(ones_v, table_s.at[idx_v.at[j]], add=True)
        return carry

    lax.fori_loop(0, NCHUNK, body, 0)
    plsc.subcore_barrier()
    pltpu.sync_copy(table_s.at[sl], deg_out.at[c, sl])


@functools.partial(
    pl.kernel,
    out_type=jax.ShapeDtypeStruct((NC, NPAD, D), jnp.float32),
    mesh=_sc_mesh,
    scratch_types=[
        pltpu.VMEM((GRP, CH), jnp.int32),
        pltpu.VMEM((GRP, CH), jnp.int32),
        pltpu.VMEM((CH, D), jnp.float32),
        pltpu.VMEM((CH, D), jnp.float32),
        pltpu.VMEM_SHARED((NPAD, D), jnp.float32),
        pltpu.SemaphoreType.DMA,
        pltpu.SemaphoreType.DMA,
    ],
)
def _gs_kernel(hp_hbm, row_hbm, col_hbm, zeros_hbm, acc_out,
               row_v, col_v, bufa, bufb, acc_s, sema, semb):
    c = lax.axis_index("c")
    s = lax.axis_index("s")
    wid = c * NS + s
    sl = pl.ds(s * RSTRIDE, RSZ)
    pltpu.sync_copy(row_hbm.at[wid, pl.ds(0, GRP)], row_v)
    pltpu.sync_copy(col_hbm.at[wid, pl.ds(0, GRP)], col_v)
    pltpu.async_copy(hp_hbm.at[row_v.at[0]], bufa, sema)
    pltpu.sync_copy(zeros_hbm, acc_s.at[sl])
    plsc.subcore_barrier()

    def body(jj, carry2):
        j0 = jj * 2
        pltpu.async_copy(hp_hbm.at[row_v.at[j0 + 1]], bufb, semb)
        pltpu.make_async_copy(hp_hbm.at[row_v.at[j0]], bufa, sema).wait()
        pltpu.sync_copy(bufa, acc_s.at[col_v.at[j0]], add=True)

        @pl.when(jj < GRP // 2 - 1)
        def _():
            pltpu.async_copy(hp_hbm.at[row_v.at[j0 + 2]], bufa, sema)

        pltpu.make_async_copy(hp_hbm.at[row_v.at[j0 + 1]], bufb, semb).wait()
        pltpu.sync_copy(bufb, acc_s.at[col_v.at[j0 + 1]], add=True)
        return carry2

    for g in range(NGRP):
        lax.fori_loop(0, GRP // 2, body, 0)
        if g + 1 < NGRP:
            pltpu.sync_copy(row_hbm.at[wid, pl.ds((g + 1) * GRP, GRP)], row_v)
            pltpu.sync_copy(col_hbm.at[wid, pl.ds((g + 1) * GRP, GRP)], col_v)
            pltpu.async_copy(hp_hbm.at[row_v.at[0]], bufa, sema)

    plsc.subcore_barrier()
    pltpu.sync_copy(acc_s.at[sl], acc_out.at[c, sl])


BLK = 2000
GRID = N // BLK

_xwt = lambda a, b: lax.dot_general(
    a, b, (((1,), (1,)), ((), ())), preferred_element_type=jnp.float32)


def _mm1_body(deg_ref, x_ref, w_ref, dinv_ref, hp_ref):
    deg = deg_ref[0, :, 0:1] + deg_ref[1, :, 0:1] + 1.0
    dinv = lax.rsqrt(deg)
    dinv_ref[...] = dinv
    hp_ref[...] = _xwt(x_ref[...], w_ref[...]) * dinv


_mm1 = pl.pallas_call(
    _mm1_body,
    grid=(GRID,),
    in_specs=[
        pl.BlockSpec((NC, BLK, D), lambda i: (0, i, 0)),
        pl.BlockSpec((BLK, D), lambda i: (i, 0)),
        pl.BlockSpec((D, D), lambda i: (0, 0)),
    ],
    out_specs=[
        pl.BlockSpec((BLK, 1), lambda i: (i, 0)),
        pl.BlockSpec((BLK, D), lambda i: (i, 0)),
    ],
    out_shape=[
        jax.ShapeDtypeStruct((N, 1), jnp.float32),
        jax.ShapeDtypeStruct((N, D), jnp.float32),
    ],
)


def _mid_body(acc_ref, hprev_ref, dinv_ref, b_ref, w_ref, hp_ref):
    dinv = dinv_ref[...]
    pre = (acc_ref[0] + acc_ref[1] + hprev_ref[...]) * dinv + b_ref[...]
    xn = jnp.maximum(pre, 0.0)
    hp_ref[...] = _xwt(xn, w_ref[...]) * dinv


_mid = pl.pallas_call(
    _mid_body,
    grid=(GRID,),
    in_specs=[
        pl.BlockSpec((NC, BLK, D), lambda i: (0, i, 0)),
        pl.BlockSpec((BLK, D), lambda i: (i, 0)),
        pl.BlockSpec((BLK, 1), lambda i: (i, 0)),
        pl.BlockSpec((1, D), lambda i: (0, 0)),
        pl.BlockSpec((D, D), lambda i: (0, 0)),
    ],
    out_specs=pl.BlockSpec((BLK, D), lambda i: (i, 0)),
    out_shape=jax.ShapeDtypeStruct((N, D), jnp.float32),
)


def _fin_body(acc_ref, hprev_ref, dinv_ref, b_ref, wc_ref, bc_ref,
              psum_ref, logits_ref):
    i = pl.program_id(0)
    out3 = (acc_ref[0] + acc_ref[1] + hprev_ref[...]) * dinv_ref[...] + b_ref[...]

    @pl.when(i == 0)
    def _():
        psum_ref[...] = jnp.zeros_like(psum_ref)

    psum_ref[...] += jnp.sum(out3, axis=0, keepdims=True)
    pooled = psum_ref[...] * (1.0 / N)
    logits_ref[...] = _xwt(pooled, wc_ref[...]) + bc_ref[...]


_fin = pl.pallas_call(
    _fin_body,
    grid=(GRID,),
    in_specs=[
        pl.BlockSpec((NC, BLK, D), lambda i: (0, i, 0)),
        pl.BlockSpec((BLK, D), lambda i: (i, 0)),
        pl.BlockSpec((BLK, 1), lambda i: (i, 0)),
        pl.BlockSpec((1, D), lambda i: (0, 0)),
        pl.BlockSpec((D_OUT, D), lambda i: (0, 0)),
        pl.BlockSpec((1, D_OUT), lambda i: (0, 0)),
    ],
    out_specs=[
        pl.BlockSpec((1, D), lambda i: (0, 0)),
        pl.BlockSpec((1, D_OUT), lambda i: (0, 0)),
    ],
    out_shape=[
        jax.ShapeDtypeStruct((1, D), jnp.float32),
        jax.ShapeDtypeStruct((1, D_OUT), jnp.float32),
    ],
)


def _pad_edges(edge_index):
    npad = EP - E
    row = edge_index[0].astype(jnp.int32)
    col = edge_index[1].astype(jnp.int32)
    row_p = jnp.concatenate([row, jnp.zeros((npad,), jnp.int32)])
    col_p = jnp.concatenate(
        [col, N + (jnp.arange(npad, dtype=jnp.int32) % (NPAD - N))])
    return row_p.reshape(NW, NCHUNK, CH), col_p.reshape(NW, NCHUNK, CH)


def kernel(x, edge_index, W1, b1, W2, b2, W3, b3, Wc, bc):
    row, col = _pad_edges(edge_index)
    ones_b = jnp.ones((CH, D), jnp.float32)
    zeros_acc = jnp.zeros((RSZ, D), jnp.float32)

    deg = _deg_kernel(col, ones_b, zeros_acc)
    dinv, h1p = _mm1(deg, x, W1)
    acc1 = _gs_kernel(h1p, row, col, zeros_acc)
    h2p = _mid(acc1, h1p, dinv, b1.reshape(1, D), W2)
    acc2 = _gs_kernel(h2p, row, col, zeros_acc)
    h3p = _mid(acc2, h2p, dinv, b2.reshape(1, D), W3)
    acc3 = _gs_kernel(h3p, row, col, zeros_acc)
    _, logits = _fin(acc3, h3p, dinv, b3.reshape(1, D), Wc, bc.reshape(1, D_OUT))
    return logits

# --- scband reference (transcript-rebuilt; emitter-appended) ---
"""Pipeline reference for scband-gcn-32066225832276 (READ-ONLY COPY).

The authoritative reference and input builder live on the scoring server;
editing this copy changes nothing except your own understanding.
"""

import jax, jax.numpy as jnp
import numpy as np

N = 10000
E = 320000
D_IN = 128
D_H = 128
D_OUT = 64


def setup_inputs(seed: int = 0) -> dict:
    key = jax.random.key(seed)
    ks = jax.random.split(key, 12)
    x = jax.random.normal(ks[0], (N, D_IN), dtype=jnp.float32)
    edge_index = jax.random.randint(ks[1], (2, E), 0, N)
    s = 0.05
    W1 = jax.random.normal(ks[2], (D_H, D_IN), dtype=jnp.float32) * s
    b1 = jnp.zeros((D_H,), dtype=jnp.float32)
    W2 = jax.random.normal(ks[3], (D_H, D_H), dtype=jnp.float32) * s
    b2 = jnp.zeros((D_H,), dtype=jnp.float32)
    W3 = jax.random.normal(ks[4], (D_H, D_H), dtype=jnp.float32) * s
    b3 = jnp.zeros((D_H,), dtype=jnp.float32)
    Wc = jax.random.normal(ks[5], (D_OUT, D_H), dtype=jnp.float32) * s
    bc = jnp.zeros((D_OUT,), dtype=jnp.float32)
    return {"x": x, "edge_index": edge_index, "W1": W1, "b1": b1, "W2": W2, "b2": b2, "W3": W3, "b3": b3, "Wc": Wc, "bc": bc}


def gcn_conv(x, edge_index, W, b):
    # PyG-style GCNConv: linear transform, add self-loops, symmetric normalization, scatter-add
    num_nodes = x.shape[0]
    h = x @ W.T
    sl = jnp.arange(num_nodes, dtype=edge_index.dtype)
    row = jnp.concatenate([edge_index[0], sl])
    col = jnp.concatenate([edge_index[1], sl])
    deg = jnp.zeros((num_nodes,), dtype=h.dtype).at[col].add(1.0)
    dinv = jnp.where(deg > 0, deg ** -0.5, 0.0)
    norm = dinv[row] * dinv[col]
    msg = h[row] * norm[:, None]
    out = jnp.zeros((num_nodes, h.shape[1]), dtype=h.dtype).at[col].add(msg)
    return out + b


def reference(x, edge_index, W1, b1, W2, b2, W3, b3, Wc, bc):
    h = gcn_conv(x, edge_index, W1, b1)
    h = jax.nn.relu(h)
    # dropout is identity in eval mode
    h = gcn_conv(h, edge_index, W2, b2)
    h = jax.nn.relu(h)
    h = gcn_conv(h, edge_index, W3, b3)
    # batch is None -> all nodes in one graph -> global mean pool over nodes
    pooled = jnp.mean(h, axis=0, keepdims=True)
    logits = pooled @ Wc.T + bc
    return logits

if __name__ == "__main__":
    import jax
    _d = setup_inputs()
    print(jax.jit(kernel)(*tuple(_d.values())))

</pallas_src>

<mosaic_0001>
#map = affine_map<(d0, d1) -> (0, 0)>
#map1 = affine_map<(d0, d1) -> (0, 0, 0)>
module attributes {stable_mosaic.version = 14 : i64} {
  func.func @_gs_kernel(%arg0: i32, %arg1: i32, %arg2: memref<10000x128xf32, #tpu.memory_space<hbm>>, %arg3: memref<32x80x128xi32, #tpu.memory_space<hbm>>, %arg4: memref<32x80x128xi32, #tpu.memory_space<hbm>>, %arg5: memref<656x128xf32, #tpu.memory_space<hbm>>, %arg6: memref<2x10016x128xf32, #tpu.memory_space<hbm>>, %arg7: memref<40x128xi32, #tpu.memory_space<vmem>>, %arg8: memref<40x128xi32, #tpu.memory_space<vmem>>, %arg9: memref<128x128xf32, #tpu.memory_space<vmem>>, %arg10: memref<128x128xf32, #tpu.memory_space<vmem>>, %arg11: memref<10016x128xf32, #tpu.memory_space<vmem_shared>>, %arg12: memref<!tpu.dma_semaphore, #tpu.memory_space<semaphore_mem>>, %arg13: memref<!tpu.dma_semaphore, #tpu.memory_space<semaphore_mem>>) attributes {dimension_semantics = [#tpu.dimension_semantics<core_parallel>, #tpu.dimension_semantics<subcore_parallel>], iteration_bounds = array<i64: 2, 16>, scalar_prefetch = 0 : i64, scratch_operands = 7 : i64, tpu.core_type = #tpu.core_type<sc_vector_subcore>, window_params = [{transform_indices = #map}, {transform_indices = #map1}, {transform_indices = #map1}, {transform_indices = #map}, {transform_indices = #map1}]} {
    %mul3A = arith.constant 16 : i32
    %mul3A_0 = arith.muli %arg0, %mul3A : i32
    %add3A = arith.addi %mul3A_0, %arg1 : i32
    %mul3A_1 = arith.constant 624 : i32
    %mul3A_2 = arith.muli %arg1, %mul3A_1 : i32
    "tpu.region"() ({
      %run_scoped3A = tpu.sem_alloc : memref<!tpu.dma_semaphore, #tpu.memory_space<semaphore_mem>>
      %dma_start3A_28 = arith.constant 0 : i32
      %dma_start3A_29 = arith.constant 0 : i32
      %dma_start3A_30 = tpu.memref_slice %arg3[%add3A, %dma_start3A_28, %dma_start3A_29] : memref<32x80x128xi32, #tpu.memory_space<hbm>> -> memref<1x40x128xi32, #tpu.memory_space<hbm>>
      %dma_start3A_31 = tpu.memref_squeeze %dma_start3A_30 : memref<1x40x128xi32, #tpu.memory_space<hbm>> -> memref<40x128xi32, #tpu.memory_space<hbm>>
      %dma_start3A_32 = arith.constant 0 : i32
      %dma_start3A_33 = arith.constant 0 : i32
      %dma_start3A_34 = tpu.memref_slice %arg3[%add3A, %dma_start3A_32, %dma_start3A_33] : memref<32x80x128xi32, #tpu.memory_space<hbm>> -> memref<1x40x128xi32, #tpu.memory_space<hbm>>
      %dma_start3A_35 = tpu.memref_squeeze %dma_start3A_34 : memref<1x40x128xi32, #tpu.memory_space<hbm>> -> memref<40x128xi32, #tpu.memory_space<hbm>>
      tpu.enqueue_dma source(%dma_start3A_35 : memref<40x128xi32, #tpu.memory_space<hbm>>) target(%arg7 : memref<40x128xi32, #tpu.memory_space<vmem>>) target_semaphore(%run_scoped3A : memref<!tpu.dma_semaphore, #tpu.memory_space<semaphore_mem>>)
      %dma_wait3A = arith.constant 0 : i32
      %dma_wait3A_36 = arith.constant 0 : i32
      %dma_wait3A_37 = tpu.memref_slice %arg3[%add3A, %dma_wait3A, %dma_wait3A_36] : memref<32x80x128xi32, #tpu.memory_space<hbm>> -> memref<1x40x128xi32, #tpu.memory_space<hbm>>
      %dma_wait3A_38 = tpu.memref_squeeze %dma_wait3A_37 : memref<1x40x128xi32, #tpu.memory_space<hbm>> -> memref<40x128xi32, #tpu.memory_space<hbm>>
      %dma_wait3A_39 = arith.constant 0 : i32
      %dma_wait3A_40 = arith.constant 0 : i32
      %dma_wait3A_41 = tpu.memref_slice %arg3[%add3A, %dma_wait3A_39, %dma_wait3A_40] : memref<32x80x128xi32, #tpu.memory_space<hbm>> -> memref<1x40x128xi32, #tpu.memory_space<hbm>>
      %dma_wait3A_42 = tpu.memref_squeeze %dma_wait3A_41 : memref<1x40x128xi32, #tpu.memory_space<hbm>> -> memref<40x128xi32, #tpu.memory_space<hbm>>
      tpu.wait_dma2 semaphore(%run_scoped3A : memref<!tpu.dma_semaphore, #tpu.memory_space<semaphore_mem>>) src(%dma_wait3A_42 : memref<40x128xi32, #tpu.memory_space<hbm>>) dst(%arg7 : memref<40x128xi32, #tpu.memory_space<vmem>>)
      tpu.yield
    }) : () -> ()
    "tpu.region"() ({
      %run_scoped3A = tpu.sem_alloc : memref<!tpu.dma_semaphore, #tpu.memory_space<semaphore_mem>>
      %dma_start3A_28 = arith.constant 0 : i32
      %dma_start3A_29 = arith.constant 0 : i32
      %dma_start3A_30 = tpu.memref_slice %arg4[%add3A, %dma_start3A_28, %dma_start3A_29] : memref<32x80x128xi32, #tpu.memory_space<hbm>> -> memref<1x40x128xi32, #tpu.memory_space<hbm>>
      %dma_start3A_31 = tpu.memref_squeeze %dma_start3A_30 : memref<1x40x128xi32, #tpu.memory_space<hbm>> -> memref<40x128xi32, #tpu.memory_space<hbm>>
      %dma_start3A_32 = arith.constant 0 : i32
      %dma_start3A_33 = arith.constant 0 : i32
      %dma_start3A_34 = tpu.memref_slice %arg4[%add3A, %dma_start3A_32, %dma_start3A_33] : memref<32x80x128xi32, #tpu.memory_space<hbm>> -> memref<1x40x128xi32, #tpu.memory_space<hbm>>
      %dma_start3A_35 = tpu.memref_squeeze %dma_start3A_34 : memref<1x40x128xi32, #tpu.memory_space<hbm>> -> memref<40x128xi32, #tpu.memory_space<hbm>>
      tpu.enqueue_dma source(%dma_start3A_35 : memref<40x128xi32, #tpu.memory_space<hbm>>) target(%arg8 : memref<40x128xi32, #tpu.memory_space<vmem>>) target_semaphore(%run_scoped3A : memref<!tpu.dma_semaphore, #tpu.memory_space<semaphore_mem>>)
      %dma_wait3A = arith.constant 0 : i32
      %dma_wait3A_36 = arith.constant 0 : i32
      %dma_wait3A_37 = tpu.memref_slice %arg4[%add3A, %dma_wait3A, %dma_wait3A_36] : memref<32x80x128xi32, #tpu.memory_space<hbm>> -> memref<1x40x128xi32, #tpu.memory_space<hbm>>
      %dma_wait3A_38 = tpu.memref_squeeze %dma_wait3A_37 : memref<1x40x128xi32, #tpu.memory_space<hbm>> -> memref<40x128xi32, #tpu.memory_space<hbm>>
      %dma_wait3A_39 = arith.constant 0 : i32
      %dma_wait3A_40 = arith.constant 0 : i32
      %dma_wait3A_41 = tpu.memref_slice %arg4[%add3A, %dma_wait3A_39, %dma_wait3A_40] : memref<32x80x128xi32, #tpu.memory_space<hbm>> -> memref<1x40x128xi32, #tpu.memory_space<hbm>>
      %dma_wait3A_42 = tpu.memref_squeeze %dma_wait3A_41 : memref<1x40x128xi32, #tpu.memory_space<hbm>> -> memref<40x128xi32, #tpu.memory_space<hbm>>
      tpu.wait_dma2 semaphore(%run_scoped3A : memref<!tpu.dma_semaphore, #tpu.memory_space<semaphore_mem>>) src(%dma_wait3A_42 : memref<40x128xi32, #tpu.memory_space<hbm>>) dst(%arg8 : memref<40x128xi32, #tpu.memory_space<vmem>>)
      tpu.yield
    }) : () -> ()
    %dma_start3A = arith.constant 0 : i32
    %dma_start3A_3 = arith.constant 0 : i32
    %dma_start3A_4 = tpu.memref_slice %arg7[%dma_start3A, %dma_start3A_3] : memref<40x128xi32, #tpu.memory_space<vmem>> -> memref<1x128xi32, #tpu.memory_space<vmem>>
    %dma_start3A_5 = tpu.memref_squeeze %dma_start3A_4 : memref<1x128xi32, #tpu.memory_space<vmem>> -> memref<128xi32, #tpu.memory_space<vmem>>
    %dma_start3A_6 = arith.constant 0 : i32
    %dma_start3A_7 = arith.constant 0 : i32
    %dma_start3A_8 = tpu.memref_slice %arg2[%dma_start3A_6, %dma_start3A_7] : memref<10000x128xf32, #tpu.memory_space<hbm>> -> memref<10000x128xf32, #tpu.memory_space<hbm>>
    tpu.enqueue_indirect_dma source(%dma_start3A_8 : memref<10000x128xf32, #tpu.memory_space<hbm>>) target(%arg9 : memref<128x128xf32, #tpu.memory_space<vmem>>) offsets(%dma_start3A_5 : memref<128xi32, #tpu.memory_space<vmem>>) semaphore(%arg12 : memref<!tpu.dma_semaphore, #tpu.memory_space<semaphore_mem>>)
    "tpu.region"() ({
      %run_scoped3A = tpu.sem_alloc : memref<!tpu.dma_semaphore, #tpu.memory_space<semaphore_mem>>
      %dma_start3A_28 = arith.constant 0 : i32
      %dma_start3A_29 = tpu.memref_slice %arg11[%mul3A_2, %dma_start3A_28] : memref<10016x128xf32, #tpu.memory_space<vmem_shared>> -> memref<656x128xf32, #tpu.memory_space<vmem_shared>>
      tpu.enqueue_dma source(%arg5 : memref<656x128xf32, #tpu.memory_space<hbm>>) target(%dma_start3A_29 : memref<656x128xf32, #tpu.memory_space<vmem_shared>>) target_semaphore(%run_scoped3A : memref<!tpu.dma_semaphore, #tpu.memory_space<semaphore_mem>>)
      %dma_wait3A = arith.constant 0 : i32
      %dma_wait3A_30 = tpu.memref_slice %arg11[%mul3A_2, %dma_wait3A] : memref<10016x128xf32, #tpu.memory_space<vmem_shared>> -> memref<656x128xf32, #tpu.memory_space<vmem_shared>>
      tpu.wait_dma2 semaphore(%run_scoped3A : memref<!tpu.dma_semaphore, #tpu.memory_space<semaphore_mem>>) src(%arg5 : memref<656x128xf32, #tpu.memory_space<hbm>>) dst(%dma_wait3A_30 : memref<656x128xf32, #tpu.memory_space<vmem_shared>>)
      tpu.yield
    }) : () -> ()
    %barrier3A = arith.constant 0 : index
    tpu.barrier barrier_id(%barrier3A)
    %scan3A = arith.constant 0 : i32
    %scan3A_9 = arith.constant 0 : i32
    %scan3A_10 = arith.constant 20 : i32
    %scan3A_11 = arith.addi %scan3A_9, %scan3A_10 : i32
    %scan3A_12 = arith.constant 1 : i32
    scf.for %scan3A_28 = %scan3A_9 to %scan3A_11 step %scan3A_12  : i32 {
      %mul3A_29 = arith.constant 2 : i32
      %mul3A_30 = arith.muli %scan3A_28, %mul3A_29 : i32
      %add3A_31 = arith.constant 1 : i32
      %add3A_32 = arith.addi %mul3A_30, %add3A_31 : i32
      %dma_start3A_33 = arith.constant 0 : i32
      %dma_start3A_34 = tpu.memref_slice %arg7[%add3A_32, %dma_start3A_33] : memref<40x128xi32, #tpu.memory_space<vmem>> -> memref<1x128xi32, #tpu.memory_space<vmem>>
      %dma_start3A_35 = tpu.memref_squeeze %dma_start3A_34 : memref<1x128xi32, #tpu.memory_space<vmem>> -> memref<128xi32, #tpu.memory_space<vmem>>
      %dma_start3A_36 = arith.constant 0 : i32
      %dma_start3A_37 = arith.constant 0 : i32
      %dma_start3A_38 = tpu.memref_slice %arg2[%dma_start3A_36, %dma_start3A_37] : memref<10000x128xf32, #tpu.memory_space<hbm>> -> memref<10000x128xf32, #tpu.memory_space<hbm>>
      tpu.enqueue_indirect_dma source(%dma_start3A_38 : memref<10000x128xf32, #tpu.memory_space<hbm>>) target(%arg10 : memref<128x128xf32, #tpu.memory_space<vmem>>) offsets(%dma_start3A_35 : memref<128xi32, #tpu.memory_space<vmem>>) semaphore(%arg13 : memref<!tpu.dma_semaphore, #tpu.memory_space<semaphore_mem>>)
      %dma_wait3A = arith.constant 0 : i32
      %dma_wait3A_39 = tpu.memref_slice %arg7[%mul3A_30, %dma_wait3A] : memref<40x128xi32, #tpu.memory_space<vmem>> -> memref<1x128xi32, #tpu.memory_space<vmem>>
      %dma_wait3A_40 = tpu.memref_squeeze %dma_wait3A_39 : memref<1x128xi32, #tpu.memory_space<vmem>> -> memref<128xi32, #tpu.memory_space<vmem>>
      %dma_wait3A_41 = arith.constant 0 : i32
      %dma_wait3A_42 = arith.constant 0 : i32
      %dma_wait3A_43 = tpu.memref_slice %arg2[%dma_wait3A_41, %dma_wait3A_42] : memref<10000x128xf32, #tpu.memory_space<hbm>> -> memref<10000x128xf32, #tpu.memory_space<hbm>>
      tpu.wait_indirect_dma semaphore(%arg12 : memref<!tpu.dma_semaphore, #tpu.memory_space<semaphore_mem>>) src(%dma_wait3A_43 : memref<10000x128xf32, #tpu.memory_space<hbm>>) dst(%arg9 : memref<128x128xf32, #tpu.memory_space<vmem>>)
      "tpu.region"() ({
        %run_scoped3A = tpu.sem_alloc : memref<!tpu.dma_semaphore, #tpu.memory_space<semaphore_mem>>
        %dma_start3A_56 = arith.constant 0 : i32
        %dma_start3A_57 = tpu.memref_slice %arg8[%mul3A_30, %dma_start3A_56] : memref<40x128xi32, #tpu.memory_space<vmem>> -> memref<1x128xi32, #tpu.memory_space<vmem>>
        %dma_start3A_58 = tpu.memref_squeeze %dma_start3A_57 : memref<1x128xi32, #tpu.memory_space<vmem>> -> memref<128xi32, #tpu.memory_space<vmem>>
        %dma_start3A_59 = arith.constant 0 : i32
        %dma_start3A_60 = arith.constant 0 : i32
        %dma_start3A_61 = tpu.memref_slice %arg11[%dma_start3A_59, %dma_start3A_60] : memref<10016x128xf32, #tpu.memory_space<vmem_shared>> -> memref<10016x128xf32, #tpu.memory_space<vmem_shared>>
        tpu.enqueue_indirect_dma source(%arg9 : memref<128x128xf32, #tpu.memory_space<vmem>>) target(%dma_start3A_61 : memref<10016x128xf32, #tpu.memory_space<vmem_shared>>) offsets(%dma_start3A_58 : memref<128xi32, #tpu.memory_space<vmem>>) semaphore(%run_scoped3A : memref<!tpu.dma_semaphore, #tpu.memory_space<semaphore_mem>>) {add = true}
        %dma_wait3A_62 = arith.constant 0 : i32
        %dma_wait3A_63 = tpu.memref_slice %arg8[%mul3A_30, %dma_wait3A_62] : memref<40x128xi32, #tpu.memory_space<vmem>> -> memref<1x128xi32, #tpu.memory_space<vmem>>
        %dma_wait3A_64 = tpu.memref_squeeze %dma_wait3A_63 : memref<1x128xi32, #tpu.memory_space<vmem>> -> memref<128xi32, #tpu.memory_space<vmem>>
        %dma_wait3A_65 = arith.constant 0 : i32
        %dma_wait3A_66 = arith.constant 0 : i32
        %dma_wait3A_67 = tpu.memref_slice %arg11[%dma_wait3A_65, %dma_wait3A_66] : memref<10016x128xf32, #tpu.memory_space<vmem_shared>> -> memref<10016x128xf32, #tpu.memory_space<vmem_shared>>
        tpu.wait_indirect_dma semaphore(%run_scoped3A : memref<!tpu.dma_semaphore, #tpu.memory_space<semaphore_mem>>) src(%arg9 : memref<128x128xf32, #tpu.memory_space<vmem>>) dst(%dma_wait3A_67 : memref<10016x128xf32, #tpu.memory_space<vmem_shared>>)
        tpu.yield
      }) : () -> ()
      %lt3A = arith.constant 19 : i32
      %lt3A_44 = arith.cmpi slt, %scan3A_28, %lt3A : i32
      %convert_element_type3A = arith.extui %lt3A_44 : i1 to i32
      %cond3A = arith.constant 0 : i32
      %cond3A_45 = arith.cmpi ne, %convert_element_type3A, %cond3A : i32
      scf.if %cond3A_45 {
        %add3A_56 = arith.constant 2 : i32
        %add3A_57 = arith.addi %mul3A_30, %add3A_56 : i32
        %dma_start3A_58 = arith.constant 0 : i32
        %dma_start3A_59 = tpu.memref_slice %arg7[%add3A_57, %dma_start3A_58] : memref<40x128xi32, #tpu.memory_space<vmem>> -> memref<1x128xi32, #tpu.memory_space<vmem>>
        %dma_start3A_60 = tpu.memref_squeeze %dma_start3A_59 : memref<1x128xi32, #tpu.memory_space<vmem>> -> memref<128xi32, #tpu.memory_space<vmem>>
        %dma_start3A_61 = arith.constant 0 : i32
        %dma_start3A_62 = arith.constant 0 : i32
        %dma_start3A_63 = tpu.memref_slice %arg2[%dma_start3A_61, %dma_start3A_62] : memref<10000x128xf32, #tpu.memory_space<hbm>> -> memref<10000x128xf32, #tpu.memory_space<hbm>>
        tpu.enqueue_indirect_dma source(%dma_start3A_63 : memref<10000x128xf32, #tpu.memory_space<hbm>>) target(%arg9 : memref<128x128xf32, #tpu.memory_space<vmem>>) offsets(%dma_start3A_60 : memref<128xi32, #tpu.memory_space<vmem>>) semaphore(%arg12 : memref<!tpu.dma_semaphore, #tpu.memory_space<semaphore_mem>>)
      } else {
      }
      %add3A_46 = arith.constant 1 : i32
      %add3A_47 = arith.addi %mul3A_30, %add3A_46 : i32
      %dma_wait3A_48 = arith.constant 0 : i32
      %dma_wait3A_49 = tpu.memref_slice %arg7[%add3A_47, %dma_wait3A_48] : memref<40x128xi32, #tpu.memory_space<vmem>> -> memref<1x128xi32, #tpu.memory_space<vmem>>
      %dma_wait3A_50 = tpu.memref_squeeze %dma_wait3A_49 : memref<1x128xi32, #tpu.memory_space<vmem>> -> memref<128xi32, #tpu.memory_space<vmem>>
      %dma_wait3A_51 = arith.constant 0 : i32
      %dma_wait3A_52 = arith.constant 0 : i32
      %dma_wait3A_53 = tpu.memref_slice %arg2[%dma_wait3A_51, %dma_wait3A_52] : memref<10000x128xf32, #tpu.memory_space<hbm>> -> memref<10000x128xf32, #tpu.memory_space<hbm>>
      tpu.wait_indirect_dma semaphore(%arg13 : memref<!tpu.dma_semaphore, #tpu.memory_space<semaphore_mem>>) src(%dma_wait3A_53 : memref<10000x128xf32, #tpu.memory_space<hbm>>) dst(%arg10 : memref<128x128xf32, #tpu.memory_space<vmem>>)
      %add3A_54 = arith.constant 1 : i32
      %add3A_55 = arith.addi %mul3A_30, %add3A_54 : i32
      "tpu.region"() ({
        %run_scoped3A = tpu.sem_alloc : memref<!tpu.dma_semaphore, #tpu.memory_space<semaphore_mem>>
        %dma_start3A_56 = arith.constant 0 : i32
        %dma_start3A_57 = tpu.memref_slice %arg8[%add3A_55, %dma_start3A_56] : memref<40x128xi32, #tpu.memory_space<vmem>> -> memref<1x128xi32, #tpu.memory_space<vmem>>
        %dma_start3A_58 = tpu.memref_squeeze %dma_start3A_57 : memref<1x128xi32, #tpu.memory_space<vmem>> -> memref<128xi32, #tpu.memory_space<vmem>>
        %dma_start3A_59 = arith.constant 0 : i32
        %dma_start3A_60 = arith.constant 0 : i32
        %dma_start3A_61 = tpu.memref_slice %arg11[%dma_start3A_59, %dma_start3A_60] : memref<10016x128xf32, #tpu.memory_space<vmem_shared>> -> memref<10016x128xf32, #tpu.memory_space<vmem_shared>>
        tpu.enqueue_indirect_dma source(%arg10 : memref<128x128xf32, #tpu.memory_space<vmem>>) target(%dma_start3A_61 : memref<10016x128xf32, #tpu.memory_space<vmem_shared>>) offsets(%dma_start3A_58 : memref<128xi32, #tpu.memory_space<vmem>>) semaphore(%run_scoped3A : memref<!tpu.dma_semaphore, #tpu.memory_space<semaphore_mem>>) {add = true}
        %dma_wait3A_62 = arith.constant 0 : i32
        %dma_wait3A_63 = tpu.memref_slice %arg8[%add3A_55, %dma_wait3A_62] : memref<40x128xi32, #tpu.memory_space<vmem>> -> memref<1x128xi32, #tpu.memory_space<vmem>>
        %dma_wait3A_64 = tpu.memref_squeeze %dma_wait3A_63 : memref<1x128xi32, #tpu.memory_space<vmem>> -> memref<128xi32, #tpu.memory_space<vmem>>
        %dma_wait3A_65 = arith.constant 0 : i32
        %dma_wait3A_66 = arith.constant 0 : i32
        %dma_wait3A_67 = tpu.memref_slice %arg11[%dma_wait3A_65, %dma_wait3A_66] : memref<10016x128xf32, #tpu.memory_space<vmem_shared>> -> memref<10016x128xf32, #tpu.memory_space<vmem_shared>>
        tpu.wait_indirect_dma semaphore(%run_scoped3A : memref<!tpu.dma_semaphore, #tpu.memory_space<semaphore_mem>>) src(%arg10 : memref<128x128xf32, #tpu.memory_space<vmem>>) dst(%dma_wait3A_67 : memref<10016x128xf32, #tpu.memory_space<vmem_shared>>)
        tpu.yield
      }) : () -> ()
    }
    %scan3A_13 = arith.constant 20 : i32
    "tpu.region"() ({
      %run_scoped3A = tpu.sem_alloc : memref<!tpu.dma_semaphore, #tpu.memory_space<semaphore_mem>>
      %dma_start3A_28 = arith.constant 40 : i32
      %dma_start3A_29 = arith.constant 0 : i32
      %dma_start3A_30 = tpu.memref_slice %arg3[%add3A, %dma_start3A_28, %dma_start3A_29] : memref<32x80x128xi32, #tpu.memory_space<hbm>> -> memref<1x40x128xi32, #tpu.memory_space<hbm>>
      %dma_start3A_31 = tpu.memref_squeeze %dma_start3A_30 : memref<1x40x128xi32, #tpu.memory_space<hbm>> -> memref<40x128xi32, #tpu.memory_space<hbm>>
      %dma_start3A_32 = arith.constant 40 : i32
      %dma_start3A_33 = arith.constant 0 : i32
      %dma_start3A_34 = tpu.memref_slice %arg3[%add3A, %dma_start3A_32, %dma_start3A_33] : memref<32x80x128xi32, #tpu.memory_space<hbm>> -> memref<1x40x128xi32, #tpu.memory_space<hbm>>
      %dma_start3A_35 = tpu.memref_squeeze %dma_start3A_34 : memref<1x40x128xi32, #tpu.memory_space<hbm>> -> memref<40x128xi32, #tpu.memory_space<hbm>>
      tpu.enqueue_dma source(%dma_start3A_35 : memref<40x128xi32, #tpu.memory_space<hbm>>) target(%arg7 : memref<40x128xi32, #tpu.memory_space<vmem>>) target_semaphore(%run_scoped3A : memref<!tpu.dma_semaphore, #tpu.memory_space<semaphore_mem>>)
      %dma_wait3A = arith.constant 40 : i32
      %dma_wait3A_36 = arith.constant 0 : i32
      %dma_wait3A_37 = tpu.memref_slice %arg3[%add3A, %dma_wait3A, %dma_wait3A_36] : memref<32x80x128xi32, #tpu.memory_space<hbm>> -> memref<1x40x128xi32, #tpu.memory_space<hbm>>
      %dma_wait3A_38 = tpu.memref_squeeze %dma_wait3A_37 : memref<1x40x128xi32, #tpu.memory_space<hbm>> -> memref<40x128xi32, #tpu.memory_space<hbm>>
      %dma_wait3A_39 = arith.constant 40 : i32
      %dma_wait3A_40 = arith.constant 0 : i32
      %dma_wait3A_41 = tpu.memref_slice %arg3[%add3A, %dma_wait3A_39, %dma_wait3A_40] : memref<32x80x128xi32, #tpu.memory_space<hbm>> -> memref<1x40x128xi32, #tpu.memory_space<hbm>>
      %dma_wait3A_42 = tpu.memref_squeeze %dma_wait3A_41 : memref<1x40x128xi32, #tpu.memory_space<hbm>> -> memref<40x128xi32, #tpu.memory_space<hbm>>
      tpu.wait_dma2 semaphore(%run_scoped3A : memref<!tpu.dma_semaphore, #tpu.memory_space<semaphore_mem>>) src(%dma_wait3A_42 : memref<40x128xi32, #tpu.memory_space<hbm>>) dst(%arg7 : memref<40x128xi32, #tpu.memory_space<vmem>>)
      tpu.yield
    }) : () -> ()
    "tpu.region"() ({
      %run_scoped3A = tpu.sem_alloc : memref<!tpu.dma_semaphore, #tpu.memory_space<semaphore_mem>>
      %dma_start3A_28 = arith.constant 40 : i32
      %dma_start3A_29 = arith.constant 0 : i32
      %dma_start3A_30 = tpu.memref_slice %arg4[%add3A, %dma_start3A_28, %dma_start3A_29] : memref<32x80x128xi32, #tpu.memory_space<hbm>> -> memref<1x40x128xi32, #tpu.memory_space<hbm>>
      %dma_start3A_31 = tpu.memref_squeeze %dma_start3A_30 : memref<1x40x128xi32, #tpu.memory_space<hbm>> -> memref<40x128xi32, #tpu.memory_space<hbm>>
      %dma_start3A_32 = arith.constant 40 : i32
      %dma_start3A_33 = arith.constant 0 : i32
      %dma_start3A_34 = tpu.memref_slice %arg4[%add3A, %dma_start3A_32, %dma_start3A_33] : memref<32x80x128xi32, #tpu.memory_space<hbm>> -> memref<1x40x128xi32, #tpu.memory_space<hbm>>
      %dma_start3A_35 = tpu.memref_squeeze %dma_start3A_34 : memref<1x40x128xi32, #tpu.memory_space<hbm>> -> memref<40x128xi32, #tpu.memory_space<hbm>>
      tpu.enqueue_dma source(%dma_start3A_35 : memref<40x128xi32, #tpu.memory_space<hbm>>) target(%arg8 : memref<40x128xi32, #tpu.memory_space<vmem>>) target_semaphore(%run_scoped3A : memref<!tpu.dma_semaphore, #tpu.memory_space<semaphore_mem>>)
      %dma_wait3A = arith.constant 40 : i32
      %dma_wait3A_36 = arith.constant 0 : i32
      %dma_wait3A_37 = tpu.memref_slice %arg4[%add3A, %dma_wait3A, %dma_wait3A_36] : memref<32x80x128xi32, #tpu.memory_space<hbm>> -> memref<1x40x128xi32, #tpu.memory_space<hbm>>
      %dma_wait3A_38 = tpu.memref_squeeze %dma_wait3A_37 : memref<1x40x128xi32, #tpu.memory_space<hbm>> -> memref<40x128xi32, #tpu.memory_space<hbm>>
      %dma_wait3A_39 = arith.constant 40 : i32
      %dma_wait3A_40 = arith.constant 0 : i32
      %dma_wait3A_41 = tpu.memref_slice %arg4[%add3A, %dma_wait3A_39, %dma_wait3A_40] : memref<32x80x128xi32, #tpu.memory_space<hbm>> -> memref<1x40x128xi32, #tpu.memory_space<hbm>>
      %dma_wait3A_42 = tpu.memref_squeeze %dma_wait3A_41 : memref<1x40x128xi32, #tpu.memory_space<hbm>> -> memref<40x128xi32, #tpu.memory_space<hbm>>
      tpu.wait_dma2 semaphore(%run_scoped3A : memref<!tpu.dma_semaphore, #tpu.memory_space<semaphore_mem>>) src(%dma_wait3A_42 : memref<40x128xi32, #tpu.memory_space<hbm>>) dst(%arg8 : memref<40x128xi32, #tpu.memory_space<vmem>>)
      tpu.yield
    }) : () -> ()
    %dma_start3A_14 = arith.constant 0 : i32
    %dma_start3A_15 = arith.constant 0 : i32
    %dma_start3A_16 = tpu.memref_slice %arg7[%dma_start3A_14, %dma_start3A_15] : memref<40x128xi32, #tpu.memory_space<vmem>> -> memref<1x128xi32, #tpu.memory_space<vmem>>
    %dma_start3A_17 = tpu.memref_squeeze %dma_start3A_16 : memref<1x128xi32, #tpu.memory_space<vmem>> -> memref<128xi32, #tpu.memory_space<vmem>>
    %dma_start3A_18 = arith.constant 0 : i32
    %dma_start3A_19 = arith.constant 0 : i32
    %dma_start3A_20 = tpu.memref_slice %arg2[%dma_start3A_18, %dma_start3A_19] : memref<10000x128xf32, #tpu.memory_space<hbm>> -> memref<10000x128xf32, #tpu.memory_space<hbm>>
    tpu.enqueue_indirect_dma source(%dma_start3A_20 : memref<10000x128xf32, #tpu.memory_space<hbm>>) target(%arg9 : memref<128x128xf32, #tpu.memory_space<vmem>>) offsets(%dma_start3A_17 : memref<128xi32, #tpu.memory_space<vmem>>) semaphore(%arg12 : memref<!tpu.dma_semaphore, #tpu.memory_space<semaphore_mem>>)
    %scan3A_21 = arith.constant 0 : i32
    %scan3A_22 = arith.constant 0 : i32
    %scan3A_23 = arith.constant 20 : i32
    %scan3A_24 = arith.addi %scan3A_22, %scan3A_23 : i32
    %scan3A_25 = arith.constant 1 : i32
    scf.for %scan3A_28 = %scan3A_22 to %scan3A_24 step %scan3A_25  : i32 {
      %mul3A_29 = arith.constant 2 : i32
      %mul3A_30 = arith.muli %scan3A_28, %mul3A_29 : i32
      %add3A_31 = arith.constant 1 : i32
      %add3A_32 = arith.addi %mul3A_30, %add3A_31 : i32
      %dma_start3A_33 = arith.constant 0 : i32
      %dma_start3A_34 = tpu.memref_slice %arg7[%add3A_32, %dma_start3A_33] : memref<40x128xi32, #tpu.memory_space<vmem>> -> memref<1x128xi32, #tpu.memory_space<vmem>>
      %dma_start3A_35 = tpu.memref_squeeze %dma_start3A_34 : memref<1x128xi32, #tpu.memory_space<vmem>> -> memref<128xi32, #tpu.memory_space<vmem>>
      %dma_start3A_36 = arith.constant 0 : i32
      %dma_start3A_37 = arith.constant 0 : i32
      %dma_start3A_38 = tpu.memref_slice %arg2[%dma_start3A_36, %dma_start3A_37] : memref<10000x128xf32, #tpu.memory_space<hbm>> -> memref<10000x128xf32, #tpu.memory_space<hbm>>
      tpu.enqueue_indirect_dma source(%dma_start3A_38 : memref<10000x128xf32, #tpu.memory_space<hbm>>) target(%arg10 : memref<128x128xf32, #tpu.memory_space<vmem>>) offsets(%dma_start3A_35 : memref<128xi32, #tpu.memory_space<vmem>>) semaphore(%arg13 : memref<!tpu.dma_semaphore, #tpu.memory_space<semaphore_mem>>)
      %dma_wait3A = arith.constant 0 : i32
      %dma_wait3A_39 = tpu.memref_slice %arg7[%mul3A_30, %dma_wait3A] : memref<40x128xi32, #tpu.memory_space<vmem>> -> memref<1x128xi32, #tpu.memory_space<vmem>>
      %dma_wait3A_40 = tpu.memref_squeeze %dma_wait3A_39 : memref<1x128xi32, #tpu.memory_space<vmem>> -> memref<128xi32, #tpu.memory_space<vmem>>
      %dma_wait3A_41 = arith.constant 0 : i32
      %dma_wait3A_42 = arith.constant 0 : i32
      %dma_wait3A_43 = tpu.memref_slice %arg2[%dma_wait3A_41, %dma_wait3A_42] : memref<10000x128xf32, #tpu.memory_space<hbm>> -> memref<10000x128xf32, #tpu.memory_space<hbm>>
      tpu.wait_indirect_dma semaphore(%arg12 : memref<!tpu.dma_semaphore, #tpu.memory_space<semaphore_mem>>) src(%dma_wait3A_43 : memref<10000x128xf32, #tpu.memory_space<hbm>>) dst(%arg9 : memref<128x128xf32, #tpu.memory_space<vmem>>)
      "tpu.region"() ({
        %run_scoped3A = tpu.sem_alloc : memref<!tpu.dma_semaphore, #tpu.memory_space<semaphore_mem>>
        %dma_start3A_56 = arith.constant 0 : i32
        %dma_start3A_57 = tpu.memref_slice %arg8[%mul3A_30, %dma_start3A_56] : memref<40x128xi32, #tpu.memory_space<vmem>> -> memref<1x128xi32, #tpu.memory_space<vmem>>
        %dma_start3A_58 = tpu.memref_squeeze %dma_start3A_57 : memref<1x128xi32, #tpu.memory_space<vmem>> -> memref<128xi32, #tpu.memory_space<vmem>>
        %dma_start3A_59 = arith.constant 0 : i32
        %dma_start3A_60 = arith.constant 0 : i32
        %dma_start3A_61 = tpu.memref_slice %arg11[%dma_start3A_59, %dma_start3A_60] : memref<10016x128xf32, #tpu.memory_space<vmem_shared>> -> memref<10016x128xf32, #tpu.memory_space<vmem_shared>>
        tpu.enqueue_indirect_dma source(%arg9 : memref<128x128xf32, #tpu.memory_space<vmem>>) target(%dma_start3A_61 : memref<10016x128xf32, #tpu.memory_space<vmem_shared>>) offsets(%dma_start3A_58 : memref<128xi32, #tpu.memory_space<vmem>>) semaphore(%run_scoped3A : memref<!tpu.dma_semaphore, #tpu.memory_space<semaphore_mem>>) {add = true}
        %dma_wait3A_62 = arith.constant 0 : i32
        %dma_wait3A_63 = tpu.memref_slice %arg8[%mul3A_30, %dma_wait3A_62] : memref<40x128xi32, #tpu.memory_space<vmem>> -> memref<1x128xi32, #tpu.memory_space<vmem>>
        %dma_wait3A_64 = tpu.memref_squeeze %dma_wait3A_63 : memref<1x128xi32, #tpu.memory_space<vmem>> -> memref<128xi32, #tpu.memory_space<vmem>>
        %dma_wait3A_65 = arith.constant 0 : i32
        %dma_wait3A_66 = arith.constant 0 : i32
        %dma_wait3A_67 = tpu.memref_slice %arg11[%dma_wait3A_65, %dma_wait3A_66] : memref<10016x128xf32, #tpu.memory_space<vmem_shared>> -> memref<10016x128xf32, #tpu.memory_space<vmem_shared>>
        tpu.wait_indirect_dma semaphore(%run_scoped3A : memref<!tpu.dma_semaphore, #tpu.memory_space<semaphore_mem>>) src(%arg9 : memref<128x128xf32, #tpu.memory_space<vmem>>) dst(%dma_wait3A_67 : memref<10016x128xf32, #tpu.memory_space<vmem_shared>>)
        tpu.yield
      }) : () -> ()
      %lt3A = arith.constant 19 : i32
      %lt3A_44 = arith.cmpi slt, %scan3A_28, %lt3A : i32
      %convert_element_type3A = arith.extui %lt3A_44 : i1 to i32
      %cond3A = arith.constant 0 : i32
      %cond3A_45 = arith.cmpi ne, %convert_element_type3A, %cond3A : i32
      scf.if %cond3A_45 {
        %add3A_56 = arith.constant 2 : i32
        %add3A_57 = arith.addi %mul3A_30, %add3A_56 : i32
        %dma_start3A_58 = arith.constant 0 : i32
        %dma_start3A_59 = tpu.memref_slice %arg7[%add3A_57, %dma_start3A_58] : memref<40x128xi32, #tpu.memory_space<vmem>> -> memref<1x128xi32, #tpu.memory_space<vmem>>
        %dma_start3A_60 = tpu.memref_squeeze %dma_start3A_59 : memref<1x128xi32, #tpu.memory_space<vmem>> -> memref<128xi32, #tpu.memory_space<vmem>>
        %dma_start3A_61 = arith.constant 0 : i32
        %dma_start3A_62 = arith.constant 0 : i32
        %dma_start3A_63 = tpu.memref_slice %arg2[%dma_start3A_61, %dma_start3A_62] : memref<10000x128xf32, #tpu.memory_space<hbm>> -> memref<10000x128xf32, #tpu.memory_space<hbm>>
        tpu.enqueue_indirect_dma source(%dma_start3A_63 : memref<10000x128xf32, #tpu.memory_space<hbm>>) target(%arg9 : memref<128x128xf32, #tpu.memory_space<vmem>>) offsets(%dma_start3A_60 : memref<128xi32, #tpu.memory_space<vmem>>) semaphore(%arg12 : memref<!tpu.dma_semaphore, #tpu.memory_space<semaphore_mem>>)
      } else {
      }
      %add3A_46 = arith.constant 1 : i32
      %add3A_47 = arith.addi %mul3A_30, %add3A_46 : i32
      %dma_wait3A_48 = arith.constant 0 : i32
      %dma_wait3A_49 = tpu.memref_slice %arg7[%add3A_47, %dma_wait3A_48] : memref<40x128xi32, #tpu.memory_space<vmem>> -> memref<1x128xi32, #tpu.memory_space<vmem>>
      %dma_wait3A_50 = tpu.memref_squeeze %dma_wait3A_49 : memref<1x128xi32, #tpu.memory_space<vmem>> -> memref<128xi32, #tpu.memory_space<vmem>>
      %dma_wait3A_51 = arith.constant 0 : i32
      %dma_wait3A_52 = arith.constant 0 : i32
      %dma_wait3A_53 = tpu.memref_slice %arg2[%dma_wait3A_51, %dma_wait3A_52] : memref<10000x128xf32, #tpu.memory_space<hbm>> -> memref<10000x128xf32, #tpu.memory_space<hbm>>
      tpu.wait_indirect_dma semaphore(%arg13 : memref<!tpu.dma_semaphore, #tpu.memory_space<semaphore_mem>>) src(%dma_wait3A_53 : memref<10000x128xf32, #tpu.memory_space<hbm>>) dst(%arg10 : memref<128x128xf32, #tpu.memory_space<vmem>>)
      %add3A_54 = arith.constant 1 : i32
      %add3A_55 = arith.addi %mul3A_30, %add3A_54 : i32
      "tpu.region"() ({
        %run_scoped3A = tpu.sem_alloc : memref<!tpu.dma_semaphore, #tpu.memory_space<semaphore_mem>>
        %dma_start3A_56 = arith.constant 0 : i32
        %dma_start3A_57 = tpu.memref_slice %arg8[%add3A_55, %dma_start3A_56] : memref<40x128xi32, #tpu.memory_space<vmem>> -> memref<1x128xi32, #tpu.memory_space<vmem>>
        %dma_start3A_58 = tpu.memref_squeeze %dma_start3A_57 : memref<1x128xi32, #tpu.memory_space<vmem>> -> memref<128xi32, #tpu.memory_space<vmem>>
        %dma_start3A_59 = arith.constant 0 : i32
        %dma_start3A_60 = arith.constant 0 : i32
        %dma_start3A_61 = tpu.memref_slice %arg11[%dma_start3A_59, %dma_start3A_60] : memref<10016x128xf32, #tpu.memory_space<vmem_shared>> -> memref<10016x128xf32, #tpu.memory_space<vmem_shared>>
        tpu.enqueue_indirect_dma source(%arg10 : memref<128x128xf32, #tpu.memory_space<vmem>>) target(%dma_start3A_61 : memref<10016x128xf32, #tpu.memory_space<vmem_shared>>) offsets(%dma_start3A_58 : memref<128xi32, #tpu.memory_space<vmem>>) semaphore(%run_scoped3A : memref<!tpu.dma_semaphore, #tpu.memory_space<semaphore_mem>>) {add = true}
        %dma_wait3A_62 = arith.constant 0 : i32
        %dma_wait3A_63 = tpu.memref_slice %arg8[%add3A_55, %dma_wait3A_62] : memref<40x128xi32, #tpu.memory_space<vmem>> -> memref<1x128xi32, #tpu.memory_space<vmem>>
        %dma_wait3A_64 = tpu.memref_squeeze %dma_wait3A_63 : memref<1x128xi32, #tpu.memory_space<vmem>> -> memref<128xi32, #tpu.memory_space<vmem>>
        %dma_wait3A_65 = arith.constant 0 : i32
        %dma_wait3A_66 = arith.constant 0 : i32
        %dma_wait3A_67 = tpu.memref_slice %arg11[%dma_wait3A_65, %dma_wait3A_66] : memref<10016x128xf32, #tpu.memory_space<vmem_shared>> -> memref<10016x128xf32, #tpu.memory_space<vmem_shared>>
        tpu.wait_indirect_dma semaphore(%run_scoped3A : memref<!tpu.dma_semaphore, #tpu.memory_space<semaphore_mem>>) src(%arg10 : memref<128x128xf32, #tpu.memory_space<vmem>>) dst(%dma_wait3A_67 : memref<10016x128xf32, #tpu.memory_space<vmem_shared>>)
        tpu.yield
      }) : () -> ()
    }
    %scan3A_26 = arith.constant 20 : i32
    %barrier3A_27 = arith.constant 0 : index
    tpu.barrier barrier_id(%barrier3A_27)
    "tpu.region"() ({
      %run_scoped3A = tpu.sem_alloc : memref<!tpu.dma_semaphore, #tpu.memory_space<semaphore_mem>>
      %dma_start3A_28 = arith.constant 0 : i32
      %dma_start3A_29 = tpu.memref_slice %arg6[%arg0, %mul3A_2, %dma_start3A_28] : memref<2x10016x128xf32, #tpu.memory_space<hbm>> -> memref<1x656x128xf32, #tpu.memory_space<hbm>>
      %dma_start3A_30 = tpu.memref_squeeze %dma_start3A_29 : memref<1x656x128xf32, #tpu.memory_space<hbm>> -> memref<656x128xf32, #tpu.memory_space<hbm>>
      %dma_start3A_31 = arith.constant 0 : i32
      %dma_start3A_32 = tpu.memref_slice %arg11[%mul3A_2, %dma_start3A_31] : memref<10016x128xf32, #tpu.memory_space<vmem_shared>> -> memref<656x128xf32, #tpu.memory_space<vmem_shared>>
      tpu.enqueue_dma source(%dma_start3A_32 : memref<656x128xf32, #tpu.memory_space<vmem_shared>>) target(%dma_start3A_30 : memref<656x128xf32, #tpu.memory_space<hbm>>) target_semaphore(%run_scoped3A : memref<!tpu.dma_semaphore, #tpu.memory_space<semaphore_mem>>)
      %dma_wait3A = arith.constant 0 : i32
      %dma_wait3A_33 = tpu.memref_slice %arg6[%arg0, %mul3A_2, %dma_wait3A] : memref<2x10016x128xf32, #tpu.memory_space<hbm>> -> memref<1x656x128xf32, #tpu.memory_space<hbm>>
      %dma_wait3A_34 = tpu.memref_squeeze %dma_wait3A_33 : memref<1x656x128xf32, #tpu.memory_space<hbm>> -> memref<656x128xf32, #tpu.memory_space<hbm>>
      %dma_wait3A_35 = arith.constant 0 : i32
      %dma_wait3A_36 = tpu.memref_slice %arg11[%mul3A_2, %dma_wait3A_35] : memref<10016x128xf32, #tpu.memory_space<vmem_shared>> -> memref<656x128xf32, #tpu.memory_space<vmem_shared>>
      tpu.wait_dma2 semaphore(%run_scoped3A : memref<!tpu.dma_semaphore, #tpu.memory_space<semaphore_mem>>) src(%dma_wait3A_36 : memref<656x128xf32, #tpu.memory_space<vmem_shared>>) dst(%dma_wait3A_34 : memref<656x128xf32, #tpu.memory_space<hbm>>)
      tpu.yield
    }) : () -> ()
    return
  }
}

#map = affine_map<(d0, d1) -> (0, 0, 0)>
#map1 = affine_map<(d0, d1) -> (0, 0)>
module attributes {stable_mosaic.version = 14 : i64} {
  func.func @_deg_kernel(%arg0: i32, %arg1: i32, %arg2: memref<32x80x128xi32, #tpu.memory_space<hbm>>, %arg3: memref<128x128xf32, #tpu.memory_space<hbm>>, %arg4: memref<656x128xf32, #tpu.memory_space<hbm>>, %arg5: memref<2x10016x128xf32, #tpu.memory_space<hbm>>, %arg6: memref<80x128xi32, #tpu.memory_space<vmem>>, %arg7: memref<128x128xf32, #tpu.memory_space<vmem>>, %arg8: memref<10016x128xf32, #tpu.memory_space<vmem_shared>>) attributes {dimension_semantics = [#tpu.dimension_semantics<core_parallel>, #tpu.dimension_semantics<subcore_parallel>], iteration_bounds = array<i64: 2, 16>, scalar_prefetch = 0 : i64, scratch_operands = 3 : i64, tpu.core_type = #tpu.core_type<sc_vector_subcore>, window_params = [{transform_indices = #map}, {transform_indices = #map1}, {transform_indices = #map1}, {transform_indices = #map}]} {
    %mul3A = arith.constant 16 : i32
    %mul3A_0 = arith.muli %arg0, %mul3A : i32
    %add3A = arith.addi %mul3A_0, %arg1 : i32
    %mul3A_1 = arith.constant 624 : i32
    %mul3A_2 = arith.muli %arg1, %mul3A_1 : i32
    "tpu.region"() ({
      %run_scoped3A = tpu.sem_alloc : memref<!tpu.dma_semaphore, #tpu.memory_space<semaphore_mem>>
      %dma_start3A = arith.constant 0 : i32
      %dma_start3A_9 = arith.constant 0 : i32
      %dma_start3A_10 = tpu.memref_slice %arg2[%add3A, %dma_start3A, %dma_start3A_9] : memref<32x80x128xi32, #tpu.memory_space<hbm>> -> memref<1x80x128xi32, #tpu.memory_space<hbm>>
      %dma_start3A_11 = tpu.memref_squeeze %dma_start3A_10 : memref<1x80x128xi32, #tpu.memory_space<hbm>> -> memref<80x128xi32, #tpu.memory_space<hbm>>
      %dma_start3A_12 = arith.constant 0 : i32
      %dma_start3A_13 = arith.constant 0 : i32
      %dma_start3A_14 = tpu.memref_slice %arg2[%add3A, %dma_start3A_12, %dma_start3A_13] : memref<32x80x128xi32, #tpu.memory_space<hbm>> -> memref<1x80x128xi32, #tpu.memory_space<hbm>>
      %dma_start3A_15 = tpu.memref_squeeze %dma_start3A_14 : memref<1x80x128xi32, #tpu.memory_space<hbm>> -> memref<80x128xi32, #tpu.memory_space<hbm>>
      tpu.enqueue_dma source(%dma_start3A_15 : memref<80x128xi32, #tpu.memory_space<hbm>>) target(%arg6 : memref<80x128xi32, #tpu.memory_space<vmem>>) target_semaphore(%run_scoped3A : memref<!tpu.dma_semaphore, #tpu.memory_space<semaphore_mem>>)
      %dma_wait3A = arith.constant 0 : i32
      %dma_wait3A_16 = arith.constant 0 : i32
      %dma_wait3A_17 = tpu.memref_slice %arg2[%add3A, %dma_wait3A, %dma_wait3A_16] : memref<32x80x128xi32, #tpu.memory_space<hbm>> -> memref<1x80x128xi32, #tpu.memory_space<hbm>>
      %dma_wait3A_18 = tpu.memref_squeeze %dma_wait3A_17 : memref<1x80x128xi32, #tpu.memory_space<hbm>> -> memref<80x128xi32, #tpu.memory_space<hbm>>
      %dma_wait3A_19 = arith.constant 0 : i32
      %dma_wait3A_20 = arith.constant 0 : i32
      %dma_wait3A_21 = tpu.memref_slice %arg2[%add3A, %dma_wait3A_19, %dma_wait3A_20] : memref<32x80x128xi32, #tpu.memory_space<hbm>> -> memref<1x80x128xi32, #tpu.memory_space<hbm>>
      %dma_wait3A_22 = tpu.memref_squeeze %dma_wait3A_21 : memref<1x80x128xi32, #tpu.memory_space<hbm>> -> memref<80x128xi32, #tpu.memory_space<hbm>>
      tpu.wait_dma2 semaphore(%run_scoped3A : memref<!tpu.dma_semaphore, #tpu.memory_space<semaphore_mem>>) src(%dma_wait3A_22 : memref<80x128xi32, #tpu.memory_space<hbm>>) dst(%arg6 : memref<80x128xi32, #tpu.memory_space<vmem>>)
      tpu.yield
    }) : () -> ()
    "tpu.region"() ({
      %run_scoped3A = tpu.sem_alloc : memref<!tpu.dma_semaphore, #tpu.memory_space<semaphore_mem>>
      tpu.enqueue_dma source(%arg3 : memref<128x128xf32, #tpu.memory_space<hbm>>) target(%arg7 : memref<128x128xf32, #tpu.memory_space<vmem>>) target_semaphore(%run_scoped3A : memref<!tpu.dma_semaphore, #tpu.memory_space<semaphore_mem>>)
      tpu.wait_dma2 semaphore(%run_scoped3A : memref<!tpu.dma_semaphore, #tpu.memory_space<semaphore_mem>>) src(%arg3 : memref<128x128xf32, #tpu.memory_space<hbm>>) dst(%arg7 : memref<128x128xf32, #tpu.memory_space<vmem>>)
      tpu.yield
    }) : () -> ()
    "tpu.region"() ({
      %run_scoped3A = tpu.sem_alloc : memref<!tpu.dma_semaphore, #tpu.memory_space<semaphore_mem>>
      %dma_start3A = arith.constant 0 : i32
      %dma_start3A_9 = tpu.memref_slice %arg8[%mul3A_2, %dma_start3A] : memref<10016x128xf32, #tpu.memory_space<vmem_shared>> -> memref<656x128xf32, #tpu.memory_space<vmem_shared>>
      tpu.enqueue_dma source(%arg4 : memref<656x128xf32, #tpu.memory_space<hbm>>) target(%dma_start3A_9 : memref<656x128xf32, #tpu.memory_space<vmem_shared>>) target_semaphore(%run_scoped3A : memref<!tpu.dma_semaphore, #tpu.memory_space<semaphore_mem>>)
      %dma_wait3A = arith.constant 0 : i32
      %dma_wait3A_10 = tpu.memref_slice %arg8[%mul3A_2, %dma_wait3A] : memref<10016x128xf32, #tpu.memory_space<vmem_shared>> -> memref<656x128xf32, #tpu.memory_space<vmem_shared>>
      tpu.wait_dma2 semaphore(%run_scoped3A : memref<!tpu.dma_semaphore, #tpu.memory_space<semaphore_mem>>) src(%arg4 : memref<656x128xf32, #tpu.memory_space<hbm>>) dst(%dma_wait3A_10 : memref<656x128xf32, #tpu.memory_space<vmem_shared>>)
      tpu.yield
    }) : () -> ()
    %barrier3A = arith.constant 0 : index
    tpu.barrier barrier_id(%barrier3A)
    %scan3A = arith.constant 0 : i32
    %scan3A_3 = arith.constant 0 : i32
    %scan3A_4 = arith.constant 80 : i32
    %scan3A_5 = arith.addi %scan3A_3, %scan3A_4 : i32
    %scan3A_6 = arith.constant 1 : i32
    scf.for %scan3A_9 = %scan3A_3 to %scan3A_5 step %scan3A_6  : i32 {
      "tpu.region"() ({
        %run_scoped3A = tpu.sem_alloc : memref<!tpu.dma_semaphore, #tpu.memory_space<semaphore_mem>>
        %dma_start3A = arith.constant 0 : i32
        %dma_start3A_10 = tpu.memref_slice %arg6[%scan3A_9, %dma_start3A] : memref<80x128xi32, #tpu.memory_space<vmem>> -> memref<1x128xi32, #tpu.memory_space<vmem>>
        %dma_start3A_11 = tpu.memref_squeeze %dma_start3A_10 : memref<1x128xi32, #tpu.memory_space<vmem>> -> memref<128xi32, #tpu.memory_space<vmem>>
        %dma_start3A_12 = arith.constant 0 : i32
        %dma_start3A_13 = arith.constant 0 : i32
        %dma_start3A_14 = tpu.memref_slice %arg8[%dma_start3A_12, %dma_start3A_13] : memref<10016x128xf32, #tpu.memory_space<vmem_shared>> -> memref<10016x128xf32, #tpu.memory_space<vmem_shared>>
        tpu.enqueue_indirect_dma source(%arg7 : memref<128x128xf32, #tpu.memory_space<vmem>>) target(%dma_start3A_14 : memref<10016x128xf32, #tpu.memory_space<vmem_shared>>) offsets(%dma_start3A_11 : memref<128xi32, #tpu.memory_space<vmem>>) semaphore(%run_scoped3A : memref<!tpu.dma_semaphore, #tpu.memory_space<semaphore_mem>>) {add = true}
        %dma_wait3A = arith.constant 0 : i32
        %dma_wait3A_15 = tpu.memref_slice %arg6[%scan3A_9, %dma_wait3A] : memref<80x128xi32, #tpu.memory_space<vmem>> -> memref<1x128xi32, #tpu.memory_space<vmem>>
        %dma_wait3A_16 = tpu.memref_squeeze %dma_wait3A_15 : memref<1x128xi32, #tpu.memory_space<vmem>> -> memref<128xi32, #tpu.memory_space<vmem>>
        %dma_wait3A_17 = arith.constant 0 : i32
        %dma_wait3A_18 = arith.constant 0 : i32
        %dma_wait3A_19 = tpu.memref_slice %arg8[%dma_wait3A_17, %dma_wait3A_18] : memref<10016x128xf32, #tpu.memory_space<vmem_shared>> -> memref<10016x128xf32, #tpu.memory_space<vmem_shared>>
        tpu.wait_indirect_dma semaphore(%run_scoped3A : memref<!tpu.dma_semaphore, #tpu.memory_space<semaphore_mem>>) src(%arg7 : memref<128x128xf32, #tpu.memory_space<vmem>>) dst(%dma_wait3A_19 : memref<10016x128xf32, #tpu.memory_space<vmem_shared>>)
        tpu.yield
      }) : () -> ()
    }
    %scan3A_7 = arith.constant 80 : i32
    %barrier3A_8 = arith.constant 0 : index
    tpu.barrier barrier_id(%barrier3A_8)
    "tpu.region"() ({
      %run_scoped3A = tpu.sem_alloc : memref<!tpu.dma_semaphore, #tpu.memory_space<semaphore_mem>>
      %dma_start3A = arith.constant 0 : i32
      %dma_start3A_9 = tpu.memref_slice %arg5[%arg0, %mul3A_2, %dma_start3A] : memref<2x10016x128xf32, #tpu.memory_space<hbm>> -> memref<1x656x128xf32, #tpu.memory_space<hbm>>
      %dma_start3A_10 = tpu.memref_squeeze %dma_start3A_9 : memref<1x656x128xf32, #tpu.memory_space<hbm>> -> memref<656x128xf32, #tpu.memory_space<hbm>>
      %dma_start3A_11 = arith.constant 0 : i32
      %dma_start3A_12 = tpu.memref_slice %arg8[%mul3A_2, %dma_start3A_11] : memref<10016x128xf32, #tpu.memory_space<vmem_shared>> -> memref<656x128xf32, #tpu.memory_space<vmem_shared>>
      tpu.enqueue_dma source(%dma_start3A_12 : memref<656x128xf32, #tpu.memory_space<vmem_shared>>) target(%dma_start3A_10 : memref<656x128xf32, #tpu.memory_space<hbm>>) target_semaphore(%run_scoped3A : memref<!tpu.dma_semaphore, #tpu.memory_space<semaphore_mem>>)
      %dma_wait3A = arith.constant 0 : i32
      %dma_wait3A_13 = tpu.memref_slice %arg5[%arg0, %mul3A_2, %dma_wait3A] : memref<2x10016x128xf32, #tpu.memory_space<hbm>> -> memref<1x656x128xf32, #tpu.memory_space<hbm>>
      %dma_wait3A_14 = tpu.memref_squeeze %dma_wait3A_13 : memref<1x656x128xf32, #tpu.memory_space<hbm>> -> memref<656x128xf32, #tpu.memory_space<hbm>>
      %dma_wait3A_15 = arith.constant 0 : i32
      %dma_wait3A_16 = tpu.memref_slice %arg8[%mul3A_2, %dma_wait3A_15] : memref<10016x128xf32, #tpu.memory_space<vmem_shared>> -> memref<656x128xf32, #tpu.memory_space<vmem_shared>>
      tpu.wait_dma2 semaphore(%run_scoped3A : memref<!tpu.dma_semaphore, #tpu.memory_space<semaphore_mem>>) src(%dma_wait3A_16 : memref<656x128xf32, #tpu.memory_space<vmem_shared>>) dst(%dma_wait3A_14 : memref<656x128xf32, #tpu.memory_space<hbm>>)
      tpu.yield
    }) : () -> ()
    return
  }
}

#map = affine_map<(d0, d1) -> (0, 0)>
#map1 = affine_map<(d0, d1) -> (0, 0, 0)>
module attributes {stable_mosaic.version = 14 : i64} {
  func.func @_gs_kernel(%arg0: i32, %arg1: i32, %arg2: memref<10000x128xf32, #tpu.memory_space<hbm>>, %arg3: memref<32x80x128xi32, #tpu.memory_space<hbm>>, %arg4: memref<32x80x128xi32, #tpu.memory_space<hbm>>, %arg5: memref<656x128xf32, #tpu.memory_space<hbm>>, %arg6: memref<2x10016x128xf32, #tpu.memory_space<hbm>>, %arg7: memref<40x128xi32, #tpu.memory_space<vmem>>, %arg8: memref<40x128xi32, #tpu.memory_space<vmem>>, %arg9: memref<128x128xf32, #tpu.memory_space<vmem>>, %arg10: memref<128x128xf32, #tpu.memory_space<vmem>>, %arg11: memref<10016x128xf32, #tpu.memory_space<vmem_shared>>, %arg12: memref<!tpu.dma_semaphore, #tpu.memory_space<semaphore_mem>>, %arg13: memref<!tpu.dma_semaphore, #tpu.memory_space<semaphore_mem>>) attributes {dimension_semantics = [#tpu.dimension_semantics<core_parallel>, #tpu.dimension_semantics<subcore_parallel>], iteration_bounds = array<i64: 2, 16>, scalar_prefetch = 0 : i64, scratch_operands = 7 : i64, tpu.core_type = #tpu.core_type<sc_vector_subcore>, window_params = [{transform_indices = #map}, {transform_indices = #map1}, {transform_indices = #map1}, {transform_indices = #map}, {transform_indices = #map1}]} {
    %mul3A = arith.constant 16 : i32
    %mul3A_0 = arith.muli %arg0, %mul3A : i32
    %add3A = arith.addi %mul3A_0, %arg1 : i32
    %mul3A_1 = arith.constant 624 : i32
    %mul3A_2 = arith.muli %arg1, %mul3A_1 : i32
    "tpu.region"() ({
      %run_scoped3A = tpu.sem_alloc : memref<!tpu.dma_semaphore, #tpu.memory_space<semaphore_mem>>
      %dma_start3A_28 = arith.constant 0 : i32
      %dma_start3A_29 = arith.constant 0 : i32
      %dma_start3A_30 = tpu.memref_slice %arg3[%add3A, %dma_start3A_28, %dma_start3A_29] : memref<32x80x128xi32, #tpu.memory_space<hbm>> -> memref<1x40x128xi32, #tpu.memory_space<hbm>>
      %dma_start3A_31 = tpu.memref_squeeze %dma_start3A_30 : memref<1x40x128xi32, #tpu.memory_space<hbm>> -> memref<40x128xi32, #tpu.memory_space<hbm>>
      %dma_start3A_32 = arith.constant 0 : i32
      %dma_start3A_33 = arith.constant 0 : i32
      %dma_start3A_34 = tpu.memref_slice %arg3[%add3A, %dma_start3A_32, %dma_start3A_33] : memref<32x80x128xi32, #tpu.memory_space<hbm>> -> memref<1x40x128xi32, #tpu.memory_space<hbm>>
      %dma_start3A_35 = tpu.memref_squeeze %dma_start3A_34 : memref<1x40x128xi32, #tpu.memory_space<hbm>> -> memref<40x128xi32, #tpu.memory_space<hbm>>
      tpu.enqueue_dma source(%dma_start3A_35 : memref<40x128xi32, #tpu.memory_space<hbm>>) target(%arg7 : memref<40x128xi32, #tpu.memory_space<vmem>>) target_semaphore(%run_scoped3A : memref<!tpu.dma_semaphore, #tpu.memory_space<semaphore_mem>>)
      %dma_wait3A = arith.constant 0 : i32
      %dma_wait3A_36 = arith.constant 0 : i32
      %dma_wait3A_37 = tpu.memref_slice %arg3[%add3A, %dma_wait3A, %dma_wait3A_36] : memref<32x80x128xi32, #tpu.memory_space<hbm>> -> memref<1x40x128xi32, #tpu.memory_space<hbm>>
      %dma_wait3A_38 = tpu.memref_squeeze %dma_wait3A_37 : memref<1x40x128xi32, #tpu.memory_space<hbm>> -> memref<40x128xi32, #tpu.memory_space<hbm>>
      %dma_wait3A_39 = arith.constant 0 : i32
      %dma_wait3A_40 = arith.constant 0 : i32
      %dma_wait3A_41 = tpu.memref_slice %arg3[%add3A, %dma_wait3A_39, %dma_wait3A_40] : memref<32x80x128xi32, #tpu.memory_space<hbm>> -> memref<1x40x128xi32, #tpu.memory_space<hbm>>
      %dma_wait3A_42 = tpu.memref_squeeze %dma_wait3A_41 : memref<1x40x128xi32, #tpu.memory_space<hbm>> -> memref<40x128xi32, #tpu.memory_space<hbm>>
      tpu.wait_dma2 semaphore(%run_scoped3A : memref<!tpu.dma_semaphore, #tpu.memory_space<semaphore_mem>>) src(%dma_wait3A_42 : memref<40x128xi32, #tpu.memory_space<hbm>>) dst(%arg7 : memref<40x128xi32, #tpu.memory_space<vmem>>)
      tpu.yield
    }) : () -> ()
    "tpu.region"() ({
      %run_scoped3A = tpu.sem_alloc : memref<!tpu.dma_semaphore, #tpu.memory_space<semaphore_mem>>
      %dma_start3A_28 = arith.constant 0 : i32
      %dma_start3A_29 = arith.constant 0 : i32
      %dma_start3A_30 = tpu.memref_slice %arg4[%add3A, %dma_start3A_28, %dma_start3A_29] : memref<32x80x128xi32, #tpu.memory_space<hbm>> -> memref<1x40x128xi32, #tpu.memory_space<hbm>>
      %dma_start3A_31 = tpu.memref_squeeze %dma_start3A_30 : memref<1x40x128xi32, #tpu.memory_space<hbm>> -> memref<40x128xi32, #tpu.memory_space<hbm>>
      %dma_start3A_32 = arith.constant 0 : i32
      %dma_start3A_33 = arith.constant 0 : i32
      %dma_start3A_34 = tpu.memref_slice %arg4[%add3A, %dma_start3A_32, %dma_start3A_33] : memref<32x80x128xi32, #tpu.memory_space<hbm>> -> memref<1x40x128xi32, #tpu.memory_space<hbm>>
      %dma_start3A_35 = tpu.memref_squeeze %dma_start3A_34 : memref<1x40x128xi32, #tpu.memory_space<hbm>> -> memref<40x128xi32, #tpu.memory_space<hbm>>
      tpu.enqueue_dma source(%dma_start3A_35 : memref<40x128xi32, #tpu.memory_space<hbm>>) target(%arg8 : memref<40x128xi32, #tpu.memory_space<vmem>>) target_semaphore(%run_scoped3A : memref<!tpu.dma_semaphore, #tpu.memory_space<semaphore_mem>>)
      %dma_wait3A = arith.constant 0 : i32
      %dma_wait3A_36 = arith.constant 0 : i32
      %dma_wait3A_37 = tpu.memref_slice %arg4[%add3A, %dma_wait3A, %dma_wait3A_36] : memref<32x80x128xi32, #tpu.memory_space<hbm>> -> memref<1x40x128xi32, #tpu.memory_space<hbm>>
      %dma_wait3A_38 = tpu.memref_squeeze %dma_wait3A_37 : memref<1x40x128xi32, #tpu.memory_space<hbm>> -> memref<40x128xi32, #tpu.memory_space<hbm>>
      %dma_wait3A_39 = arith.constant 0 : i32
      %dma_wait3A_40 = arith.constant 0 : i32
      %dma_wait3A_41 = tpu.memref_slice %arg4[%add3A, %dma_wait3A_39, %dma_wait3A_40] : memref<32x80x128xi32, #tpu.memory_space<hbm>> -> memref<1x40x128xi32, #tpu.memory_space<hbm>>
      %dma_wait3A_42 = tpu.memref_squeeze %dma_wait3A_41 : memref<1x40x128xi32, #tpu.memory_space<hbm>> -> memref<40x128xi32, #tpu.memory_space<hbm>>
      tpu.wait_dma2 semaphore(%run_scoped3A : memref<!tpu.dma_semaphore, #tpu.memory_space<semaphore_mem>>) src(%dma_wait3A_42 : memref<40x128xi32, #tpu.memory_space<hbm>>) dst(%arg8 : memref<40x128xi32, #tpu.memory_space<vmem>>)
      tpu.yield
    }) : () -> ()
    %dma_start3A = arith.constant 0 : i32
    %dma_start3A_3 = arith.constant 0 : i32
    %dma_start3A_4 = tpu.memref_slice %arg7[%dma_start3A, %dma_start3A_3] : memref<40x128xi32, #tpu.memory_space<vmem>> -> memref<1x128xi32, #tpu.memory_space<vmem>>
    %dma_start3A_5 = tpu.memref_squeeze %dma_start3A_4 : memref<1x128xi32, #tpu.memory_space<vmem>> -> memref<128xi32, #tpu.memory_space<vmem>>
    %dma_start3A_6 = arith.constant 0 : i32
    %dma_start3A_7 = arith.constant 0 : i32
    %dma_start3A_8 = tpu.memref_slice %arg2[%dma_start3A_6, %dma_start3A_7] : memref<10000x128xf32, #tpu.memory_space<hbm>> -> memref<10000x128xf32, #tpu.memory_space<hbm>>
    tpu.enqueue_indirect_dma source(%dma_start3A_8 : memref<10000x128xf32, #tpu.memory_space<hbm>>) target(%arg9 : memref<128x128xf32, #tpu.memory_space<vmem>>) offsets(%dma_start3A_5 : memref<128xi32, #tpu.memory_space<vmem>>) semaphore(%arg12 : memref<!tpu.dma_semaphore, #tpu.memory_space<semaphore_mem>>)
    "tpu.region"() ({
      %run_scoped3A = tpu.sem_alloc : memref<!tpu.dma_semaphore, #tpu.memory_space<semaphore_mem>>
      %dma_start3A_28 = arith.constant 0 : i32
      %dma_start3A_29 = tpu.memref_slice %arg11[%mul3A_2, %dma_start3A_28] : memref<10016x128xf32, #tpu.memory_space<vmem_shared>> -> memref<656x128xf32, #tpu.memory_space<vmem_shared>>
      tpu.enqueue_dma source(%arg5 : memref<656x128xf32, #tpu.memory_space<hbm>>) target(%dma_start3A_29 : memref<656x128xf32, #tpu.memory_space<vmem_shared>>) target_semaphore(%run_scoped3A : memref<!tpu.dma_semaphore, #tpu.memory_space<semaphore_mem>>)
      %dma_wait3A = arith.constant 0 : i32
      %dma_wait3A_30 = tpu.memref_slice %arg11[%mul3A_2, %dma_wait3A] : memref<10016x128xf32, #tpu.memory_space<vmem_shared>> -> memref<656x128xf32, #tpu.memory_space<vmem_shared>>
      tpu.wait_dma2 semaphore(%run_scoped3A : memref<!tpu.dma_semaphore, #tpu.memory_space<semaphore_mem>>) src(%arg5 : memref<656x128xf32, #tpu.memory_space<hbm>>) dst(%dma_wait3A_30 : memref<656x128xf32, #tpu.memory_space<vmem_shared>>)
      tpu.yield
    }) : () -> ()
    %barrier3A = arith.constant 0 : index
    tpu.barrier barrier_id(%barrier3A)
    %scan3A = arith.constant 0 : i32
    %scan3A_9 = arith.constant 0 : i32
    %scan3A_10 = arith.constant 20 : i32
    %scan3A_11 = arith.addi %scan3A_9, %scan3A_10 : i32
    %scan3A_12 = arith.constant 1 : i32
    scf.for %scan3A_28 = %scan3A_9 to %scan3A_11 step %scan3A_12  : i32 {
      %mul3A_29 = arith.constant 2 : i32
      %mul3A_30 = arith.muli %scan3A_28, %mul3A_29 : i32
      %add3A_31 = arith.constant 1 : i32
      %add3A_32 = arith.addi %mul3A_30, %add3A_31 : i32
      %dma_start3A_33 = arith.constant 0 : i32
      %dma_start3A_34 = tpu.memref_slice %arg7[%add3A_32, %dma_start3A_33] : memref<40x128xi32, #tpu.memory_space<vmem>> -> memref<1x128xi32, #tpu.memory_space<vmem>>
      %dma_start3A_35 = tpu.memref_squeeze %dma_start3A_34 : memref<1x128xi32, #tpu.memory_space<vmem>> -> memref<128xi32, #tpu.memory_space<vmem>>
      %dma_start3A_36 = arith.constant 0 : i32
      %dma_start3A_37 = arith.constant 0 : i32
      %dma_start3A_38 = tpu.memref_slice %arg2[%dma_start3A_36, %dma_start3A_37] : memref<10000x128xf32, #tpu.memory_space<hbm>> -> memref<10000x128xf32, #tpu.memory_space<hbm>>
      tpu.enqueue_indirect_dma source(%dma_start3A_38 : memref<10000x128xf32, #tpu.memory_space<hbm>>) target(%arg10 : memref<128x128xf32, #tpu.memory_space<vmem>>) offsets(%dma_start3A_35 : memref<128xi32, #tpu.memory_space<vmem>>) semaphore(%arg13 : memref<!tpu.dma_semaphore, #tpu.memory_space<semaphore_mem>>)
      %dma_wait3A = arith.constant 0 : i32
      %dma_wait3A_39 = tpu.memref_slice %arg7[%mul3A_30, %dma_wait3A] : memref<40x128xi32, #tpu.memory_space<vmem>> -> memref<1x128xi32, #tpu.memory_space<vmem>>
      %dma_wait3A_40 = tpu.memref_squeeze %dma_wait3A_39 : memref<1x128xi32, #tpu.memory_space<vmem>> -> memref<128xi32, #tpu.memory_space<vmem>>
      %dma_wait3A_41 = arith.constant 0 : i32
      %dma_wait3A_42 = arith.constant 0 : i32
      %dma_wait3A_43 = tpu.memref_slice %arg2[%dma_wait3A_41, %dma_wait3A_42] : memref<10000x128xf32, #tpu.memory_space<hbm>> -> memref<10000x128xf32, #tpu.memory_space<hbm>>
      tpu.wait_indirect_dma semaphore(%arg12 : memref<!tpu.dma_semaphore, #tpu.memory_space<semaphore_mem>>) src(%dma_wait3A_43 : memref<10000x128xf32, #tpu.memory_space<hbm>>) dst(%arg9 : memref<128x128xf32, #tpu.memory_space<vmem>>)
      "tpu.region"() ({
        %run_scoped3A = tpu.sem_alloc : memref<!tpu.dma_semaphore, #tpu.memory_space<semaphore_mem>>
        %dma_start3A_56 = arith.constant 0 : i32
        %dma_start3A_57 = tpu.memref_slice %arg8[%mul3A_30, %dma_start3A_56] : memref<40x128xi32, #tpu.memory_space<vmem>> -> memref<1x128xi32, #tpu.memory_space<vmem>>
        %dma_start3A_58 = tpu.memref_squeeze %dma_start3A_57 : memref<1x128xi32, #tpu.memory_space<vmem>> -> memref<128xi32, #tpu.memory_space<vmem>>
        %dma_start3A_59 = arith.constant 0 : i32
        %dma_start3A_60 = arith.constant 0 : i32
        %dma_start3A_61 = tpu.memref_slice %arg11[%dma_start3A_59, %dma_start3A_60] : memref<10016x128xf32, #tpu.memory_space<vmem_shared>> -> memref<10016x128xf32, #tpu.memory_space<vmem_shared>>
        tpu.enqueue_indirect_dma source(%arg9 : memref<128x128xf32, #tpu.memory_space<vmem>>) target(%dma_start3A_61 : memref<10016x128xf32, #tpu.memory_space<vmem_shared>>) offsets(%dma_start3A_58 : memref<128xi32, #tpu.memory_space<vmem>>) semaphore(%run_scoped3A : memref<!tpu.dma_semaphore, #tpu.memory_space<semaphore_mem>>) {add = true}
        %dma_wait3A_62 = arith.constant 0 : i32
        %dma_wait3A_63 = tpu.memref_slice %arg8[%mul3A_30, %dma_wait3A_62] : memref<40x128xi32, #tpu.memory_space<vmem>> -> memref<1x128xi32, #tpu.memory_space<vmem>>
        %dma_wait3A_64 = tpu.memref_squeeze %dma_wait3A_63 : memref<1x128xi32, #tpu.memory_space<vmem>> -> memref<128xi32, #tpu.memory_space<vmem>>
        %dma_wait3A_65 = arith.constant 0 : i32
        %dma_wait3A_66 = arith.constant 0 : i32
        %dma_wait3A_67 = tpu.memref_slice %arg11[%dma_wait3A_65, %dma_wait3A_66] : memref<10016x128xf32, #tpu.memory_space<vmem_shared>> -> memref<10016x128xf32, #tpu.memory_space<vmem_shared>>
        tpu.wait_indirect_dma semaphore(%run_scoped3A : memref<!tpu.dma_semaphore, #tpu.memory_space<semaphore_mem>>) src(%arg9 : memref<128x128xf32, #tpu.memory_space<vmem>>) dst(%dma_wait3A_67 : memref<10016x128xf32, #tpu.memory_space<vmem_shared>>)
        tpu.yield
      }) : () -> ()
      %lt3A = arith.constant 19 : i32
      %lt3A_44 = arith.cmpi slt, %scan3A_28, %lt3A : i32
      %convert_element_type3A = arith.extui %lt3A_44 : i1 to i32
      %cond3A = arith.constant 0 : i32
      %cond3A_45 = arith.cmpi ne, %convert_element_type3A, %cond3A : i32
      scf.if %cond3A_45 {
        %add3A_56 = arith.constant 2 : i32
        %add3A_57 = arith.addi %mul3A_30, %add3A_56 : i32
        %dma_start3A_58 = arith.constant 0 : i32
        %dma_start3A_59 = tpu.memref_slice %arg7[%add3A_57, %dma_start3A_58] : memref<40x128xi32, #tpu.memory_space<vmem>> -> memref<1x128xi32, #tpu.memory_space<vmem>>
        %dma_start3A_60 = tpu.memref_squeeze %dma_start3A_59 : memref<1x128xi32, #tpu.memory_space<vmem>> -> memref<128xi32, #tpu.memory_space<vmem>>
        %dma_start3A_61 = arith.constant 0 : i32
        %dma_start3A_62 = arith.constant 0 : i32
        %dma_start3A_63 = tpu.memref_slice %arg2[%dma_start3A_61, %dma_start3A_62] : memref<10000x128xf32, #tpu.memory_space<hbm>> -> memref<10000x128xf32, #tpu.memory_space<hbm>>
        tpu.enqueue_indirect_dma source(%dma_start3A_63 : memref<10000x128xf32, #tpu.memory_space<hbm>>) target(%arg9 : memref<128x128xf32, #tpu.memory_space<vmem>>) offsets(%dma_start3A_60 : memref<128xi32, #tpu.memory_space<vmem>>) semaphore(%arg12 : memref<!tpu.dma_semaphore, #tpu.memory_space<semaphore_mem>>)
      } else {
      }
      %add3A_46 = arith.constant 1 : i32
      %add3A_47 = arith.addi %mul3A_30, %add3A_46 : i32
      %dma_wait3A_48 = arith.constant 0 : i32
      %dma_wait3A_49 = tpu.memref_slice %arg7[%add3A_47, %dma_wait3A_48] : memref<40x128xi32, #tpu.memory_space<vmem>> -> memref<1x128xi32, #tpu.memory_space<vmem>>
      %dma_wait3A_50 = tpu.memref_squeeze %dma_wait3A_49 : memref<1x128xi32, #tpu.memory_space<vmem>> -> memref<128xi32, #tpu.memory_space<vmem>>
      %dma_wait3A_51 = arith.constant 0 : i32
      %dma_wait3A_52 = arith.constant 0 : i32
      %dma_wait3A_53 = tpu.memref_slice %arg2[%dma_wait3A_51, %dma_wait3A_52] : memref<10000x128xf32, #tpu.memory_space<hbm>> -> memref<10000x128xf32, #tpu.memory_space<hbm>>
      tpu.wait_indirect_dma semaphore(%arg13 : memref<!tpu.dma_semaphore, #tpu.memory_space<semaphore_mem>>) src(%dma_wait3A_53 : memref<10000x128xf32, #tpu.memory_space<hbm>>) dst(%arg10 : memref<128x128xf32, #tpu.memory_space<vmem>>)
      %add3A_54 = arith.constant 1 : i32
      %add3A_55 = arith.addi %mul3A_30, %add3A_54 : i32
      "tpu.region"() ({
        %run_scoped3A = tpu.sem_alloc : memref<!tpu.dma_semaphore, #tpu.memory_space<semaphore_mem>>
        %dma_start3A_56 = arith.constant 0 : i32
        %dma_start3A_57 = tpu.memref_slice %arg8[%add3A_55, %dma_start3A_56] : memref<40x128xi32, #tpu.memory_space<vmem>> -> memref<1x128xi32, #tpu.memory_space<vmem>>
        %dma_start3A_58 = tpu.memref_squeeze %dma_start3A_57 : memref<1x128xi32, #tpu.memory_space<vmem>> -> memref<128xi32, #tpu.memory_space<vmem>>
        %dma_start3A_59 = arith.constant 0 : i32
        %dma_start3A_60 = arith.constant 0 : i32
        %dma_start3A_61 = tpu.memref_slice %arg11[%dma_start3A_59, %dma_start3A_60] : memref<10016x128xf32, #tpu.memory_space<vmem_shared>> -> memref<10016x128xf32, #tpu.memory_space<vmem_shared>>
        tpu.enqueue_indirect_dma source(%arg10 : memref<128x128xf32, #tpu.memory_space<vmem>>) target(%dma_start3A_61 : memref<10016x128xf32, #tpu.memory_space<vmem_shared>>) offsets(%dma_start3A_58 : memref<128xi32, #tpu.memory_space<vmem>>) semaphore(%run_scoped3A : memref<!tpu.dma_semaphore, #tpu.memory_space<semaphore_mem>>) {add = true}
        %dma_wait3A_62 = arith.constant 0 : i32
        %dma_wait3A_63 = tpu.memref_slice %arg8[%add3A_55, %dma_wait3A_62] : memref<40x128xi32, #tpu.memory_space<vmem>> -> memref<1x128xi32, #tpu.memory_space<vmem>>
        %dma_wait3A_64 = tpu.memref_squeeze %dma_wait3A_63 : memref<1x128xi32, #tpu.memory_space<vmem>> -> memref<128xi32, #tpu.memory_space<vmem>>
        %dma_wait3A_65 = arith.constant 0 : i32
        %dma_wait3A_66 = arith.constant 0 : i32
        %dma_wait3A_67 = tpu.memref_slice %arg11[%dma_wait3A_65, %dma_wait3A_66] : memref<10016x128xf32, #tpu.memory_space<vmem_shared>> -> memref<10016x128xf32, #tpu.memory_space<vmem_shared>>
        tpu.wait_indirect_dma semaphore(%run_scoped3A : memref<!tpu.dma_semaphore, #tpu.memory_space<semaphore_mem>>) src(%arg10 : memref<128x128xf32, #tpu.memory_space<vmem>>) dst(%dma_wait3A_67 : memref<10016x128xf32, #tpu.memory_space<vmem_shared>>)
        tpu.yield
      }) : () -> ()
    }
    %scan3A_13 = arith.constant 20 : i32
    "tpu.region"() ({
      %run_scoped3A = tpu.sem_alloc : memref<!tpu.dma_semaphore, #tpu.memory_space<semaphore_mem>>
      %dma_start3A_28 = arith.constant 40 : i32
      %dma_start3A_29 = arith.constant 0 : i32
      %dma_start3A_30 = tpu.memref_slice %arg3[%add3A, %dma_start3A_28, %dma_start3A_29] : memref<32x80x128xi32, #tpu.memory_space<hbm>> -> memref<1x40x128xi32, #tpu.memory_space<hbm>>
      %dma_start3A_31 = tpu.memref_squeeze %dma_start3A_30 : memref<1x40x128xi32, #tpu.memory_space<hbm>> -> memref<40x128xi32, #tpu.memory_space<hbm>>
      %dma_start3A_32 = arith.constant 40 : i32
      %dma_start3A_33 = arith.constant 0 : i32
      %dma_start3A_34 = tpu.memref_slice %arg3[%add3A, %dma_start3A_32, %dma_start3A_33] : memref<32x80x128xi32, #tpu.memory_space<hbm>> -> memref<1x40x128xi32, #tpu.memory_space<hbm>>
      %dma_start3A_35 = tpu.memref_squeeze %dma_start3A_34 : memref<1x40x128xi32, #tpu.memory_space<hbm>> -> memref<40x128xi32, #tpu.memory_space<hbm>>
      tpu.enqueue_dma source(%dma_start3A_35 : memref<40x128xi32, #tpu.memory_space<hbm>>) target(%arg7 : memref<40x128xi32, #tpu.memory_space<vmem>>) target_semaphore(%run_scoped3A : memref<!tpu.dma_semaphore, #tpu.memory_space<semaphore_mem>>)
      %dma_wait3A = arith.constant 40 : i32
      %dma_wait3A_36 = arith.constant 0 : i32
      %dma_wait3A_37 = tpu.memref_slice %arg3[%add3A, %dma_wait3A, %dma_wait3A_36] : memref<32x80x128xi32, #tpu.memory_space<hbm>> -> memref<1x40x128xi32, #tpu.memory_space<hbm>>
      %dma_wait3A_38 = tpu.memref_squeeze %dma_wait3A_37 : memref<1x40x128xi32, #tpu.memory_space<hbm>> -> memref<40x128xi32, #tpu.memory_space<hbm>>
      %dma_wait3A_39 = arith.constant 40 : i32
      %dma_wait3A_40 = arith.constant 0 : i32
      %dma_wait3A_41 = tpu.memref_slice %arg3[%add3A, %dma_wait3A_39, %dma_wait3A_40] : memref<32x80x128xi32, #tpu.memory_space<hbm>> -> memref<1x40x128xi32, #tpu.memory_space<hbm>>
      %dma_wait3A_42 = tpu.memref_squeeze %dma_wait3A_41 : memref<1x40x128xi32, #tpu.memory_space<hbm>> -> memref<40x128xi32, #tpu.memory_space<hbm>>
      tpu.wait_dma2 semaphore(%run_scoped3A : memref<!tpu.dma_semaphore, #tpu.memory_space<semaphore_mem>>) src(%dma_wait3A_42 : memref<40x128xi32, #tpu.memory_space<hbm>>) dst(%arg7 : memref<40x128xi32, #tpu.memory_space<vmem>>)
      tpu.yield
    }) : () -> ()
    "tpu.region"() ({
      %run_scoped3A = tpu.sem_alloc : memref<!tpu.dma_semaphore, #tpu.memory_space<semaphore_mem>>
      %dma_start3A_28 = arith.constant 40 : i32
      %dma_start3A_29 = arith.constant 0 : i32
      %dma_start3A_30 = tpu.memref_slice %arg4[%add3A, %dma_start3A_28, %dma_start3A_29] : memref<32x80x128xi32, #tpu.memory_space<hbm>> -> memref<1x40x128xi32, #tpu.memory_space<hbm>>
      %dma_start3A_31 = tpu.memref_squeeze %dma_start3A_30 : memref<1x40x128xi32, #tpu.memory_space<hbm>> -> memref<40x128xi32, #tpu.memory_space<hbm>>
      %dma_start3A_32 = arith.constant 40 : i32
      %dma_start3A_33 = arith.constant 0 : i32
      %dma_start3A_34 = tpu.memref_slice %arg4[%add3A, %dma_start3A_32, %dma_start3A_33] : memref<32x80x128xi32, #tpu.memory_space<hbm>> -> memref<1x40x128xi32, #tpu.memory_space<hbm>>
      %dma_start3A_35 = tpu.memref_squeeze %dma_start3A_34 : memref<1x40x128xi32, #tpu.memory_space<hbm>> -> memref<40x128xi32, #tpu.memory_space<hbm>>
      tpu.enqueue_dma source(%dma_start3A_35 : memref<40x128xi32, #tpu.memory_space<hbm>>) target(%arg8 : memref<40x128xi32, #tpu.memory_space<vmem>>) target_semaphore(%run_scoped3A : memref<!tpu.dma_semaphore, #tpu.memory_space<semaphore_mem>>)
      %dma_wait3A = arith.constant 40 : i32
      %dma_wait3A_36 = arith.constant 0 : i32
      %dma_wait3A_37 = tpu.memref_slice %arg4[%add3A, %dma_wait3A, %dma_wait3A_36] : memref<32x80x128xi32, #tpu.memory_space<hbm>> -> memref<1x40x128xi32, #tpu.memory_space<hbm>>
      %dma_wait3A_38 = tpu.memref_squeeze %dma_wait3A_37 : memref<1x40x128xi32, #tpu.memory_space<hbm>> -> memref<40x128xi32, #tpu.memory_space<hbm>>
      %dma_wait3A_39 = arith.constant 40 : i32
      %dma_wait3A_40 = arith.constant 0 : i32
      %dma_wait3A_41 = tpu.memref_slice %arg4[%add3A, %dma_wait3A_39, %dma_wait3A_40] : memref<32x80x128xi32, #tpu.memory_space<hbm>> -> memref<1x40x128xi32, #tpu.memory_space<hbm>>
      %dma_wait3A_42 = tpu.memref_squeeze %dma_wait3A_41 : memref<1x40x128xi32, #tpu.memory_space<hbm>> -> memref<40x128xi32, #tpu.memory_space<hbm>>
      tpu.wait_dma2 semaphore(%run_scoped3A : memref<!tpu.dma_semaphore, #tpu.memory_space<semaphore_mem>>) src(%dma_wait3A_42 : memref<40x128xi32, #tpu.memory_space<hbm>>) dst(%arg8 : memref<40x128xi32, #tpu.memory_space<vmem>>)
      tpu.yield
    }) : () -> ()
    %dma_start3A_14 = arith.constant 0 : i32
    %dma_start3A_15 = arith.constant 0 : i32
    %dma_start3A_16 = tpu.memref_slice %arg7[%dma_start3A_14, %dma_start3A_15] : memref<40x128xi32, #tpu.memory_space<vmem>> -> memref<1x128xi32, #tpu.memory_space<vmem>>
    %dma_start3A_17 = tpu.memref_squeeze %dma_start3A_16 : memref<1x128xi32, #tpu.memory_space<vmem>> -> memref<128xi32, #tpu.memory_space<vmem>>
    %dma_start3A_18 = arith.constant 0 : i32
    %dma_start3A_19 = arith.constant 0 : i32
    %dma_start3A_20 = tpu.memref_slice %arg2[%dma_start3A_18, %dma_start3A_19] : memref<10000x128xf32, #tpu.memory_space<hbm>> -> memref<10000x128xf32, #tpu.memory_space<hbm>>
    tpu.enqueue_indirect_dma source(%dma_start3A_20 : memref<10000x128xf32, #tpu.memory_space<hbm>>) target(%arg9 : memref<128x128xf32, #tpu.memory_space<vmem>>) offsets(%dma_start3A_17 : memref<128xi32, #tpu.memory_space<vmem>>) semaphore(%arg12 : memref<!tpu.dma_semaphore, #tpu.memory_space<semaphore_mem>>)
    %scan3A_21 = arith.constant 0 : i32
    %scan3A_22 = arith.constant 0 : i32
    %scan3A_23 = arith.constant 20 : i32
    %scan3A_24 = arith.addi %scan3A_22, %scan3A_23 : i32
    %scan3A_25 = arith.constant 1 : i32
    scf.for %scan3A_28 = %scan3A_22 to %scan3A_24 step %scan3A_25  : i32 {
      %mul3A_29 = arith.constant 2 : i32
      %mul3A_30 = arith.muli %scan3A_28, %mul3A_29 : i32
      %add3A_31 = arith.constant 1 : i32
      %add3A_32 = arith.addi %mul3A_30, %add3A_31 : i32
      %dma_start3A_33 = arith.constant 0 : i32
      %dma_start3A_34 = tpu.memref_slice %arg7[%add3A_32, %dma_start3A_33] : memref<40x128xi32, #tpu.memory_space<vmem>> -> memref<1x128xi32, #tpu.memory_space<vmem>>
      %dma_start3A_35 = tpu.memref_squeeze %dma_start3A_34 : memref<1x128xi32, #tpu.memory_space<vmem>> -> memref<128xi32, #tpu.memory_space<vmem>>
      %dma_start3A_36 = arith.constant 0 : i32
      %dma_start3A_37 = arith.constant 0 : i32
      %dma_start3A_38 = tpu.memref_slice %arg2[%dma_start3A_36, %dma_start3A_37] : memref<10000x128xf32, #tpu.memory_space<hbm>> -> memref<10000x128xf32, #tpu.memory_space<hbm>>
      tpu.enqueue_indirect_dma source(%dma_start3A_38 : memref<10000x128xf32, #tpu.memory_space<hbm>>) target(%arg10 : memref<128x128xf32, #tpu.memory_space<vmem>>) offsets(%dma_start3A_35 : memref<128xi32, #tpu.memory_space<vmem>>) semaphore(%arg13 : memref<!tpu.dma_semaphore, #tpu.memory_space<semaphore_mem>>)
      %dma_wait3A = arith.constant 0 : i32
      %dma_wait3A_39 = tpu.memref_slice %arg7[%mul3A_30, %dma_wait3A] : memref<40x128xi32, #tpu.memory_space<vmem>> -> memref<1x128xi32, #tpu.memory_space<vmem>>
      %dma_wait3A_40 = tpu.memref_squeeze %dma_wait3A_39 : memref<1x128xi32, #tpu.memory_space<vmem>> -> memref<128xi32, #tpu.memory_space<vmem>>
      %dma_wait3A_41 = arith.constant 0 : i32
      %dma_wait3A_42 = arith.constant 0 : i32
      %dma_wait3A_43 = tpu.memref_slice %arg2[%dma_wait3A_41, %dma_wait3A_42] : memref<10000x128xf32, #tpu.memory_space<hbm>> -> memref<10000x128xf32, #tpu.memory_space<hbm>>
      tpu.wait_indirect_dma semaphore(%arg12 : memref<!tpu.dma_semaphore, #tpu.memory_space<semaphore_mem>>) src(%dma_wait3A_43 : memref<10000x128xf32, #tpu.memory_space<hbm>>) dst(%arg9 : memref<128x128xf32, #tpu.memory_space<vmem>>)
      "tpu.region"() ({
        %run_scoped3A = tpu.sem_alloc : memref<!tpu.dma_semaphore, #tpu.memory_space<semaphore_mem>>
        %dma_start3A_56 = arith.constant 0 : i32
        %dma_start3A_57 = tpu.memref_slice %arg8[%mul3A_30, %dma_start3A_56] : memref<40x128xi32, #tpu.memory_space<vmem>> -> memref<1x128xi32, #tpu.memory_space<vmem>>
        %dma_start3A_58 = tpu.memref_squeeze %dma_start3A_57 : memref<1x128xi32, #tpu.memory_space<vmem>> -> memref<128xi32, #tpu.memory_space<vmem>>
        %dma_start3A_59 = arith.constant 0 : i32
        %dma_start3A_60 = arith.constant 0 : i32
        %dma_start3A_61 = tpu.memref_slice %arg11[%dma_start3A_59, %dma_start3A_60] : memref<10016x128xf32, #tpu.memory_space<vmem_shared>> -> memref<10016x128xf32, #tpu.memory_space<vmem_shared>>
        tpu.enqueue_indirect_dma source(%arg9 : memref<128x128xf32, #tpu.memory_space<vmem>>) target(%dma_start3A_61 : memref<10016x128xf32, #tpu.memory_space<vmem_shared>>) offsets(%dma_start3A_58 : memref<128xi32, #tpu.memory_space<vmem>>) semaphore(%run_scoped3A : memref<!tpu.dma_semaphore, #tpu.memory_space<semaphore_mem>>) {add = true}
        %dma_wait3A_62 = arith.constant 0 : i32
        %dma_wait3A_63 = tpu.memref_slice %arg8[%mul3A_30, %dma_wait3A_62] : memref<40x128xi32, #tpu.memory_space<vmem>> -> memref<1x128xi32, #tpu.memory_space<vmem>>
        %dma_wait3A_64 = tpu.memref_squeeze %dma_wait3A_63 : memref<1x128xi32, #tpu.memory_space<vmem>> -> memref<128xi32, #tpu.memory_space<vmem>>
        %dma_wait3A_65 = arith.constant 0 : i32
        %dma_wait3A_66 = arith.constant 0 : i32
        %dma_wait3A_67 = tpu.memref_slice %arg11[%dma_wait3A_65, %dma_wait3A_66] : memref<10016x128xf32, #tpu.memory_space<vmem_shared>> -> memref<10016x128xf32, #tpu.memory_space<vmem_shared>>
        tpu.wait_indirect_dma semaphore(%run_scoped3A : memref<!tpu.dma_semaphore, #tpu.memory_space<semaphore_mem>>) src(%arg9 : memref<128x128xf32, #tpu.memory_space<vmem>>) dst(%dma_wait3A_67 : memref<10016x128xf32, #tpu.memory_space<vmem_shared>>)
        tpu.yield
      }) : () -> ()
      %lt3A = arith.constant 19 : i32
      %lt3A_44 = arith.cmpi slt, %scan3A_28, %lt3A : i32
      %convert_element_type3A = arith.extui %lt3A_44 : i1 to i32
      %cond3A = arith.constant 0 : i32
      %cond3A_45 = arith.cmpi ne, %convert_element_type3A, %cond3A : i32
      scf.if %cond3A_45 {
        %add3A_56 = arith.constant 2 : i32
        %add3A_57 = arith.addi %mul3A_30, %add3A_56 : i32
        %dma_start3A_58 = arith.constant 0 : i32
        %dma_start3A_59 = tpu.memref_slice %arg7[%add3A_57, %dma_start3A_58] : memref<40x128xi32, #tpu.memory_space<vmem>> -> memref<1x128xi32, #tpu.memory_space<vmem>>
        %dma_start3A_60 = tpu.memref_squeeze %dma_start3A_59 : memref<1x128xi32, #tpu.memory_space<vmem>> -> memref<128xi32, #tpu.memory_space<vmem>>
        %dma_start3A_61 = arith.constant 0 : i32
        %dma_start3A_62 = arith.constant 0 : i32
        %dma_start3A_63 = tpu.memref_slice %arg2[%dma_start3A_61, %dma_start3A_62] : memref<10000x128xf32, #tpu.memory_space<hbm>> -> memref<10000x128xf32, #tpu.memory_space<hbm>>
        tpu.enqueue_indirect_dma source(%dma_start3A_63 : memref<10000x128xf32, #tpu.memory_space<hbm>>) target(%arg9 : memref<128x128xf32, #tpu.memory_space<vmem>>) offsets(%dma_start3A_60 : memref<128xi32, #tpu.memory_space<vmem>>) semaphore(%arg12 : memref<!tpu.dma_semaphore, #tpu.memory_space<semaphore_mem>>)
      } else {
      }
      %add3A_46 = arith.constant 1 : i32
      %add3A_47 = arith.addi %mul3A_30, %add3A_46 : i32
      %dma_wait3A_48 = arith.constant 0 : i32
      %dma_wait3A_49 = tpu.memref_slice %arg7[%add3A_47, %dma_wait3A_48] : memref<40x128xi32, #tpu.memory_space<vmem>> -> memref<1x128xi32, #tpu.memory_space<vmem>>
      %dma_wait3A_50 = tpu.memref_squeeze %dma_wait3A_49 : memref<1x128xi32, #tpu.memory_space<vmem>> -> memref<128xi32, #tpu.memory_space<vmem>>
      %dma_wait3A_51 = arith.constant 0 : i32
      %dma_wait3A_52 = arith.constant 0 : i32
      %dma_wait3A_53 = tpu.memref_slice %arg2[%dma_wait3A_51, %dma_wait3A_52] : memref<10000x128xf32, #tpu.memory_space<hbm>> -> memref<10000x128xf32, #tpu.memory_space<hbm>>
      tpu.wait_indirect_dma semaphore(%arg13 : memref<!tpu.dma_semaphore, #tpu.memory_space<semaphore_mem>>) src(%dma_wait3A_53 : memref<10000x128xf32, #tpu.memory_space<hbm>>) dst(%arg10 : memref<128x128xf32, #tpu.memory_space<vmem>>)
      %add3A_54 = arith.constant 1 : i32
      %add3A_55 = arith.addi %mul3A_30, %add3A_54 : i32
      "tpu.region"() ({
        %run_scoped3A = tpu.sem_alloc : memref<!tpu.dma_semaphore, #tpu.memory_space<semaphore_mem>>
        %dma_start3A_56 = arith.constant 0 : i32
        %dma_start3A_57 = tpu.memref_slice %arg8[%add3A_55, %dma_start3A_56] : memref<40x128xi32, #tpu.memory_space<vmem>> -> memref<1x128xi32, #tpu.memory_space<vmem>>
        %dma_start3A_58 = tpu.memref_squeeze %dma_start3A_57 : memref<1x128xi32, #tpu.memory_space<vmem>> -> memref<128xi32, #tpu.memory_space<vmem>>
        %dma_start3A_59 = arith.constant 0 : i32
        %dma_start3A_60 = arith.constant 0 : i32
        %dma_start3A_61 = tpu.memref_slice %arg11[%dma_start3A_59, %dma_start3A_60] : memref<10016x128xf32, #tpu.memory_space<vmem_shared>> -> memref<10016x128xf32, #tpu.memory_space<vmem_shared>>
        tpu.enqueue_indirect_dma source(%arg10 : memref<128x128xf32, #tpu.memory_space<vmem>>) target(%dma_start3A_61 : memref<10016x128xf32, #tpu.memory_space<vmem_shared>>) offsets(%dma_start3A_58 : memref<128xi32, #tpu.memory_space<vmem>>) semaphore(%run_scoped3A : memref<!tpu.dma_semaphore, #tpu.memory_space<semaphore_mem>>) {add = true}
        %dma_wait3A_62 = arith.constant 0 : i32
        %dma_wait3A_63 = tpu.memref_slice %arg8[%add3A_55, %dma_wait3A_62] : memref<40x128xi32, #tpu.memory_space<vmem>> -> memref<1x128xi32, #tpu.memory_space<vmem>>
        %dma_wait3A_64 = tpu.memref_squeeze %dma_wait3A_63 : memref<1x128xi32, #tpu.memory_space<vmem>> -> memref<128xi32, #tpu.memory_space<vmem>>
        %dma_wait3A_65 = arith.constant 0 : i32
        %dma_wait3A_66 = arith.constant 0 : i32
        %dma_wait3A_67 = tpu.memref_slice %arg11[%dma_wait3A_65, %dma_wait3A_66] : memref<10016x128xf32, #tpu.memory_space<vmem_shared>> -> memref<10016x128xf32, #tpu.memory_space<vmem_shared>>
        tpu.wait_indirect_dma semaphore(%run_scoped3A : memref<!tpu.dma_semaphore, #tpu.memory_space<semaphore_mem>>) src(%arg10 : memref<128x128xf32, #tpu.memory_space<vmem>>) dst(%dma_wait3A_67 : memref<10016x128xf32, #tpu.memory_space<vmem_shared>>)
        tpu.yield
      }) : () -> ()
    }
    %scan3A_26 = arith.constant 20 : i32
    %barrier3A_27 = arith.constant 0 : index
    tpu.barrier barrier_id(%barrier3A_27)
    "tpu.region"() ({
      %run_scoped3A = tpu.sem_alloc : memref<!tpu.dma_semaphore, #tpu.memory_space<semaphore_mem>>
      %dma_start3A_28 = arith.constant 0 : i32
      %dma_start3A_29 = tpu.memref_slice %arg6[%arg0, %mul3A_2, %dma_start3A_28] : memref<2x10016x128xf32, #tpu.memory_space<hbm>> -> memref<1x656x128xf32, #tpu.memory_space<hbm>>
      %dma_start3A_30 = tpu.memref_squeeze %dma_start3A_29 : memref<1x656x128xf32, #tpu.memory_space<hbm>> -> memref<656x128xf32, #tpu.memory_space<hbm>>
      %dma_start3A_31 = arith.constant 0 : i32
      %dma_start3A_32 = tpu.memref_slice %arg11[%mul3A_2, %dma_start3A_31] : memref<10016x128xf32, #tpu.memory_space<vmem_shared>> -> memref<656x128xf32, #tpu.memory_space<vmem_shared>>
      tpu.enqueue_dma source(%dma_start3A_32 : memref<656x128xf32, #tpu.memory_space<vmem_shared>>) target(%dma_start3A_30 : memref<656x128xf32, #tpu.memory_space<hbm>>) target_semaphore(%run_scoped3A : memref<!tpu.dma_semaphore, #tpu.memory_space<semaphore_mem>>)
      %dma_wait3A = arith.constant 0 : i32
      %dma_wait3A_33 = tpu.memref_slice %arg6[%arg0, %mul3A_2, %dma_wait3A] : memref<2x10016x128xf32, #tpu.memory_space<hbm>> -> memref<1x656x128xf32, #tpu.memory_space<hbm>>
      %dma_wait3A_34 = tpu.memref_squeeze %dma_wait3A_33 : memref<1x656x128xf32, #tpu.memory_space<hbm>> -> memref<656x128xf32, #tpu.memory_space<hbm>>
      %dma_wait3A_35 = arith.constant 0 : i32
      %dma_wait3A_36 = tpu.memref_slice %arg11[%mul3A_2, %dma_wait3A_35] : memref<10016x128xf32, #tpu.memory_space<vmem_shared>> -> memref<656x128xf32, #tpu.memory_space<vmem_shared>>
      tpu.wait_dma2 semaphore(%run_scoped3A : memref<!tpu.dma_semaphore, #tpu.memory_space<semaphore_mem>>) src(%dma_wait3A_36 : memref<656x128xf32, #tpu.memory_space<vmem_shared>>) dst(%dma_wait3A_34 : memref<656x128xf32, #tpu.memory_space<hbm>>)
      tpu.yield
    }) : () -> ()
    return
  }
}

#map = affine_map<(d0, d1) -> (0, 0)>
#map1 = affine_map<(d0, d1) -> (0, 0, 0)>
module attributes {stable_mosaic.version = 14 : i64} {
  func.func @_gs_kernel(%arg0: i32, %arg1: i32, %arg2: memref<10000x128xf32, #tpu.memory_space<hbm>>, %arg3: memref<32x80x128xi32, #tpu.memory_space<hbm>>, %arg4: memref<32x80x128xi32, #tpu.memory_space<hbm>>, %arg5: memref<656x128xf32, #tpu.memory_space<hbm>>, %arg6: memref<2x10016x128xf32, #tpu.memory_space<hbm>>, %arg7: memref<40x128xi32, #tpu.memory_space<vmem>>, %arg8: memref<40x128xi32, #tpu.memory_space<vmem>>, %arg9: memref<128x128xf32, #tpu.memory_space<vmem>>, %arg10: memref<128x128xf32, #tpu.memory_space<vmem>>, %arg11: memref<10016x128xf32, #tpu.memory_space<vmem_shared>>, %arg12: memref<!tpu.dma_semaphore, #tpu.memory_space<semaphore_mem>>, %arg13: memref<!tpu.dma_semaphore, #tpu.memory_space<semaphore_mem>>) attributes {dimension_semantics = [#tpu.dimension_semantics<core_parallel>, #tpu.dimension_semantics<subcore_parallel>], iteration_bounds = array<i64: 2, 16>, scalar_prefetch = 0 : i64, scratch_operands = 7 : i64, tpu.core_type = #tpu.core_type<sc_vector_subcore>, window_params = [{transform_indices = #map}, {transform_indices = #map1}, {transform_indices = #map1}, {transform_indices = #map}, {transform_indices = #map1}]} {
    %mul3A = arith.constant 16 : i32
    %mul3A_0 = arith.muli %arg0, %mul3A : i32
    %add3A = arith.addi %mul3A_0, %arg1 : i32
    %mul3A_1 = arith.constant 624 : i32
    %mul3A_2 = arith.muli %arg1, %mul3A_1 : i32
    "tpu.region"() ({
      %run_scoped3A = tpu.sem_alloc : memref<!tpu.dma_semaphore, #tpu.memory_space<semaphore_mem>>
      %dma_start3A_28 = arith.constant 0 : i32
      %dma_start3A_29 = arith.constant 0 : i32
      %dma_start3A_30 = tpu.memref_slice %arg3[%add3A, %dma_start3A_28, %dma_start3A_29] : memref<32x80x128xi32, #tpu.memory_space<hbm>> -> memref<1x40x128xi32, #tpu.memory_space<hbm>>
      %dma_start3A_31 = tpu.memref_squeeze %dma_start3A_30 : memref<1x40x128xi32, #tpu.memory_space<hbm>> -> memref<40x128xi32, #tpu.memory_space<hbm>>
      %dma_start3A_32 = arith.constant 0 : i32
      %dma_start3A_33 = arith.constant 0 : i32
      %dma_start3A_34 = tpu.memref_slice %arg3[%add3A, %dma_start3A_32, %dma_start3A_33] : memref<32x80x128xi32, #tpu.memory_space<hbm>> -> memref<1x40x128xi32, #tpu.memory_space<hbm>>
      %dma_start3A_35 = tpu.memref_squeeze %dma_start3A_34 : memref<1x40x128xi32, #tpu.memory_space<hbm>> -> memref<40x128xi32, #tpu.memory_space<hbm>>
      tpu.enqueue_dma source(%dma_start3A_35 : memref<40x128xi32, #tpu.memory_space<hbm>>) target(%arg7 : memref<40x128xi32, #tpu.memory_space<vmem>>) target_semaphore(%run_scoped3A : memref<!tpu.dma_semaphore, #tpu.memory_space<semaphore_mem>>)
      %dma_wait3A = arith.constant 0 : i32
      %dma_wait3A_36 = arith.constant 0 : i32
      %dma_wait3A_37 = tpu.memref_slice %arg3[%add3A, %dma_wait3A, %dma_wait3A_36] : memref<32x80x128xi32, #tpu.memory_space<hbm>> -> memref<1x40x128xi32, #tpu.memory_space<hbm>>
      %dma_wait3A_38 = tpu.memref_squeeze %dma_wait3A_37 : memref<1x40x128xi32, #tpu.memory_space<hbm>> -> memref<40x128xi32, #tpu.memory_space<hbm>>
      %dma_wait3A_39 = arith.constant 0 : i32
      %dma_wait3A_40 = arith.constant 0 : i32
      %dma_wait3A_41 = tpu.memref_slice %arg3[%add3A, %dma_wait3A_39, %dma_wait3A_40] : memref<32x80x128xi32, #tpu.memory_space<hbm>> -> memref<1x40x128xi32, #tpu.memory_space<hbm>>
      %dma_wait3A_42 = tpu.memref_squeeze %dma_wait3A_41 : memref<1x40x128xi32, #tpu.memory_space<hbm>> -> memref<40x128xi32, #tpu.memory_space<hbm>>
      tpu.wait_dma2 semaphore(%run_scoped3A : memref<!tpu.dma_semaphore, #tpu.memory_space<semaphore_mem>>) src(%dma_wait3A_42 : memref<40x128xi32, #tpu.memory_space<hbm>>) dst(%arg7 : memref<40x128xi32, #tpu.memory_space<vmem>>)
      tpu.yield
    }) : () -> ()
    "tpu.region"() ({
      %run_scoped3A = tpu.sem_alloc : memref<!tpu.dma_semaphore, #tpu.memory_space<semaphore_mem>>
      %dma_start3A_28 = arith.constant 0 : i32
      %dma_start3A_29 = arith.constant 0 : i32
      %dma_start3A_30 = tpu.memref_slice %arg4[%add3A, %dma_start3A_28, %dma_start3A_29] : memref<32x80x128xi32, #tpu.memory_space<hbm>> -> memref<1x40x128xi32, #tpu.memory_space<hbm>>
      %dma_start3A_31 = tpu.memref_squeeze %dma_start3A_30 : memref<1x40x128xi32, #tpu.memory_space<hbm>> -> memref<40x128xi32, #tpu.memory_space<hbm>>
      %dma_start3A_32 = arith.constant 0 : i32
      %dma_start3A_33 = arith.constant 0 : i32
      %dma_start3A_34 = tpu.memref_slice %arg4[%add3A, %dma_start3A_32, %dma_start3A_33] : memref<32x80x128xi32, #tpu.memory_space<hbm>> -> memref<1x40x128xi32, #tpu.memory_space<hbm>>
      %dma_start3A_35 = tpu.memref_squeeze %dma_start3A_34 : memref<1x40x128xi32, #tpu.memory_space<hbm>> -> memref<40x128xi32, #tpu.memory_space<hbm>>
      tpu.enqueue_dma source(%dma_start3A_35 : memref<40x128xi32, #tpu.memory_space<hbm>>) target(%arg8 : memref<40x128xi32, #tpu.memory_space<vmem>>) target_semaphore(%run_scoped3A : memref<!tpu.dma_semaphore, #tpu.memory_space<semaphore_mem>>)
      %dma_wait3A = arith.constant 0 : i32
      %dma_wait3A_36 = arith.constant 0 : i32
      %dma_wait3A_37 = tpu.memref_slice %arg4[%add3A, %dma_wait3A, %dma_wait3A_36] : memref<32x80x128xi32, #tpu.memory_space<hbm>> -> memref<1x40x128xi32, #tpu.memory_space<hbm>>
      %dma_wait3A_38 = tpu.memref_squeeze %dma_wait3A_37 : memref<1x40x128xi32, #tpu.memory_space<hbm>> -> memref<40x128xi32, #tpu.memory_space<hbm>>
      %dma_wait3A_39 = arith.constant 0 : i32
      %dma_wait3A_40 = arith.constant 0 : i32
      %dma_wait3A_41 = tpu.memref_slice %arg4[%add3A, %dma_wait3A_39, %dma_wait3A_40] : memref<32x80x128xi32, #tpu.memory_space<hbm>> -> memref<1x40x128xi32, #tpu.memory_space<hbm>>
      %dma_wait3A_42 = tpu.memref_squeeze %dma_wait3A_41 : memref<1x40x128xi32, #tpu.memory_space<hbm>> -> memref<40x128xi32, #tpu.memory_space<hbm>>
      tpu.wait_dma2 semaphore(%run_scoped3A : memref<!tpu.dma_semaphore, #tpu.memory_space<semaphore_mem>>) src(%dma_wait3A_42 : memref<40x128xi32, #tpu.memory_space<hbm>>) dst(%arg8 : memref<40x128xi32, #tpu.memory_space<vmem>>)
      tpu.yield
    }) : () -> ()
    %dma_start3A = arith.constant 0 : i32
    %dma_start3A_3 = arith.constant 0 : i32
    %dma_start3A_4 = tpu.memref_slice %arg7[%dma_start3A, %dma_start3A_3] : memref<40x128xi32, #tpu.memory_space<vmem>> -> memref<1x128xi32, #tpu.memory_space<vmem>>
    %dma_start3A_5 = tpu.memref_squeeze %dma_start3A_4 : memref<1x128xi32, #tpu.memory_space<vmem>> -> memref<128xi32, #tpu.memory_space<vmem>>
    %dma_start3A_6 = arith.constant 0 : i32
    %dma_start3A_7 = arith.constant 0 : i32
    %dma_start3A_8 = tpu.memref_slice %arg2[%dma_start3A_6, %dma_start3A_7] : memref<10000x128xf32, #tpu.memory_space<hbm>> -> memref<10000x128xf32, #tpu.memory_space<hbm>>
    tpu.enqueue_indirect_dma source(%dma_start3A_8 : memref<10000x128xf32, #tpu.memory_space<hbm>>) target(%arg9 : memref<128x128xf32, #tpu.memory_space<vmem>>) offsets(%dma_start3A_5 : memref<128xi32, #tpu.memory_space<vmem>>) semaphore(%arg12 : memref<!tpu.dma_semaphore, #tpu.memory_space<semaphore_mem>>)
    "tpu.region"() ({
      %run_scoped3A = tpu.sem_alloc : memref<!tpu.dma_semaphore, #tpu.memory_space<semaphore_mem>>
      %dma_start3A_28 = arith.constant 0 : i32
      %dma_start3A_29 = tpu.memref_slice %arg11[%mul3A_2, %dma_start3A_28] : memref<10016x128xf32, #tpu.memory_space<vmem_shared>> -> memref<656x128xf32, #tpu.memory_space<vmem_shared>>
      tpu.enqueue_dma source(%arg5 : memref<656x128xf32, #tpu.memory_space<hbm>>) target(%dma_start3A_29 : memref<656x128xf32, #tpu.memory_space<vmem_shared>>) target_semaphore(%run_scoped3A : memref<!tpu.dma_semaphore, #tpu.memory_space<semaphore_mem>>)
      %dma_wait3A = arith.constant 0 : i32
      %dma_wait3A_30 = tpu.memref_slice %arg11[%mul3A_2, %dma_wait3A] : memref<10016x128xf32, #tpu.memory_space<vmem_shared>> -> memref<656x128xf32, #tpu.memory_space<vmem_shared>>
      tpu.wait_dma2 semaphore(%run_scoped3A : memref<!tpu.dma_semaphore, #tpu.memory_space<semaphore_mem>>) src(%arg5 : memref<656x128xf32, #tpu.memory_space<hbm>>) dst(%dma_wait3A_30 : memref<656x128xf32, #tpu.memory_space<vmem_shared>>)
      tpu.yield
    }) : () -> ()
    %barrier3A = arith.constant 0 : index
    tpu.barrier barrier_id(%barrier3A)
    %scan3A = arith.constant 0 : i32
    %scan3A_9 = arith.constant 0 : i32
    %scan3A_10 = arith.constant 20 : i32
    %scan3A_11 = arith.addi %scan3A_9, %scan3A_10 : i32
    %scan3A_12 = arith.constant 1 : i32
    scf.for %scan3A_28 = %scan3A_9 to %scan3A_11 step %scan3A_12  : i32 {
      %mul3A_29 = arith.constant 2 : i32
      %mul3A_30 = arith.muli %scan3A_28, %mul3A_29 : i32
      %add3A_31 = arith.constant 1 : i32
      %add3A_32 = arith.addi %mul3A_30, %add3A_31 : i32
      %dma_start3A_33 = arith.constant 0 : i32
      %dma_start3A_34 = tpu.memref_slice %arg7[%add3A_32, %dma_start3A_33] : memref<40x128xi32, #tpu.memory_space<vmem>> -> memref<1x128xi32, #tpu.memory_space<vmem>>
      %dma_start3A_35 = tpu.memref_squeeze %dma_start3A_34 : memref<1x128xi32, #tpu.memory_space<vmem>> -> memref<128xi32, #tpu.memory_space<vmem>>
      %dma_start3A_36 = arith.constant 0 : i32
      %dma_start3A_37 = arith.constant 0 : i32
      %dma_start3A_38 = tpu.memref_slice %arg2[%dma_start3A_36, %dma_start3A_37] : memref<10000x128xf32, #tpu.memory_space<hbm>> -> memref<10000x128xf32, #tpu.memory_space<hbm>>
      tpu.enqueue_indirect_dma source(%dma_start3A_38 : memref<10000x128xf32, #tpu.memory_space<hbm>>) target(%arg10 : memref<128x128xf32, #tpu.memory_space<vmem>>) offsets(%dma_start3A_35 : memref<128xi32, #tpu.memory_space<vmem>>) semaphore(%arg13 : memref<!tpu.dma_semaphore, #tpu.memory_space<semaphore_mem>>)
      %dma_wait3A = arith.constant 0 : i32
      %dma_wait3A_39 = tpu.memref_slice %arg7[%mul3A_30, %dma_wait3A] : memref<40x128xi32, #tpu.memory_space<vmem>> -> memref<1x128xi32, #tpu.memory_space<vmem>>
      %dma_wait3A_40 = tpu.memref_squeeze %dma_wait3A_39 : memref<1x128xi32, #tpu.memory_space<vmem>> -> memref<128xi32, #tpu.memory_space<vmem>>
      %dma_wait3A_41 = arith.constant 0 : i32
      %dma_wait3A_42 = arith.constant 0 : i32
      %dma_wait3A_43 = tpu.memref_slice %arg2[%dma_wait3A_41, %dma_wait3A_42] : memref<10000x128xf32, #tpu.memory_space<hbm>> -> memref<10000x128xf32, #tpu.memory_space<hbm>>
      tpu.wait_indirect_dma semaphore(%arg12 : memref<!tpu.dma_semaphore, #tpu.memory_space<semaphore_mem>>) src(%dma_wait3A_43 : memref<10000x128xf32, #tpu.memory_space<hbm>>) dst(%arg9 : memref<128x128xf32, #tpu.memory_space<vmem>>)
      "tpu.region"() ({
        %run_scoped3A = tpu.sem_alloc : memref<!tpu.dma_semaphore, #tpu.memory_space<semaphore_mem>>
        %dma_start3A_56 = arith.constant 0 : i32
        %dma_start3A_57 = tpu.memref_slice %arg8[%mul3A_30, %dma_start3A_56] : memref<40x128xi32, #tpu.memory_space<vmem>> -> memref<1x128xi32, #tpu.memory_space<vmem>>
        %dma_start3A_58 = tpu.memref_squeeze %dma_start3A_57 : memref<1x128xi32, #tpu.memory_space<vmem>> -> memref<128xi32, #tpu.memory_space<vmem>>
        %dma_start3A_59 = arith.constant 0 : i32
        %dma_start3A_60 = arith.constant 0 : i32
        %dma_start3A_61 = tpu.memref_slice %arg11[%dma_start3A_59, %dma_start3A_60] : memref<10016x128xf32, #tpu.memory_space<vmem_shared>> -> memref<10016x128xf32, #tpu.memory_space<vmem_shared>>
        tpu.enqueue_indirect_dma source(%arg9 : memref<128x128xf32, #tpu.memory_space<vmem>>) target(%dma_start3A_61 : memref<10016x128xf32, #tpu.memory_space<vmem_shared>>) offsets(%dma_start3A_58 : memref<128xi32, #tpu.memory_space<vmem>>) semaphore(%run_scoped3A : memref<!tpu.dma_semaphore, #tpu.memory_space<semaphore_mem>>) {add = true}
        %dma_wait3A_62 = arith.constant 0 : i32
        %dma_wait3A_63 = tpu.memref_slice %arg8[%mul3A_30, %dma_wait3A_62] : memref<40x128xi32, #tpu.memory_space<vmem>> -> memref<1x128xi32, #tpu.memory_space<vmem>>
        %dma_wait3A_64 = tpu.memref_squeeze %dma_wait3A_63 : memref<1x128xi32, #tpu.memory_space<vmem>> -> memref<128xi32, #tpu.memory_space<vmem>>
        %dma_wait3A_65 = arith.constant 0 : i32
        %dma_wait3A_66 = arith.constant 0 : i32
        %dma_wait3A_67 = tpu.memref_slice %arg11[%dma_wait3A_65, %dma_wait3A_66] : memref<10016x128xf32, #tpu.memory_space<vmem_shared>> -> memref<10016x128xf32, #tpu.memory_space<vmem_shared>>
        tpu.wait_indirect_dma semaphore(%run_scoped3A : memref<!tpu.dma_semaphore, #tpu.memory_space<semaphore_mem>>) src(%arg9 : memref<128x128xf32, #tpu.memory_space<vmem>>) dst(%dma_wait3A_67 : memref<10016x128xf32, #tpu.memory_space<vmem_shared>>)
        tpu.yield
      }) : () -> ()
      %lt3A = arith.constant 19 : i32
      %lt3A_44 = arith.cmpi slt, %scan3A_28, %lt3A : i32
      %convert_element_type3A = arith.extui %lt3A_44 : i1 to i32
      %cond3A = arith.constant 0 : i32
      %cond3A_45 = arith.cmpi ne, %convert_element_type3A, %cond3A : i32
      scf.if %cond3A_45 {
        %add3A_56 = arith.constant 2 : i32
        %add3A_57 = arith.addi %mul3A_30, %add3A_56 : i32
        %dma_start3A_58 = arith.constant 0 : i32
        %dma_start3A_59 = tpu.memref_slice %arg7[%add3A_57, %dma_start3A_58] : memref<40x128xi32, #tpu.memory_space<vmem>> -> memref<1x128xi32, #tpu.memory_space<vmem>>
        %dma_start3A_60 = tpu.memref_squeeze %dma_start3A_59 : memref<1x128xi32, #tpu.memory_space<vmem>> -> memref<128xi32, #tpu.memory_space<vmem>>
        %dma_start3A_61 = arith.constant 0 : i32
        %dma_start3A_62 = arith.constant 0 : i32
        %dma_start3A_63 = tpu.memref_slice %arg2[%dma_start3A_61, %dma_start3A_62] : memref<10000x128xf32, #tpu.memory_space<hbm>> -> memref<10000x128xf32, #tpu.memory_space<hbm>>
        tpu.enqueue_indirect_dma source(%dma_start3A_63 : memref<10000x128xf32, #tpu.memory_space<hbm>>) target(%arg9 : memref<128x128xf32, #tpu.memory_space<vmem>>) offsets(%dma_start3A_60 : memref<128xi32, #tpu.memory_space<vmem>>) semaphore(%arg12 : memref<!tpu.dma_semaphore, #tpu.memory_space<semaphore_mem>>)
      } else {
      }
      %add3A_46 = arith.constant 1 : i32
      %add3A_47 = arith.addi %mul3A_30, %add3A_46 : i32
      %dma_wait3A_48 = arith.constant 0 : i32
      %dma_wait3A_49 = tpu.memref_slice %arg7[%add3A_47, %dma_wait3A_48] : memref<40x128xi32, #tpu.memory_space<vmem>> -> memref<1x128xi32, #tpu.memory_space<vmem>>
      %dma_wait3A_50 = tpu.memref_squeeze %dma_wait3A_49 : memref<1x128xi32, #tpu.memory_space<vmem>> -> memref<128xi32, #tpu.memory_space<vmem>>
      %dma_wait3A_51 = arith.constant 0 : i32
      %dma_wait3A_52 = arith.constant 0 : i32
      %dma_wait3A_53 = tpu.memref_slice %arg2[%dma_wait3A_51, %dma_wait3A_52] : memref<10000x128xf32, #tpu.memory_space<hbm>> -> memref<10000x128xf32, #tpu.memory_space<hbm>>
      tpu.wait_indirect_dma semaphore(%arg13 : memref<!tpu.dma_semaphore, #tpu.memory_space<semaphore_mem>>) src(%dma_wait3A_53 : memref<10000x128xf32, #tpu.memory_space<hbm>>) dst(%arg10 : memref<128x128xf32, #tpu.memory_space<vmem>>)
      %add3A_54 = arith.constant 1 : i32
      %add3A_55 = arith.addi %mul3A_30, %add3A_54 : i32
      "tpu.region"() ({
        %run_scoped3A = tpu.sem_alloc : memref<!tpu.dma_semaphore, #tpu.memory_space<semaphore_mem>>
        %dma_start3A_56 = arith.constant 0 : i32
        %dma_start3A_57 = tpu.memref_slice %arg8[%add3A_55, %dma_start3A_56] : memref<40x128xi32, #tpu.memory_space<vmem>> -> memref<1x128xi32, #tpu.memory_space<vmem>>
        %dma_start3A_58 = tpu.memref_squeeze %dma_start3A_57 : memref<1x128xi32, #tpu.memory_space<vmem>> -> memref<128xi32, #tpu.memory_space<vmem>>
        %dma_start3A_59 = arith.constant 0 : i32
        %dma_start3A_60 = arith.constant 0 : i32
        %dma_start3A_61 = tpu.memref_slice %arg11[%dma_start3A_59, %dma_start3A_60] : memref<10016x128xf32, #tpu.memory_space<vmem_shared>> -> memref<10016x128xf32, #tpu.memory_space<vmem_shared>>
        tpu.enqueue_indirect_dma source(%arg10 : memref<128x128xf32, #tpu.memory_space<vmem>>) target(%dma_start3A_61 : memref<10016x128xf32, #tpu.memory_space<vmem_shared>>) offsets(%dma_start3A_58 : memref<128xi32, #tpu.memory_space<vmem>>) semaphore(%run_scoped3A : memref<!tpu.dma_semaphore, #tpu.memory_space<semaphore_mem>>) {add = true}
        %dma_wait3A_62 = arith.constant 0 : i32
        %dma_wait3A_63 = tpu.memref_slice %arg8[%add3A_55, %dma_wait3A_62] : memref<40x128xi32, #tpu.memory_space<vmem>> -> memref<1x128xi32, #tpu.memory_space<vmem>>
        %dma_wait3A_64 = tpu.memref_squeeze %dma_wait3A_63 : memref<1x128xi32, #tpu.memory_space<vmem>> -> memref<128xi32, #tpu.memory_space<vmem>>
        %dma_wait3A_65 = arith.constant 0 : i32
        %dma_wait3A_66 = arith.constant 0 : i32
        %dma_wait3A_67 = tpu.memref_slice %arg11[%dma_wait3A_65, %dma_wait3A_66] : memref<10016x128xf32, #tpu.memory_space<vmem_shared>> -> memref<10016x128xf32, #tpu.memory_space<vmem_shared>>
        tpu.wait_indirect_dma semaphore(%run_scoped3A : memref<!tpu.dma_semaphore, #tpu.memory_space<semaphore_mem>>) src(%arg10 : memref<128x128xf32, #tpu.memory_space<vmem>>) dst(%dma_wait3A_67 : memref<10016x128xf32, #tpu.memory_space<vmem_shared>>)
        tpu.yield
      }) : () -> ()
    }
    %scan3A_13 = arith.constant 20 : i32
    "tpu.region"() ({
      %run_scoped3A = tpu.sem_alloc : memref<!tpu.dma_semaphore, #tpu.memory_space<semaphore_mem>>
      %dma_start3A_28 = arith.constant 40 : i32
      %dma_start3A_29 = arith.constant 0 : i32
      %dma_start3A_30 = tpu.memref_slice %arg3[%add3A, %dma_start3A_28, %dma_start3A_29] : memref<32x80x128xi32, #tpu.memory_space<hbm>> -> memref<1x40x128xi32, #tpu.memory_space<hbm>>
      %dma_start3A_31 = tpu.memref_squeeze %dma_start3A_30 : memref<1x40x128xi32, #tpu.memory_space<hbm>> -> memref<40x128xi32, #tpu.memory_space<hbm>>
      %dma_start3A_32 = arith.constant 40 : i32
      %dma_start3A_33 = arith.constant 0 : i32
      %dma_start3A_34 = tpu.memref_slice %arg3[%add3A, %dma_start3A_32, %dma_start3A_33] : memref<32x80x128xi32, #tpu.memory_space<hbm>> -> memref<1x40x128xi32, #tpu.memory_space<hbm>>
      %dma_start3A_35 = tpu.memref_squeeze %dma_start3A_34 : memref<1x40x128xi32, #tpu.memory_space<hbm>> -> memref<40x128xi32, #tpu.memory_space<hbm>>
      tpu.enqueue_dma source(%dma_start3A_35 : memref<40x128xi32, #tpu.memory_space<hbm>>) target(%arg7 : memref<40x128xi32, #tpu.memory_space<vmem>>) target_semaphore(%run_scoped3A : memref<!tpu.dma_semaphore, #tpu.memory_space<semaphore_mem>>)
      %dma_wait3A = arith.constant 40 : i32
      %dma_wait3A_36 = arith.constant 0 : i32
      %dma_wait3A_37 = tpu.memref_slice %arg3[%add3A, %dma_wait3A, %dma_wait3A_36] : memref<32x80x128xi32, #tpu.memory_space<hbm>> -> memref<1x40x128xi32, #tpu.memory_space<hbm>>
      %dma_wait3A_38 = tpu.memref_squeeze %dma_wait3A_37 : memref<1x40x128xi32, #tpu.memory_space<hbm>> -> memref<40x128xi32, #tpu.memory_space<hbm>>
      %dma_wait3A_39 = arith.constant 40 : i32
      %dma_wait3A_40 = arith.constant 0 : i32
      %dma_wait3A_41 = tpu.memref_slice %arg3[%add3A, %dma_wait3A_39, %dma_wait3A_40] : memref<32x80x128xi32, #tpu.memory_space<hbm>> -> memref<1x40x128xi32, #tpu.memory_space<hbm>>
      %dma_wait3A_42 = tpu.memref_squeeze %dma_wait3A_41 : memref<1x40x128xi32, #tpu.memory_space<hbm>> -> memref<40x128xi32, #tpu.memory_space<hbm>>
      tpu.wait_dma2 semaphore(%run_scoped3A : memref<!tpu.dma_semaphore, #tpu.memory_space<semaphore_mem>>) src(%dma_wait3A_42 : memref<40x128xi32, #tpu.memory_space<hbm>>) dst(%arg7 : memref<40x128xi32, #tpu.memory_space<vmem>>)
      tpu.yield
    }) : () -> ()
    "tpu.region"() ({
      %run_scoped3A = tpu.sem_alloc : memref<!tpu.dma_semaphore, #tpu.memory_space<semaphore_mem>>
      %dma_start3A_28 = arith.constant 40 : i32
      %dma_start3A_29 = arith.constant 0 : i32
      %dma_start3A_30 = tpu.memref_slice %arg4[%add3A, %dma_start3A_28, %dma_start3A_29] : memref<32x80x128xi32, #tpu.memory_space<hbm>> -> memref<1x40x128xi32, #tpu.memory_space<hbm>>
      %dma_start3A_31 = tpu.memref_squeeze %dma_start3A_30 : memref<1x40x128xi32, #tpu.memory_space<hbm>> -> memref<40x128xi32, #tpu.memory_space<hbm>>
      %dma_start3A_32 = arith.constant 40 : i32
      %dma_start3A_33 = arith.constant 0 : i32
      %dma_start3A_34 = tpu.memref_slice %arg4[%add3A, %dma_start3A_32, %dma_start3A_33] : memref<32x80x128xi32, #tpu.memory_space<hbm>> -> memref<1x40x128xi32, #tpu.memory_space<hbm>>
      %dma_start3A_35 = tpu.memref_squeeze %dma_start3A_34 : memref<1x40x128xi32, #tpu.memory_space<hbm>> -> memref<40x128xi32, #tpu.memory_space<hbm>>
      tpu.enqueue_dma source(%dma_start3A_35 : memref<40x128xi32, #tpu.memory_space<hbm>>) target(%arg8 : memref<40x128xi32, #tpu.memory_space<vmem>>) target_semaphore(%run_scoped3A : memref<!tpu.dma_semaphore, #tpu.memory_space<semaphore_mem>>)
      %dma_wait3A = arith.constant 40 : i32
      %dma_wait3A_36 = arith.constant 0 : i32
      %dma_wait3A_37 = tpu.memref_slice %arg4[%add3A, %dma_wait3A, %dma_wait3A_36] : memref<32x80x128xi32, #tpu.memory_space<hbm>> -> memref<1x40x128xi32, #tpu.memory_space<hbm>>
      %dma_wait3A_38 = tpu.memref_squeeze %dma_wait3A_37 : memref<1x40x128xi32, #tpu.memory_space<hbm>> -> memref<40x128xi32, #tpu.memory_space<hbm>>
      %dma_wait3A_39 = arith.constant 40 : i32
      %dma_wait3A_40 = arith.constant 0 : i32
      %dma_wait3A_41 = tpu.memref_slice %arg4[%add3A, %dma_wait3A_39, %dma_wait3A_40] : memref<32x80x128xi32, #tpu.memory_space<hbm>> -> memref<1x40x128xi32, #tpu.memory_space<hbm>>
      %dma_wait3A_42 = tpu.memref_squeeze %dma_wait3A_41 : memref<1x40x128xi32, #tpu.memory_space<hbm>> -> memref<40x128xi32, #tpu.memory_space<hbm>>
      tpu.wait_dma2 semaphore(%run_scoped3A : memref<!tpu.dma_semaphore, #tpu.memory_space<semaphore_mem>>) src(%dma_wait3A_42 : memref<40x128xi32, #tpu.memory_space<hbm>>) dst(%arg8 : memref<40x128xi32, #tpu.memory_space<vmem>>)
      tpu.yield
    }) : () -> ()
    %dma_start3A_14 = arith.constant 0 : i32
    %dma_start3A_15 = arith.constant 0 : i32
    %dma_start3A_16 = tpu.memref_slice %arg7[%dma_start3A_14, %dma_start3A_15] : memref<40x128xi32, #tpu.memory_space<vmem>> -> memref<1x128xi32, #tpu.memory_space<vmem>>
    %dma_start3A_17 = tpu.memref_squeeze %dma_start3A_16 : memref<1x128xi32, #tpu.memory_space<vmem>> -> memref<128xi32, #tpu.memory_space<vmem>>
    %dma_start3A_18 = arith.constant 0 : i32
    %dma_start3A_19 = arith.constant 0 : i32
    %dma_start3A_20 = tpu.memref_slice %arg2[%dma_start3A_18, %dma_start3A_19] : memref<10000x128xf32, #tpu.memory_space<hbm>> -> memref<10000x128xf32, #tpu.memory_space<hbm>>
    tpu.enqueue_indirect_dma source(%dma_start3A_20 : memref<10000x128xf32, #tpu.memory_space<hbm>>) target(%arg9 : memref<128x128xf32, #tpu.memory_space<vmem>>) offsets(%dma_start3A_17 : memref<128xi32, #tpu.memory_space<vmem>>) semaphore(%arg12 : memref<!tpu.dma_semaphore, #tpu.memory_space<semaphore_mem>>)
    %scan3A_21 = arith.constant 0 : i32
    %scan3A_22 = arith.constant 0 : i32
    %scan3A_23 = arith.constant 20 : i32
    %scan3A_24 = arith.addi %scan3A_22, %scan3A_23 : i32
    %scan3A_25 = arith.constant 1 : i32
    scf.for %scan3A_28 = %scan3A_22 to %scan3A_24 step %scan3A_25  : i32 {
      %mul3A_29 = arith.constant 2 : i32
      %mul3A_30 = arith.muli %scan3A_28, %mul3A_29 : i32
      %add3A_31 = arith.constant 1 : i32
      %add3A_32 = arith.addi %mul3A_30, %add3A_31 : i32
      %dma_start3A_33 = arith.constant 0 : i32
      %dma_start3A_34 = tpu.memref_slice %arg7[%add3A_32, %dma_start3A_33] : memref<40x128xi32, #tpu.memory_space<vmem>> -> memref<1x128xi32, #tpu.memory_space<vmem>>
      %dma_start3A_35 = tpu.memref_squeeze %dma_start3A_34 : memref<1x128xi32, #tpu.memory_space<vmem>> -> memref<128xi32, #tpu.memory_space<vmem>>
      %dma_start3A_36 = arith.constant 0 : i32
      %dma_start3A_37 = arith.constant 0 : i32
      %dma_start3A_38 = tpu.memref_slice %arg2[%dma_start3A_36, %dma_start3A_37] : memref<10000x128xf32, #tpu.memory_space<hbm>> -> memref<10000x128xf32, #tpu.memory_space<hbm>>
      tpu.enqueue_indirect_dma source(%dma_start3A_38 : memref<10000x128xf32, #tpu.memory_space<hbm>>) target(%arg10 : memref<128x128xf32, #tpu.memory_space<vmem>>) offsets(%dma_start3A_35 : memref<128xi32, #tpu.memory_space<vmem>>) semaphore(%arg13 : memref<!tpu.dma_semaphore, #tpu.memory_space<semaphore_mem>>)
      %dma_wait3A = arith.constant 0 : i32
      %dma_wait3A_39 = tpu.memref_slice %arg7[%mul3A_30, %dma_wait3A] : memref<40x128xi32, #tpu.memory_space<vmem>> -> memref<1x128xi32, #tpu.memory_space<vmem>>
      %dma_wait3A_40 = tpu.memref_squeeze %dma_wait3A_39 : memref<1x128xi32, #tpu.memory_space<vmem>> -> memref<128xi32, #tpu.memory_space<vmem>>
      %dma_wait3A_41 = arith.constant 0 : i32
      %dma_wait3A_42 = arith.constant 0 : i32
      %dma_wait3A_43 = tpu.memref_slice %arg2[%dma_wait3A_41, %dma_wait3A_42] : memref<10000x128xf32, #tpu.memory_space<hbm>> -> memref<10000x128xf32, #tpu.memory_space<hbm>>
      tpu.wait_indirect_dma semaphore(%arg12 : memref<!tpu.dma_semaphore, #tpu.memory_space<semaphore_mem>>) src(%dma_wait3A_43 : memref<10000x128xf32, #tpu.memory_space<hbm>>) dst(%arg9 : memref<128x128xf32, #tpu.memory_space<vmem>>)
      "tpu.region"() ({
        %run_scoped3A = tpu.sem_alloc : memref<!tpu.dma_semaphore, #tpu.memory_space<semaphore_mem>>
        %dma_start3A_56 = arith.constant 0 : i32
        %dma_start3A_57 = tpu.memref_slice %arg8[%mul3A_30, %dma_start3A_56] : memref<40x128xi32, #tpu.memory_space<vmem>> -> memref<1x128xi32, #tpu.memory_space<vmem>>
        %dma_start3A_58 = tpu.memref_squeeze %dma_start3A_57 : memref<1x128xi32, #tpu.memory_space<vmem>> -> memref<128xi32, #tpu.memory_space<vmem>>
        %dma_start3A_59 = arith.constant 0 : i32
        %dma_start3A_60 = arith.constant 0 : i32
        %dma_start3A_61 = tpu.memref_slice %arg11[%dma_start3A_59, %dma_start3A_60] : memref<10016x128xf32, #tpu.memory_space<vmem_shared>> -> memref<10016x128xf32, #tpu.memory_space<vmem_shared>>
        tpu.enqueue_indirect_dma source(%arg9 : memref<128x128xf32, #tpu.memory_space<vmem>>) target(%dma_start3A_61 : memref<10016x128xf32, #tpu.memory_space<vmem_shared>>) offsets(%dma_start3A_58 : memref<128xi32, #tpu.memory_space<vmem>>) semaphore(%run_scoped3A : memref<!tpu.dma_semaphore, #tpu.memory_space<semaphore_mem>>) {add = true}
        %dma_wait3A_62 = arith.constant 0 : i32
        %dma_wait3A_63 = tpu.memref_slice %arg8[%mul3A_30, %dma_wait3A_62] : memref<40x128xi32, #tpu.memory_space<vmem>> -> memref<1x128xi32, #tpu.memory_space<vmem>>
        %dma_wait3A_64 = tpu.memref_squeeze %dma_wait3A_63 : memref<1x128xi32, #tpu.memory_space<vmem>> -> memref<128xi32, #tpu.memory_space<vmem>>
        %dma_wait3A_65 = arith.constant 0 : i32
        %dma_wait3A_66 = arith.constant 0 : i32
        %dma_wait3A_67 = tpu.memref_slice %arg11[%dma_wait3A_65, %dma_wait3A_66] : memref<10016x128xf32, #tpu.memory_space<vmem_shared>> -> memref<10016x128xf32, #tpu.memory_space<vmem_shared>>
        tpu.wait_indirect_dma semaphore(%run_scoped3A : memref<!tpu.dma_semaphore, #tpu.memory_space<semaphore_mem>>) src(%arg9 : memref<128x128xf32, #tpu.memory_space<vmem>>) dst(%dma_wait3A_67 : memref<10016x128xf32, #tpu.memory_space<vmem_shared>>)
        tpu.yield
      }) : () -> ()
      %lt3A = arith.constant 19 : i32
      %lt3A_44 = arith.cmpi slt, %scan3A_28, %lt3A : i32
      %convert_element_type3A = arith.extui %lt3A_44 : i1 to i32
      %cond3A = arith.constant 0 : i32
      %cond3A_45 = arith.cmpi ne, %convert_element_type3A, %cond3A : i32
      scf.if %cond3A_45 {
        %add3A_56 = arith.constant 2 : i32
        %add3A_57 = arith.addi %mul3A_30, %add3A_56 : i32
        %dma_start3A_58 = arith.constant 0 : i32
        %dma_start3A_59 = tpu.memref_slice %arg7[%add3A_57, %dma_start3A_58] : memref<40x128xi32, #tpu.memory_space<vmem>> -> memref<1x128xi32, #tpu.memory_space<vmem>>
        %dma_start3A_60 = tpu.memref_squeeze %dma_start3A_59 : memref<1x128xi32, #tpu.memory_space<vmem>> -> memref<128xi32, #tpu.memory_space<vmem>>
        %dma_start3A_61 = arith.constant 0 : i32
        %dma_start3A_62 = arith.constant 0 : i32
        %dma_start3A_63 = tpu.memref_slice %arg2[%dma_start3A_61, %dma_start3A_62] : memref<10000x128xf32, #tpu.memory_space<hbm>> -> memref<10000x128xf32, #tpu.memory_space<hbm>>
        tpu.enqueue_indirect_dma source(%dma_start3A_63 : memref<10000x128xf32, #tpu.memory_space<hbm>>) target(%arg9 : memref<128x128xf32, #tpu.memory_space<vmem>>) offsets(%dma_start3A_60 : memref<128xi32, #tpu.memory_space<vmem>>) semaphore(%arg12 : memref<!tpu.dma_semaphore, #tpu.memory_space<semaphore_mem>>)
      } else {
      }
      %add3A_46 = arith.constant 1 : i32
      %add3A_47 = arith.addi %mul3A_30, %add3A_46 : i32
      %dma_wait3A_48 = arith.constant 0 : i32
      %dma_wait3A_49 = tpu.memref_slice %arg7[%add3A_47, %dma_wait3A_48] : memref<40x128xi32, #tpu.memory_space<vmem>> -> memref<1x128xi32, #tpu.memory_space<vmem>>
      %dma_wait3A_50 = tpu.memref_squeeze %dma_wait3A_49 : memref<1x128xi32, #tpu.memory_space<vmem>> -> memref<128xi32, #tpu.memory_space<vmem>>
      %dma_wait3A_51 = arith.constant 0 : i32
      %dma_wait3A_52 = arith.constant 0 : i32
      %dma_wait3A_53 = tpu.memref_slice %arg2[%dma_wait3A_51, %dma_wait3A_52] : memref<10000x128xf32, #tpu.memory_space<hbm>> -> memref<10000x128xf32, #tpu.memory_space<hbm>>
      tpu.wait_indirect_dma semaphore(%arg13 : memref<!tpu.dma_semaphore, #tpu.memory_space<semaphore_mem>>) src(%dma_wait3A_53 : memref<10000x128xf32, #tpu.memory_space<hbm>>) dst(%arg10 : memref<128x128xf32, #tpu.memory_space<vmem>>)
      %add3A_54 = arith.constant 1 : i32
      %add3A_55 = arith.addi %mul3A_30, %add3A_54 : i32
      "tpu.region"() ({
        %run_scoped3A = tpu.sem_alloc : memref<!tpu.dma_semaphore, #tpu.memory_space<semaphore_mem>>
        %dma_start3A_56 = arith.constant 0 : i32
        %dma_start3A_57 = tpu.memref_slice %arg8[%add3A_55, %dma_start3A_56] : memref<40x128xi32, #tpu.memory_space<vmem>> -> memref<1x128xi32, #tpu.memory_space<vmem>>
        %dma_start3A_58 = tpu.memref_squeeze %dma_start3A_57 : memref<1x128xi32, #tpu.memory_space<vmem>> -> memref<128xi32, #tpu.memory_space<vmem>>
        %dma_start3A_59 = arith.constant 0 : i32
        %dma_start3A_60 = arith.constant 0 : i32
        %dma_start3A_61 = tpu.memref_slice %arg11[%dma_start3A_59, %dma_start3A_60] : memref<10016x128xf32, #tpu.memory_space<vmem_shared>> -> memref<10016x128xf32, #tpu.memory_space<vmem_shared>>
        tpu.enqueue_indirect_dma source(%arg10 : memref<128x128xf32, #tpu.memory_space<vmem>>) target(%dma_start3A_61 : memref<10016x128xf32, #tpu.memory_space<vmem_shared>>) offsets(%dma_start3A_58 : memref<128xi32, #tpu.memory_space<vmem>>) semaphore(%run_scoped3A : memref<!tpu.dma_semaphore, #tpu.memory_space<semaphore_mem>>) {add = true}
        %dma_wait3A_62 = arith.constant 0 : i32
        %dma_wait3A_63 = tpu.memref_slice %arg8[%add3A_55, %dma_wait3A_62] : memref<40x128xi32, #tpu.memory_space<vmem>> -> memref<1x128xi32, #tpu.memory_space<vmem>>
        %dma_wait3A_64 = tpu.memref_squeeze %dma_wait3A_63 : memref<1x128xi32, #tpu.memory_space<vmem>> -> memref<128xi32, #tpu.memory_space<vmem>>
        %dma_wait3A_65 = arith.constant 0 : i32
        %dma_wait3A_66 = arith.constant 0 : i32
        %dma_wait3A_67 = tpu.memref_slice %arg11[%dma_wait3A_65, %dma_wait3A_66] : memref<10016x128xf32, #tpu.memory_space<vmem_shared>> -> memref<10016x128xf32, #tpu.memory_space<vmem_shared>>
        tpu.wait_indirect_dma semaphore(%run_scoped3A : memref<!tpu.dma_semaphore, #tpu.memory_space<semaphore_mem>>) src(%arg10 : memref<128x128xf32, #tpu.memory_space<vmem>>) dst(%dma_wait3A_67 : memref<10016x128xf32, #tpu.memory_space<vmem_shared>>)
        tpu.yield
      }) : () -> ()
    }
    %scan3A_26 = arith.constant 20 : i32
    %barrier3A_27 = arith.constant 0 : index
    tpu.barrier barrier_id(%barrier3A_27)
    "tpu.region"() ({
      %run_scoped3A = tpu.sem_alloc : memref<!tpu.dma_semaphore, #tpu.memory_space<semaphore_mem>>
      %dma_start3A_28 = arith.constant 0 : i32
      %dma_start3A_29 = tpu.memref_slice %arg6[%arg0, %mul3A_2, %dma_start3A_28] : memref<2x10016x128xf32, #tpu.memory_space<hbm>> -> memref<1x656x128xf32, #tpu.memory_space<hbm>>
      %dma_start3A_30 = tpu.memref_squeeze %dma_start3A_29 : memref<1x656x128xf32, #tpu.memory_space<hbm>> -> memref<656x128xf32, #tpu.memory_space<hbm>>
      %dma_start3A_31 = arith.constant 0 : i32
      %dma_start3A_32 = tpu.memref_slice %arg11[%mul3A_2, %dma_start3A_31] : memref<10016x128xf32, #tpu.memory_space<vmem_shared>> -> memref<656x128xf32, #tpu.memory_space<vmem_shared>>
      tpu.enqueue_dma source(%dma_start3A_32 : memref<656x128xf32, #tpu.memory_space<vmem_shared>>) target(%dma_start3A_30 : memref<656x128xf32, #tpu.memory_space<hbm>>) target_semaphore(%run_scoped3A : memref<!tpu.dma_semaphore, #tpu.memory_space<semaphore_mem>>)
      %dma_wait3A = arith.constant 0 : i32
      %dma_wait3A_33 = tpu.memref_slice %arg6[%arg0, %mul3A_2, %dma_wait3A] : memref<2x10016x128xf32, #tpu.memory_space<hbm>> -> memref<1x656x128xf32, #tpu.memory_space<hbm>>
      %dma_wait3A_34 = tpu.memref_squeeze %dma_wait3A_33 : memref<1x656x128xf32, #tpu.memory_space<hbm>> -> memref<656x128xf32, #tpu.memory_space<hbm>>
      %dma_wait3A_35 = arith.constant 0 : i32
      %dma_wait3A_36 = tpu.memref_slice %arg11[%mul3A_2, %dma_wait3A_35] : memref<10016x128xf32, #tpu.memory_space<vmem_shared>> -> memref<656x128xf32, #tpu.memory_space<vmem_shared>>
      tpu.wait_dma2 semaphore(%run_scoped3A : memref<!tpu.dma_semaphore, #tpu.memory_space<semaphore_mem>>) src(%dma_wait3A_36 : memref<656x128xf32, #tpu.memory_space<vmem_shared>>) dst(%dma_wait3A_34 : memref<656x128xf32, #tpu.memory_space<hbm>>)
      tpu.yield
    }) : () -> ()
    return
  }
}

module attributes {stable_mosaic.version = 14 : i64} {
  func.func @_mm1_body(%arg0: i32, %arg1: memref<2x2000x128xf32, #tpu.memory_space<vmem>>, %arg2: memref<2000x128xf32, #tpu.memory_space<vmem>>, %arg3: memref<128x128xf32, #tpu.memory_space<vmem>>, %arg4: memref<2000x1xf32, #tpu.memory_space<vmem>>, %arg5: memref<2000x128xf32, #tpu.memory_space<vmem>>) attributes {dimension_semantics = [#tpu.dimension_semantics<arbitrary>], iteration_bounds = array<i64: 5>, scalar_prefetch = 0 : i64, scratch_operands = 0 : i64, tpu.core_type = #tpu.core_type<tc>, window_params = [{transform_indices = @transform_0, window_bounds = array<i64: 2, 2000, 128>}, {transform_indices = @transform_1, window_bounds = array<i64: 2000, 128>}, {pipeline_mode = #tpu.pipeline_mode<synchronous>, transform_indices = @transform_2, window_bounds = array<i64: 128, 128>}, {transform_indices = @transform_3, window_bounds = array<i64: 2000, 1>}, {transform_indices = @transform_4, window_bounds = array<i64: 2000, 128>}]} {
    %get3A = arith.constant 0 : index
    %get3A_0 = arith.constant 0 : index
    %get3A_1 = arith.constant 0 : index
    %get3A_2 = vector.load %arg1[%get3A, %get3A_0, %get3A_1] : memref<2x2000x128xf32, #tpu.memory_space<vmem>>, vector<1x2000x1xf32>
    %get3A_3 = vector.shape_cast %get3A_2 : vector<1x2000x1xf32> to vector<2000x1xf32>
    %get3A_4 = arith.constant 1 : index
    %get3A_5 = arith.constant 0 : index
    %get3A_6 = arith.constant 0 : index
    %get3A_7 = vector.load %arg1[%get3A_4, %get3A_5, %get3A_6] : memref<2x2000x128xf32, #tpu.memory_space<vmem>>, vector<1x2000x1xf32>
    %get3A_8 = vector.shape_cast %get3A_7 : vector<1x2000x1xf32> to vector<2000x1xf32>
    %add3A = arith.addf %get3A_3, %get3A_8 : vector<2000x1xf32>
    %add3A_9 = arith.constant 1.000000e+00 : f32
    %add3A_10 = vector.broadcast %add3A_9 : f32 to vector<2000x1xf32>
    %add3A_11 = arith.addf %add3A, %add3A_10 : vector<2000x1xf32>
    %rsqrt3A = math.rsqrt %add3A_11 : vector<2000x1xf32>
    %swap3A = arith.constant 0 : index
    %swap3A_12 = arith.constant 0 : index
    %swap3A_13 = vector.load %arg4[%swap3A, %swap3A_12] : memref<2000x1xf32, #tpu.memory_space<vmem>>, vector<2000x1xf32>
    tpu.vector_store %arg4[%swap3A, %swap3A_12], %rsqrt3A {strides = array<i32>} : memref<2000x1xf32, #tpu.memory_space<vmem>>, vector<2000x1xf32>,
    %get3A_14 = arith.constant 0 : index
    %get3A_15 = arith.constant 0 : index
    %get3A_16 = vector.load %arg2[%get3A_14, %get3A_15] : memref<2000x128xf32, #tpu.memory_space<vmem>>, vector<2000x128xf32>
    %get3A_17 = arith.constant 0 : index
    %get3A_18 = arith.constant 0 : index
    %get3A_19 = vector.load %arg3[%get3A_17, %get3A_18] : memref<128x128xf32, #tpu.memory_space<vmem>>, vector<128x128xf32>
    %dot_general3A = arith.constant dense<0.000000e+00> : vector<2000x128xf32>
    %dot_general3A_20 = tpu.matmul %get3A_16, %get3A_19, %dot_general3A {dimension_numbers = #tpu.dot_dimension_numbers<[1], [1], [0], [0], [0, 0, 1, 0], [], []>, transpose_lhs_hint = false} : vector<2000x128xf32>, vector<128x128xf32>, vector<2000x128xf32> -> vector<2000x128xf32>
    %mul3A = vector.broadcast %rsqrt3A : vector<2000x1xf32> to vector<2000x128xf32>
    %mul3A_21 = arith.mulf %dot_general3A_20, %mul3A : vector<2000x128xf32>
    %swap3A_22 = arith.constant 0 : index
    %swap3A_23 = arith.constant 0 : index
    %swap3A_24 = vector.load %arg5[%swap3A_22, %swap3A_23] : memref<2000x128xf32, #tpu.memory_space<vmem>>, vector<2000x128xf32>
    tpu.vector_store %arg5[%swap3A_22, %swap3A_23], %mul3A_21 {strides = array<i32>} : memref<2000x128xf32, #tpu.memory_space<vmem>>, vector<2000x128xf32>,
    return
  }
  func.func @transform_0(%arg0: i32) -> (i32, i32, i32) {
    %c0_i32 = arith.constant 0 : i32
    %c0_i32_0 = arith.constant 0 : i32
    %c0_i32_1 = arith.constant 0 : i32
    return %c0_i32, %arg0, %c0_i32_0 : i32, i32, i32
  }
  func.func @transform_1(%arg0: i32) -> (i32, i32) {
    %c0_i32 = arith.constant 0 : i32
    %c0_i32_0 = arith.constant 0 : i32
    return %arg0, %c0_i32 : i32, i32
  }
  func.func @transform_2(%arg0: i32) -> (i32, i32) {
    %c0_i32 = arith.constant 0 : i32
    %c0_i32_0 = arith.constant 0 : i32
    %c0_i32_1 = arith.constant 0 : i32
    return %c0_i32, %c0_i32_0 : i32, i32
  }
  func.func @transform_3(%arg0: i32) -> (i32, i32) {
    %c0_i32 = arith.constant 0 : i32
    %c0_i32_0 = arith.constant 0 : i32
    return %arg0, %c0_i32 : i32, i32
  }
  func.func @transform_4(%arg0: i32) -> (i32, i32) {
    %c0_i32 = arith.constant 0 : i32
    %c0_i32_0 = arith.constant 0 : i32
    return %arg0, %c0_i32 : i32, i32
  }
}

module attributes {stable_mosaic.version = 14 : i64} {
  func.func @_fin_body(%arg0: i32, %arg1: memref<2x2000x128xf32, #tpu.memory_space<vmem>>, %arg2: memref<2000x128xf32, #tpu.memory_space<vmem>>, %arg3: memref<2000x1xf32, #tpu.memory_space<vmem>>, %arg4: memref<1x128xf32, #tpu.memory_space<vmem>>, %arg5: memref<64x128xf32, #tpu.memory_space<vmem>>, %arg6: memref<1x64xf32, #tpu.memory_space<vmem>>, %arg7: memref<1x128xf32, #tpu.memory_space<vmem>>, %arg8: memref<1x64xf32, #tpu.memory_space<vmem>>) attributes {dimension_semantics = [#tpu.dimension_semantics<arbitrary>], iteration_bounds = array<i64: 5>, scalar_prefetch = 0 : i64, scratch_operands = 0 : i64, tpu.core_type = #tpu.core_type<tc>, window_params = [{transform_indices = @transform_0, window_bounds = array<i64: 2, 2000, 128>}, {transform_indices = @transform_1, window_bounds = array<i64: 2000, 128>}, {transform_indices = @transform_2, window_bounds = array<i64: 2000, 1>}, {pipeline_mode = #tpu.pipeline_mode<synchronous>, transform_indices = @transform_3, window_bounds = array<i64: 1, 128>}, {pipeline_mode = #tpu.pipeline_mode<synchronous>, transform_indices = @transform_4, window_bounds = array<i64: 64, 128>}, {pipeline_mode = #tpu.pipeline_mode<synchronous>, transform_indices = @transform_5, window_bounds = array<i64: 1, 64>}, {pipeline_mode = #tpu.pipeline_mode<synchronous>, transform_indices = @transform_6, window_bounds = array<i64: 1, 128>}, {pipeline_mode = #tpu.pipeline_mode<synchronous>, transform_indices = @transform_7, window_bounds = array<i64: 1, 64>}]} {
    %get3A = arith.constant 0 : index
    %get3A_0 = arith.constant 0 : index
    %get3A_1 = arith.constant 0 : index
    %get3A_2 = vector.load %arg1[%get3A, %get3A_0, %get3A_1] : memref<2x2000x128xf32, #tpu.memory_space<vmem>>, vector<1x2000x128xf32>
    %get3A_3 = vector.shape_cast %get3A_2 : vector<1x2000x128xf32> to vector<2000x128xf32>
    %get3A_4 = arith.constant 1 : index
    %get3A_5 = arith.constant 0 : index
    %get3A_6 = arith.constant 0 : index
    %get3A_7 = vector.load %arg1[%get3A_4, %get3A_5, %get3A_6] : memref<2x2000x128xf32, #tpu.memory_space<vmem>>, vector<1x2000x128xf32>
    %get3A_8 = vector.shape_cast %get3A_7 : vector<1x2000x128xf32> to vector<2000x128xf32>
    %add3A = arith.addf %get3A_3, %get3A_8 : vector<2000x128xf32>
    %get3A_9 = arith.constant 0 : index
    %get3A_10 = arith.constant 0 : index
    %get3A_11 = vector.load %arg2[%get3A_9, %get3A_10] : memref<2000x128xf32, #tpu.memory_space<vmem>>, vector<2000x128xf32>
    %add3A_12 = arith.addf %add3A, %get3A_11 : vector<2000x128xf32>
    %get3A_13 = arith.constant 0 : index
    %get3A_14 = arith.constant 0 : index
    %get3A_15 = vector.load %arg3[%get3A_13, %get3A_14] : memref<2000x1xf32, #tpu.memory_space<vmem>>, vector<2000x1xf32>
    %mul3A = vector.broadcast %get3A_15 : vector<2000x1xf32> to vector<2000x128xf32>
    %mul3A_16 = arith.mulf %add3A_12, %mul3A : vector<2000x128xf32>
    %get3A_17 = arith.constant 0 : index
    %get3A_18 = arith.constant 0 : index
    %get3A_19 = vector.load %arg4[%get3A_17, %get3A_18] : memref<1x128xf32, #tpu.memory_space<vmem>>, vector<1x128xf32>
    %add3A_20 = vector.broadcast %get3A_19 : vector<1x128xf32> to vector<2000x128xf32>
    %add3A_21 = arith.addf %mul3A_16, %add3A_20 : vector<2000x128xf32>
    %eq3A = arith.constant 0 : i32
    %eq3A_22 = arith.cmpi eq, %arg0, %eq3A : i32
    %convert_element_type3A = arith.extui %eq3A_22 : i1 to i32
    %cond3A = arith.constant 0 : i32
    %cond3A_23 = arith.cmpi ne, %convert_element_type3A, %cond3A : i32
    scf.if %cond3A_23 {
      %broadcast_in_dim3A_48 = arith.constant 0.000000e+00 : f32
      %broadcast_in_dim3A_49 = vector.broadcast %broadcast_in_dim3A_48 : f32 to vector<1x128xf32>
      %swap3A_50 = arith.constant 0 : index
      %swap3A_51 = arith.constant 0 : index
      %swap3A_52 = vector.load %arg7[%swap3A_50, %swap3A_51] : memref<1x128xf32, #tpu.memory_space<vmem>>, vector<1x128xf32>
      tpu.vector_store %arg7[%swap3A_50, %swap3A_51], %broadcast_in_dim3A_49 {strides = array<i32>} : memref<1x128xf32, #tpu.memory_space<vmem>>, vector<1x128xf32>,
    } else {
    }
    %get3A_24 = arith.constant 0 : index
    %get3A_25 = arith.constant 0 : index
    %get3A_26 = vector.load %arg7[%get3A_24, %get3A_25] : memref<1x128xf32, #tpu.memory_space<vmem>>, vector<1x128xf32>
    %reduce_sum3A = arith.constant dense<0.000000e+00> : vector<128xf32>
    %reduce_sum3A_27 = vector.multi_reduction <add>, %add3A_21, %reduce_sum3A [0] : vector<2000x128xf32> to vector<128xf32>
    %broadcast_in_dim3A = vector.shape_cast %reduce_sum3A_27 : vector<128xf32> to vector<1x128xf32>
    %add3A_28 = arith.addf %get3A_26, %broadcast_in_dim3A : vector<1x128xf32>
    %swap3A = arith.constant 0 : index
    %swap3A_29 = arith.constant 0 : index
    %swap3A_30 = vector.load %arg7[%swap3A, %swap3A_29] : memref<1x128xf32, #tpu.memory_space<vmem>>, vector<1x128xf32>
    tpu.vector_store %arg7[%swap3A, %swap3A_29], %add3A_28 {strides = array<i32>} : memref<1x128xf32, #tpu.memory_space<vmem>>, vector<1x128xf32>,
    %get3A_31 = arith.constant 0 : index
    %get3A_32 = arith.constant 0 : index
    %get3A_33 = vector.load %arg7[%get3A_31, %get3A_32] : memref<1x128xf32, #tpu.memory_space<vmem>>, vector<1x128xf32>
    %mul3A_34 = arith.constant 9.99999974E-5 : f32
    %mul3A_35 = vector.broadcast %mul3A_34 : f32 to vector<1x128xf32>
    %mul3A_36 = arith.mulf %get3A_33, %mul3A_35 : vector<1x128xf32>
    %get3A_37 = arith.constant 0 : index
    %get3A_38 = arith.constant 0 : index
    %get3A_39 = vector.load %arg5[%get3A_37, %get3A_38] : memref<64x128xf32, #tpu.memory_space<vmem>>, vector<64x128xf32>
    %dot_general3A = arith.constant dense<0.000000e+00> : vector<1x64xf32>
    %dot_general3A_40 = tpu.matmul %mul3A_36, %get3A_39, %dot_general3A {dimension_numbers = #tpu.dot_dimension_numbers<[1], [1], [0], [0], [0, 0, 1, 0], [], []>, transpose_lhs_hint = false} : vector<1x128xf32>, vector<64x128xf32>, vector<1x64xf32> -> vector<1x64xf32>
    %get3A_41 = arith.constant 0 : index
    %get3A_42 = arith.constant 0 : index
    %get3A_43 = vector.load %arg6[%get3A_41, %get3A_42] : memref<1x64xf32, #tpu.memory_space<vmem>>, vector<1x64xf32>
    %add3A_44 = arith.addf %dot_general3A_40, %get3A_43 : vector<1x64xf32>
    %swap3A_45 = arith.constant 0 : index
    %swap3A_46 = arith.constant 0 : index
    %swap3A_47 = vector.load %arg8[%swap3A_45, %swap3A_46] : memref<1x64xf32, #tpu.memory_space<vmem>>, vector<1x64xf32>
    tpu.vector_store %arg8[%swap3A_45, %swap3A_46], %add3A_44 {strides = array<i32>} : memref<1x64xf32, #tpu.memory_space<vmem>>, vector<1x64xf32>,
    return
  }
  func.func @transform_0(%arg0: i32) -> (i32, i32, i32) {
    %c0_i32 = arith.constant 0 : i32
    %c0_i32_0 = arith.constant 0 : i32
    %c0_i32_1 = arith.constant 0 : i32
    return %c0_i32, %arg0, %c0_i32_0 : i32, i32, i32
  }
  func.func @transform_1(%arg0: i32) -> (i32, i32) {
    %c0_i32 = arith.constant 0 : i32
    %c0_i32_0 = arith.constant 0 : i32
    return %arg0, %c0_i32 : i32, i32
  }
  func.func @transform_2(%arg0: i32) -> (i32, i32) {
    %c0_i32 = arith.constant 0 : i32
    %c0_i32_0 = arith.constant 0 : i32
    return %arg0, %c0_i32 : i32, i32
  }
  func.func @transform_3(%arg0: i32) -> (i32, i32) {
    %c0_i32 = arith.constant 0 : i32
    %c0_i32_0 = arith.constant 0 : i32
    %c0_i32_1 = arith.constant 0 : i32
    return %c0_i32, %c0_i32_0 : i32, i32
  }
  func.func @transform_4(%arg0: i32) -> (i32, i32) {
    %c0_i32 = arith.constant 0 : i32
    %c0_i32_0 = arith.constant 0 : i32
    %c0_i32_1 = arith.constant 0 : i32
    return %c0_i32, %c0_i32_0 : i32, i32
  }
  func.func @transform_5(%arg0: i32) -> (i32, i32) {
    %c0_i32 = arith.constant 0 : i32
    %c0_i32_0 = arith.constant 0 : i32
    %c0_i32_1 = arith.constant 0 : i32
    return %c0_i32, %c0_i32_0 : i32, i32
  }
  func.func @transform_6(%arg0: i32) -> (i32, i32) {
    %c0_i32 = arith.constant 0 : i32
    %c0_i32_0 = arith.constant 0 : i32
    %c0_i32_1 = arith.constant 0 : i32
    return %c0_i32, %c0_i32_0 : i32, i32
  }
  func.func @transform_7(%arg0: i32) -> (i32, i32) {
    %c0_i32 = arith.constant 0 : i32
    %c0_i32_0 = arith.constant 0 : i32
    %c0_i32_1 = arith.constant 0 : i32
    return %c0_i32, %c0_i32_0 : i32, i32
  }
}

module attributes {stable_mosaic.version = 14 : i64} {
  func.func @_mid_body(%arg0: i32, %arg1: memref<2x2000x128xf32, #tpu.memory_space<vmem>>, %arg2: memref<2000x128xf32, #tpu.memory_space<vmem>>, %arg3: memref<2000x1xf32, #tpu.memory_space<vmem>>, %arg4: memref<1x128xf32, #tpu.memory_space<vmem>>, %arg5: memref<128x128xf32, #tpu.memory_space<vmem>>, %arg6: memref<2000x128xf32, #tpu.memory_space<vmem>>) attributes {dimension_semantics = [#tpu.dimension_semantics<arbitrary>], iteration_bounds = array<i64: 5>, scalar_prefetch = 0 : i64, scratch_operands = 0 : i64, tpu.core_type = #tpu.core_type<tc>, window_params = [{transform_indices = @transform_0, window_bounds = array<i64: 2, 2000, 128>}, {transform_indices = @transform_1, window_bounds = array<i64: 2000, 128>}, {transform_indices = @transform_2, window_bounds = array<i64: 2000, 1>}, {pipeline_mode = #tpu.pipeline_mode<synchronous>, transform_indices = @transform_3, window_bounds = array<i64: 1, 128>}, {pipeline_mode = #tpu.pipeline_mode<synchronous>, transform_indices = @transform_4, window_bounds = array<i64: 128, 128>}, {transform_indices = @transform_5, window_bounds = array<i64: 2000, 128>}]} {
    %get3A = arith.constant 0 : index
    %get3A_0 = arith.constant 0 : index
    %get3A_1 = vector.load %arg3[%get3A, %get3A_0] : memref<2000x1xf32, #tpu.memory_space<vmem>>, vector<2000x1xf32>
    %get3A_2 = arith.constant 0 : index
    %get3A_3 = arith.constant 0 : index
    %get3A_4 = arith.constant 0 : index
    %get3A_5 = vector.load %arg1[%get3A_2, %get3A_3, %get3A_4] : memref<2x2000x128xf32, #tpu.memory_space<vmem>>, vector<1x2000x128xf32>
    %get3A_6 = vector.shape_cast %get3A_5 : vector<1x2000x128xf32> to vector<2000x128xf32>
    %get3A_7 = arith.constant 1 : index
    %get3A_8 = arith.constant 0 : index
    %get3A_9 = arith.constant 0 : index
    %get3A_10 = vector.load %arg1[%get3A_7, %get3A_8, %get3A_9] : memref<2x2000x128xf32, #tpu.memory_space<vmem>>, vector<1x2000x128xf32>
    %get3A_11 = vector.shape_cast %get3A_10 : vector<1x2000x128xf32> to vector<2000x128xf32>
    %add3A = arith.addf %get3A_6, %get3A_11 : vector<2000x128xf32>
    %get3A_12 = arith.constant 0 : index
    %get3A_13 = arith.constant 0 : index
    %get3A_14 = vector.load %arg2[%get3A_12, %get3A_13] : memref<2000x128xf32, #tpu.memory_space<vmem>>, vector<2000x128xf32>
    %add3A_15 = arith.addf %add3A, %get3A_14 : vector<2000x128xf32>
    %mul3A = vector.broadcast %get3A_1 : vector<2000x1xf32> to vector<2000x128xf32>
    %mul3A_16 = arith.mulf %add3A_15, %mul3A : vector<2000x128xf32>
    %get3A_17 = arith.constant 0 : index
    %get3A_18 = arith.constant 0 : index
    %get3A_19 = vector.load %arg4[%get3A_17, %get3A_18] : memref<1x128xf32, #tpu.memory_space<vmem>>, vector<1x128xf32>
    %add3A_20 = vector.broadcast %get3A_19 : vector<1x128xf32> to vector<2000x128xf32>
    %add3A_21 = arith.addf %mul3A_16, %add3A_20 : vector<2000x128xf32>
    %max3A = arith.constant 0.000000e+00 : f32
    %max3A_22 = vector.broadcast %max3A : f32 to vector<2000x128xf32>
    %max3A_23 = arith.maximumf %add3A_21, %max3A_22 : vector<2000x128xf32>
    %get3A_24 = arith.constant 0 : index
    %get3A_25 = arith.constant 0 : index
    %get3A_26 = vector.load %arg5[%get3A_24, %get3A_25] : memref<128x128xf32, #tpu.memory_space<vmem>>, vector<128x128xf32>
    %dot_general3A = arith.constant dense<0.000000e+00> : vector<2000x128xf32>
    %dot_general3A_27 = tpu.matmul %max3A_23, %get3A_26, %dot_general3A {dimension_numbers = #tpu.dot_dimension_numbers<[1], [1], [0], [0], [0, 0, 1, 0], [], []>, transpose_lhs_hint = false} : vector<2000x128xf32>, vector<128x128xf32>, vector<2000x128xf32> -> vector<2000x128xf32>
    %mul3A_28 = vector.broadcast %get3A_1 : vector<2000x1xf32> to vector<2000x128xf32>
    %mul3A_29 = arith.mulf %dot_general3A_27, %mul3A_28 : vector<2000x128xf32>
    %swap3A = arith.constant 0 : index
    %swap3A_30 = arith.constant 0 : index
    %swap3A_31 = vector.load %arg6[%swap3A, %swap3A_30] : memref<2000x128xf32, #tpu.memory_space<vmem>>, vector<2000x128xf32>
    tpu.vector_store %arg6[%swap3A, %swap3A_30], %mul3A_29 {strides = array<i32>} : memref<2000x128xf32, #tpu.memory_space<vmem>>, vector<2000x128xf32>,
    return
  }
  func.func @transform_0(%arg0: i32) -> (i32, i32, i32) {
    %c0_i32 = arith.constant 0 : i32
    %c0_i32_0 = arith.constant 0 : i32
    %c0_i32_1 = arith.constant 0 : i32
    return %c0_i32, %arg0, %c0_i32_0 : i32, i32, i32
  }
  func.func @transform_1(%arg0: i32) -> (i32, i32) {
    %c0_i32 = arith.constant 0 : i32
    %c0_i32_0 = arith.constant 0 : i32
    return %arg0, %c0_i32 : i32, i32
  }
  func.func @transform_2(%arg0: i32) -> (i32, i32) {
    %c0_i32 = arith.constant 0 : i32
    %c0_i32_0 = arith.constant 0 : i32
    return %arg0, %c0_i32 : i32, i32
  }
  func.func @transform_3(%arg0: i32) -> (i32, i32) {
    %c0_i32 = arith.constant 0 : i32
    %c0_i32_0 = arith.constant 0 : i32
    %c0_i32_1 = arith.constant 0 : i32
    return %c0_i32, %c0_i32_0 : i32, i32
  }
  func.func @transform_4(%arg0: i32) -> (i32, i32) {
    %c0_i32 = arith.constant 0 : i32
    %c0_i32_0 = arith.constant 0 : i32
    %c0_i32_1 = arith.constant 0 : i32
    return %c0_i32, %c0_i32_0 : i32, i32
  }
  func.func @transform_5(%arg0: i32) -> (i32, i32) {
    %c0_i32 = arith.constant 0 : i32
    %c0_i32_0 = arith.constant 0 : i32
    return %arg0, %c0_i32 : i32, i32
  }
}

</mosaic_0001>

<sc_bundles>
// kernel: kernel.10.cloned.1.call-start
scs
__scs_entry_jumppad:
0x0: {  	(pc) =	sbr.rel $0x88, $3  }
0x1: {  	(tag) =	ssettag $0x0;
	lr =	simm.s32 $0x1  }
0x2: {  	[smem:$0x3F97] =	sst lr;
	_ =	strace $0xD0000000  }
0x3: {  	_ = 	snop  }
0x4: {  	_ = 	snop  }
0x5: {  	_ = 	snop  }
0x6: {  	_ = 	snop  }
0x7: {  	_ = 	snop  }
__scs_overlays_trampoline_lowered:
0x8: {  	[smem:$0x3FA6] =	sst s0  }
0x9: {  	[smem:$0x3FA7] =	sst s1  }
0xa: {  	[smem:$0x3FA8] =	sst s2  }
0xb: {  	[smem:$0x3FA9] =	sst s3  }
0xc: {  	[smem:$0x3FAA] =	sst s4  }
0xd: {  	[smem:$0x3FAB] =	sst s5  }
0xe: {  	[smem:$0x3FAC] =	sst s6  }
0xf: {  	[smem:$0x3FAD] =	sst s7  }
0x10: {  	[smem:$0x3FAE] =	sst s8  }
0x11: {  	[smem:$0x3FAF] =	sst s9;
	s0 =	simm.s32 @!p0 $0x0  }
0x12: {  	s1 =	sld [smem:$0x3F95];
	s0 =	simm.s32 @p0 $0x1  }
0x13: {  	[smem:$0x3FB0] =	sst s0;
	s0 =	simm.s32 @!p1 $0x0  }
0x14: {  	s2 =	sld [smem:$0x3F94];
	s0 =	simm.s32 @p1 $0x1  }
0x15: {  	[smem:$0x3FB1] =	sst s0;
	s0 =	simm.s32 @!p2 $0x0  }
0x16: {  	s3 =	sld [smem:$0x3FDB];
	s0 =	simm.s32 @p2 $0x1  }
0x17: {  	s4 =	simm.s32 $0x1BF5;
	[smem:$0x3FB3] =	sst s0  }
0x18: {  	s0 =	sld [smem:$0x3F96];
	_ =	swait.ge [sflag:s4], $0x0  }
0x19: {  	s7 =	sld [smem:$0x3F97]  }
0x1a: {  	s8 =	sadd.s32 $0xFFFFE003, lr  }
0x1b: {  	s9 =	sadd.s32 $0xFFFFFEF7, lr;
	s5 =	simm.s32 $0xFFFFFFFF;
	p2 =	slt.u32 s8, $0xFFFFF086  }
0x1c: {  	p1 =	slt.u32 s9, $0xF7A;
	s5 =	simm.s32 @!p2 $0x0  }
0x1d: {  	s5 =	simm.s32 @p1 $0x1;
	p0 =	seq.s32 s7, s2  }
0x1e: {  	s7 =	smul.u32 @!p0 $0xF7A, s2;
	p2 =	seq.s32 @!p0 s5, $0x0  }
0x1f: {  	s9 =	smul.u32 $0xF7A, s1;
	s8 =	simm.s32 @!p0 $0x1BF5;
	p2 =	por !p2, p0  }
0x20: {  	[sflag:s8] =	ssyncset.s32 @!p0 $0xFFFFF086;
	s6 =	sadd.s32 @!p0 s3, s7;
	s7 =	simm.s32 @!p0 $0x108  }
0x21: {  	s3 =	sadd.s32 s3, s9;
	s6 =	sadd.s32 @!p0 $0x88, s6;
	s7 =	simm.s32 @p2 $0x1082  }
0x22: {  	[simem:s7], [sflag:s8] =	dma.local @!p0 [hbm:s6], $0xF7A  }
0x23: {  	s9 =	sor.u32 $0xD0000000, s2;
	s6 =	simm.s32 $0x108;
	_ =	swait.ge @!p0 [sflag:s8], $0x0  }
0x24: {  	s3 =	sadd.s32 $0x88, s3;
	s6 =	simm.s32 @!p1 $0x1082;
	[sflag:s4] =	ssyncset.s32 $0xFFFFF086  }
0x25: {  	[simem:s6], [sflag:s4] =	dma.local [hbm:s3], $0xF7A  }
0x26: {  	[smem:$0x3F97] =	sst s1;
	(tag) =	ssettag s2;
	_ =	strace s9  }
0x27: {  	s1 =	sld [smem:$0x3FA7]  }
0x28: {  	s2 =	sld [smem:$0x3FA8]  }
0x29: {  	s4 =	sld [smem:$0x3FAA]  }
0x2a: {  	p0 =	seq.s32 s5, $0x0;
	s5 =	sld [smem:$0x3FAB]  }
0x2b: {  	s6 =	sld [smem:$0x3FAC]  }
0x2c: {  	s7 =	sld [smem:$0x3FAD]  }
0x2d: {  	s3 =	simm.s32 $0x108;
	s8 =	sld [smem:$0x3FAE]  }
0x2e: {  	s3 =	simm.s32 @!p0 $0x1082;
	s9 =	sld [smem:$0x3FAF]  }
0x2f: {  	lr =	sadd.s32 s0, s3;
	s0 =	sld [smem:$0x3FA6]  }
0x30: {  	s3 =	sld [smem:$0x3FA9]  }
0x31: {  	[smem:$0x3FB2] =	sst s10  }
0x32: {  	s10 =	sld [smem:$0x3FB0];
	_ =	sdelay $0x3  }
0x33: {  	p0 =	seq.s32 s10, $0x1;
	s10 =	sld [smem:$0x3FB2];
	_ =	sdelay $0x3  }
0x34: {  	[smem:$0x3FB2] =	sst s10  }
0x35: {  	s10 =	sld [smem:$0x3FB1];
	_ =	sdelay $0x3  }
0x36: {  	p1 =	seq.s32 s10, $0x1;
	s10 =	sld [smem:$0x3FB2];
	_ =	sdelay $0x3  }
0x37: {  	[smem:$0x3FB2] =	sst s10  }
0x38: {  	s10 =	sld [smem:$0x3FB3]  }
0x39: {  	_ = 	snop;
	(pc) =	sbr.ind lr, $3  }
0x3a: {  	_ = 	snop  }
0x3b: {  	_ = 	snop  }
0x3c: {  	p2 =	seq.s32 s10, $0x1;
	s10 =	sld [smem:$0x3FB2]  }
0x3d: {  	_ =	shalt  }
0x3e: {  	_ =	shalt  }
0x3f: {  	_ =	shalt  }
0x40: {  	_ =	shalt  }
0x41: {  	_ =	shalt  }
0x42: {  	_ =	shalt  }
0x43: {  	_ =	shalt  }
0x44: {  	_ =	shalt  }
0x45: {  	_ =	shalt  }
0x46: {  	_ =	shalt  }
0x47: {  	_ =	shalt  }
0x48: {  	_ =	shalt  }
0x49: {  	_ =	shalt  }
0x4a: {  	_ =	shalt  }
0x4b: {  	_ =	shalt  }
0x4c: {  	_ =	shalt  }
0x4d: {  	_ =	shalt  }
0x4e: {  	_ =	shalt  }
0x4f: {  	_ =	shalt  }
0x50: {  	_ =	shalt  }
0x51: {  	_ =	shalt  }
0x52: {  	_ =	shalt  }
0x53: {  	_ =	shalt  }
0x54: {  	_ =	shalt  }
0x55: {  	_ =	shalt  }
0x56: {  	_ =	shalt  }
0x57: {  	_ =	shalt  }
0x58: {  	_ =	shalt  }
0x59: {  	_ =	shalt  }
0x5a: {  	_ =	shalt  }
0x5b: {  	_ =	shalt  }
0x5c: {  	_ =	shalt  }
0x5d: {  	_ =	shalt  }
0x5e: {  	_ =	shalt  }
0x5f: {  	_ =	shalt  }
0x60: {  	_ =	shalt  }
0x61: {  	_ =	shalt  }
0x62: {  	_ =	shalt  }
0x63: {  	_ =	shalt  }
0x64: {  	_ =	shalt  }
0x65: {  	_ =	shalt  }
0x66: {  	_ =	shalt  }
0x67: {  	_ =	shalt  }
0x68: {  	_ =	shalt  }
0x69: {  	_ =	shalt  }
0x6a: {  	_ =	shalt  }
0x6b: {  	_ =	shalt  }
0x6c: {  	_ =	shalt  }
0x6d: {  	_ =	shalt  }
0x6e: {  	_ =	shalt  }
0x6f: {  	_ =	shalt  }
0x70: {  	_ =	shalt  }
0x71: {  	_ =	shalt  }
0x72: {  	_ =	shalt  }
0x73: {  	_ =	shalt  }
0x74: {  	_ =	shalt  }
0x75: {  	_ =	shalt  }
0x76: {  	_ =	shalt  }
0x77: {  	_ =	shalt  }
0x78: {  	_ =	shalt  }
0x79: {  	_ =	shalt  }
0x7a: {  	_ =	shalt  }
0x7b: {  	_ =	shalt  }
0x7c: {  	_ =	shalt  }
0x7d: {  	_ =	shalt  }
0x7e: {  	_ =	shalt  }
0x7f: {  	_ =	shalt  }
0x80: {  	_ =	shalt  }
0x81: {  	_ =	shalt  }
0x82: {  	_ =	shalt  }
0x83: {  	_ =	shalt  }
0x84: {  	_ =	shalt  }
0x85: {  	_ =	shalt  }
0x86: {  	_ =	shalt  }
0x87: {  	_ =	shalt  }
.Lfunc_end0:
.L_simem_size_0:
called_computation_lowered:
.L_overlay_start_0:
0x88: {  	s2 =	sld [smem:$0x3FD9]  }
0x89: {  	s3 =	sld [smem:$0x3FFE];
	_ =	sdelay $0x1  }
0x8a: {  	s1 =	srdreg.scid  }
0x8b: {  	s0 =	sand.u32 $0x1, s1  }
0x8c: {  	s16 =	sshll.u32 s0, $0xA;
	s2 =	sadd.s32 s3, s2  }
0x8d: {  	s2 =	sadd.s32 s2, s16  }
0x8e: {  	[smem:$0x3FBE] =	sst s2  }
0x8f: {  	_ = 	snop  }
0x90: {  	(tm) =	ssettm $0x1  }
0x91: {  	s17 =	sld [smem:$0x3FFB];
	_ =	sdelay $0x3  }
0x92: {  	_ =	strace s17  }
0x93: {  	s2 =	sld [smem:$0x3FFC];
	_ =	sdelay $0x3  }
0x94: {  	_ =	strace s2  }
0x95: {  	s2 =	sld [smem:$0x3FFD];
	_ =	sdelay $0x3  }
0x96: {  	_ =	strace s2  }
0x97: {  	_ =	strace $0x8FFFFFFF  }
0x98: {  	s18 =	sld [smem:$0x3FDB];
	_ =	sdelay $0x1  }
0x99: {  	s19 =	simm.s32 $_scs_section_size  }
0x9a: {  	s4 =	simm.s32 $_size__tile_overlayer_lowered;
	s5 =	simm.s32 $_tile_overlayer_lowered  }
0x9b: {  	s22 =	simm.s32 $0x1BFF;
	s21 =	sshll.u32 s5, $0x1;
	s2 =	sadd.s32 s19, s18  }
0x9c: {  	s6 =	simm.s32 $0x0;
	s20 =	sshll.u32 s4, $0x1;
	s4 =	sadd.s32 s21, s2  }
0x9d: {  	[timem:s6], [sflag:s22] =	dma.local [hbm:s4], s20  }
0x9e: {  	_ =	swait.ge [sflag:s22], s20  }
0x9f: {  	s3 =	ssub.s32 $0x0, s20;
	[sflag:s22] =	ssyncset.done $0x0  }
0xa0: {  	[sflag:s22] =	ssyncadd.s32 s3;
	_ =	sdelay $0x1  }
0xa1: {  	s23 =	simm.s32 $0x1B8B  }
0xa2: {  	_ =	swait.ge [sflag:s23], $0x1  }
0xa3: {  	[sflag:s23] =	ssyncset.done $0x0  }
0xa4: {  	s25 =	simm.s32 $0x1B8E;
	s24 =	sld [smem:$0x3FFE];
	[sflag:s23] =	ssyncadd.s32 $0xFFFFFFFF  }
0xa5: {  	s26 =	simm.s32 $execute0_lowered;
	[smem:$0x3FD2] =	sst s25  }
0xa6: {  	s4 =	sshll.u32 s26, $0x1;
	_ =	strace $0x80000046;
	[dreg:$0x1] =	wrdreg $0xFFFFFFFF  }
0xa7: {  	s28 =	simm.s32 $_size_execute0_lowered;
	s2 =	sadd.s32 s2, s4;
	[dreg:$0x0] =	wrdreg $0x0  }
0xa8: {  	s4 =	sshll.u32 s28, $0x1;
	[dreg:$0x2] =	wrdreg s2  }
0xa9: {  	[dreg:$0x3] =	wrdreg s4  }
0xaa: {  	[dreg:$0x4] =	wrdreg $0xC0  }
0xab: {  	_ =	task [dreg:s6], $0x5FFFF  }
0xac: {  	[dreg:$0x1] =	wrdreg $0xFFFFFFFF  }
0xad: {  	[dreg:$0x0] =	wrdreg $0x60  }
0xae: {  	[dreg:$0x2] =	wrdreg s24  }
0xaf: {  	[dreg:$0x3] =	wrdreg $0x68000  }
0xb0: {  	[dreg:$0x4] =	wrdreg $0x9  }
0xb1: {  	_ =	task.clear_ibuf [dreg:s6], $0x5FFFF;
	_ =	strace $0x90000046  }
0xb2: {  	s29 =	simm.s32 $0x9;
	_ =	strace $0x80000048  }
0xb3: {  	_ =	swait.ge [sflag:s29], $0x1  }
0xb4: {  	[sflag:s29] =	ssyncadd.s32 $0xFFFFFFFF  }
0xb5: {  	_ =	strace $0x90000048  }
0xb6: {  	_ =	sfence  }
0xb7: {  	s30 =	sld [smem:$0x0];
	_ =	sdelay $0x2  }
0xb8: {  	s31 =	sshll.u32 s1, $0xD;
	s1 =	sshrl.u32 s1, $0x2  }
0xb9: {  	s3 =	sand.u32 $0x4000, s31;
	s1 =	sadd.s32 s1, s30  }
0xba: {  	s0 =	sor.u32 s3, s0;
	s1 =	sshll.u32 s1, $0x11  }
0xbb: {  	s0 =	sor.u32 s1, s0  }
0xbc: {  	s0 =	sadd.s32 $0x8F2B, s0  }
0xbd: {  	[sflag:s0] =	ssyncadd.remote.s32 $0x1  }
0xbe: {  	_ =	sfence.sel $0xFFFF  }
0xbf: {  	[dreg:$0x0] =	wrdreg $0xFFFFFFFF;
	(pc) =	sbr.abs _section_cstart, $3  }
0xc0: {  	[dreg:$0x1] =	wrdreg $0xFFFFFFFF  }
0xc1: {  	_ =	task.clear_ibuf [dreg:s6], $0x2FFFF;
	_ =	strace $0x9FFFFFFF  }
0xc2: {  	(tm) =	ssettm $0x7FFFFFFF  }
0xc3: {  	_ =	shalt  }
tec
execute0_lowered:
.L_overlay_start_1:
0x0: {  	(tag) =	ssettag $0x1  }
0x1: {  	s7 =	rddreg [dreg:$0x0]  }
0x2: {  	s0 =	srdreg.scid;
	s2 =	rddreg [dreg:$0x1]  }
0x3: {  	s3 =	simm.s32 $0x0;
	s13 =	simm.s32 $0x80;
	s6 =	sand.u32 $0x1, s0  }
0x4: {  	s14 =	simm.s32 $0x0;
	s0 =	stileid.u32;
	s5 =	smul.u32 $0x139000, s6  }
0x5: {  	[smem:$0x7FF] =	sst s3;
	s1 =	sshll.u32 s6, $0x4;
	s8 =	smul.u32 $0x13800, s0  }
0x6: {  	s10 =	smul.u32 $0x4E000, s0;
	s6 =	ssub.s32 $0x2, s6;
	s11 =	sshll.u32 s0, $0x6  }
0x7: {  	s1 =	sor.u32 s0, s1;
	s31 =	sshrl.u32 s6, $0x1;
	s11 =	sor.u32 $0x1C01, s11  }
0x8: {  	s4 =	smul.u32 $0x500, s1;
	s1 =	rddreg [dreg:$0x2];
	_ =	strace $0x80000047  }
0x9: {  	s8 =	sadd.s32 s8, s5;
	s5 =	sadd.s32 $0xE000, s7;
	s10 =	sshrl.u32 s10, $0x2  }
0xa: {  	s8 =	sshrl.u32 s8, $0x3;
	s12 =	sadd.s32 s10, s2;
	s10 =	simm.s32 $0x2800  }
0xb: {  	s9 =	sadd.s32 s4, s7;
	s4 =	sadd.s32 $0xD800, s7;
	s7 =	sadd.s32 s8, s7  }
0xc: {  	s8 =	ssub.s32 s6, s31;
	s12 =	sshrl.u32 s12, $0x3;
	s6 =	sadd.s32 $0x3800, s9  }
0xd: {  	s7 =	sadd.s32 $0x10A00, s7;
	s8 =	smax.u32 s8, $0x1;
	s9 =	simm.s32 $0x1  }
.LBB2_1:
0xe: {  	[tilespmem:s3], [sflag:$0x1] =	stream.linear.gather [hbm4b:s6+s3], $0x2800, $0x38;
	[tilespmem:$0x1A100] =	vst v63  }
0xf: {  	_ =	swait.ge [sflag:s9], $0x2800  }
0x10: {  	[sflag:s9] =	ssyncset.done $0x0  }
0x11: {  	[sflag:s9] =	ssyncadd.s32 $0xFFFFD800  }
0x12: {  	[tilespmem:s10], [sflag:$0x1] =	stream.linear.gather [hbm4b:s4+s3], $0x4000, $0x38;
	[tilespmem:$0x1A100] =	vst v63  }
0x13: {  	_ =	swait.ge [sflag:s9], $0x4000  }
0x14: {  	[sflag:s9] =	ssyncset.done $0x0  }
0x15: {  	[sflag:s9] =	ssyncadd.s32 $0xFFFFC000  }
0x16: {  	[spmem:s12], [sflag:s11] =	dma.local [hbm:s5], $0x2900  }
0x17: {  	_ =	swait.ge [sflag:s9], $0x2900  }
0x18: {  	[sflag:s9] =	ssyncset.done $0x0  }
0x19: {  	[sflag:s9] =	ssyncadd.s32 $0xFFFFD700  }
0x1a: {  	s15 =	simm.s32 $0x0;
	[bflag:$0x0] =	sbarrier.arrive $0xFFFF  }
0x1b: {  	[spmem:s2] =	stream.indirect.scatter.add.f32 [tilespmem:s10], [sflag:$0x1], $0x80, s15, s13, $0xb8;
	[tilespmem:$0x1A100] =	vst v63  }
0x1c: {  	_ =	swait.ge [sflag:s9], $0x4000  }
0x1d: {  	s15 =	simm.s32 $0x200;
	[sflag:s9] =	ssyncset.done $0x0  }
.LBB2_2:
0x1e: {  	s16 =	sshra.s32 s15, $0x2;
	[sflag:s9] =	ssyncadd.s32 $0xFFFFC000;
	p0 =	sne.s32 s15, $0x9E00  }
0x1f: {  	[spmem:s2] =	stream.indirect.scatter.add.f32 [tilespmem:s10], [sflag:$0x1], $0x80, s16, s13, $0xb8;
	[tilespmem:$0x1A100] =	vst v63  }
.Ltmp0:
0x20: {  	_ = 	snop;
	(pc) =	sbr.rel @p0 .LBB2_2-.Ltmp0, $4  }
0x21: {  	_ = 	snop  }
0x22: {  	s15 =	sadd.s32 $0x200, s15  }
0x23: {  	_ =	swait.ge [sflag:s9], $0x4000  }
0x24: {  	[sflag:s9] =	ssyncset.done $0x0  }
0x25: {  	s14 =	sadd.s32 $0x1, s14  }
0x26: {  	[sflag:s9] =	ssyncadd.s32 $0xFFFFC000;
	p0 =	sne.s32 s14, s8  }
.Ltmp1:
0x27: {  	[bflag:$0x0] =	sbarrier.arrive $0xFFFF;
	(pc) =	sbr.rel @p0 .LBB2_1-.Ltmp1, $4  }
0x28: {  	[hbm:s7], [sflag:s11] =	dma.local [spmem:s12], $0x2900  }
0x29: {  	_ =	swait.ge [sflag:s9], $0x2900  }
0x2a: {  	[sflag:s9] =	ssyncset.done $0x0  }
0x2b: {  	[sflag:s9] =	ssyncadd.s32 $0xFFFFD700  }
0x2c: {  	_ =	sfence.sel $0x180000  }
0x2d: {  	[bflag:$0x0] =	sbarrier.arrive $0xFFFF  }
0x2e: {  	p0 =	sne.s32 s0, $0x0;
	_ =	strace $0x90000047  }
0x2f: {  	s0 =	sadd.s32 @!p0 $0x100000, s1;
	[bflag:$0x2] =	sbarrier.arrive $0xFFFF  }
0x30: {  	[sflag:s0] =	ssyncadd.tile.s32 @!p0 $0x1;
	_ =	shalt  }
.Lfunc_end2:
_tile_overlayer_lowered:
.L_overlay_start_2:
0x31: {  	(tag) =	ssettag $0x2  }
0x32: {  	s0 =	rddreg [dreg:$0x0];
	s2 =	stileid.u32  }
0x33: {  	s1 =	rddreg [dreg:$0x1];
	p0 =	sne.s32 s2, $0x0  }
0x34: {  	s3 =	rddreg [dreg:$0x2];
	[bflag:$0x3] =	sbarrier.arrive $0xFFFF;
	s2 =	simm.s32 @!p0 $0x1C01  }
0x35: {  	[timem:s3], [sflag:s2] =	dma.local @!p0 [hbm:s0], s1  }
0x36: {  	s0 =	simm.s32 @!p0 $0x1  }
0x37: {  	_ =	swait.ge @!p0 [sflag:s0], s1  }
0x38: {  	s1 =	ssub.s32 @!p0 $0x0, s1;
	[sflag:s0] =	ssyncset.done @!p0 $0x0  }
0x39: {  	[sflag:s0] =	ssyncadd.s32 @!p0 s1  }
0x3a: {  	[bflag:$0x3] =	sbarrier.arrive $0xFFFF  }
0x3b: {  	_ =	shalt  }

// kernel: kernel.13.cloned.1.call-start
scs
__scs_entry_jumppad:
0x0: {  	(pc) =	sbr.rel $0x88, $3  }
0x1: {  	(tag) =	ssettag $0x0;
	lr =	simm.s32 $0x1  }
0x2: {  	[smem:$0x3F97] =	sst lr;
	_ =	strace $0xD0000000  }
0x3: {  	_ = 	snop  }
0x4: {  	_ = 	snop  }
0x5: {  	_ = 	snop  }
0x6: {  	_ = 	snop  }
0x7: {  	_ = 	snop  }
__scs_overlays_trampoline_lowered:
0x8: {  	[smem:$0x3FA6] =	sst s0  }
0x9: {  	[smem:$0x3FA7] =	sst s1  }
0xa: {  	[smem:$0x3FA8] =	sst s2  }
0xb: {  	[smem:$0x3FA9] =	sst s3  }
0xc: {  	[smem:$0x3FAA] =	sst s4  }
0xd: {  	[smem:$0x3FAB] =	sst s5  }
0xe: {  	[smem:$0x3FAC] =	sst s6  }
0xf: {  	[smem:$0x3FAD] =	sst s7  }
0x10: {  	[smem:$0x3FAE] =	sst s8  }
0x11: {  	[smem:$0x3FAF] =	sst s9;
	s0 =	simm.s32 @!p0 $0x0  }
0x12: {  	s1 =	sld [smem:$0x3F95];
	s0 =	simm.s32 @p0 $0x1  }
0x13: {  	[smem:$0x3FB0] =	sst s0;
	s0 =	simm.s32 @!p1 $0x0  }
0x14: {  	s2 =	sld [smem:$0x3F94];
	s0 =	simm.s32 @p1 $0x1  }
0x15: {  	[smem:$0x3FB1] =	sst s0;
	s0 =	simm.s32 @!p2 $0x0  }
0x16: {  	s3 =	sld [smem:$0x3FDB];
	s0 =	simm.s32 @p2 $0x1  }
0x17: {  	s4 =	simm.s32 $0x1BF5;
	[smem:$0x3FB3] =	sst s0  }
0x18: {  	s0 =	sld [smem:$0x3F96];
	_ =	swait.ge [sflag:s4], $0x0  }
0x19: {  	s7 =	sld [smem:$0x3F97]  }
0x1a: {  	s8 =	sadd.s32 $0xFFFFE003, lr  }
0x1b: {  	s9 =	sadd.s32 $0xFFFFFEF7, lr;
	s5 =	simm.s32 $0xFFFFFFFF;
	p2 =	slt.u32 s8, $0xFFFFF086  }
0x1c: {  	p1 =	slt.u32 s9, $0xF7A;
	s5 =	simm.s32 @!p2 $0x0  }
0x1d: {  	s5 =	simm.s32 @p1 $0x1;
	p0 =	seq.s32 s7, s2  }
0x1e: {  	s7 =	smul.u32 @!p0 $0xF7A, s2;
	p2 =	seq.s32 @!p0 s5, $0x0  }
0x1f: {  	s9 =	smul.u32 $0xF7A, s1;
	s8 =	simm.s32 @!p0 $0x1BF5;
	p2 =	por !p2, p0  }
0x20: {  	[sflag:s8] =	ssyncset.s32 @!p0 $0xFFFFF086;
	s6 =	sadd.s32 @!p0 s3, s7;
	s7 =	simm.s32 @!p0 $0x108  }
0x21: {  	s3 =	sadd.s32 s3, s9;
	s6 =	sadd.s32 @!p0 $0x88, s6;
	s7 =	simm.s32 @p2 $0x1082  }
0x22: {  	[simem:s7], [sflag:s8] =	dma.local @!p0 [hbm:s6], $0xF7A  }
0x23: {  	s9 =	sor.u32 $0xD0000000, s2;
	s6 =	simm.s32 $0x108;
	_ =	swait.ge @!p0 [sflag:s8], $0x0  }
0x24: {  	s3 =	sadd.s32 $0x88, s3;
	s6 =	simm.s32 @!p1 $0x1082;
	[sflag:s4] =	ssyncset.s32 $0xFFFFF086  }
0x25: {  	[simem:s6], [sflag:s4] =	dma.local [hbm:s3], $0xF7A  }
0x26: {  	[smem:$0x3F97] =	sst s1;
	(tag) =	ssettag s2;
	_ =	strace s9  }
0x27: {  	s1 =	sld [smem:$0x3FA7]  }
0x28: {  	s2 =	sld [smem:$0x3FA8]  }
0x29: {  	s4 =	sld [smem:$0x3FAA]  }
0x2a: {  	p0 =	seq.s32 s5, $0x0;
	s5 =	sld [smem:$0x3FAB]  }
0x2b: {  	s6 =	sld [smem:$0x3FAC]  }
0x2c: {  	s7 =	sld [smem:$0x3FAD]  }
0x2d: {  	s3 =	simm.s32 $0x108;
	s8 =	sld [smem:$0x3FAE]  }
0x2e: {  	s3 =	simm.s32 @!p0 $0x1082;
	s9 =	sld [smem:$0x3FAF]  }
0x2f: {  	lr =	sadd.s32 s0, s3;
	s0 =	sld [smem:$0x3FA6]  }
0x30: {  	s3 =	sld [smem:$0x3FA9]  }
0x31: {  	[smem:$0x3FB2] =	sst s10  }
0x32: {  	s10 =	sld [smem:$0x3FB0];
	_ =	sdelay $0x3  }
0x33: {  	p0 =	seq.s32 s10, $0x1;
	s10 =	sld [smem:$0x3FB2];
	_ =	sdelay $0x3  }
0x34: {  	[smem:$0x3FB2] =	sst s10  }
0x35: {  	s10 =	sld [smem:$0x3FB1];
	_ =	sdelay $0x3  }
0x36: {  	p1 =	seq.s32 s10, $0x1;
	s10 =	sld [smem:$0x3FB2];
	_ =	sdelay $0x3  }
0x37: {  	[smem:$0x3FB2] =	sst s10  }
0x38: {  	s10 =	sld [smem:$0x3FB3]  }
0x39: {  	_ = 	snop;
	(pc) =	sbr.ind lr, $3  }
0x3a: {  	_ = 	snop  }
0x3b: {  	_ = 	snop  }
0x3c: {  	p2 =	seq.s32 s10, $0x1;
	s10 =	sld [smem:$0x3FB2]  }
0x3d: {  	_ =	shalt  }
0x3e: {  	_ =	shalt  }
0x3f: {  	_ =	shalt  }
0x40: {  	_ =	shalt  }
0x41: {  	_ =	shalt  }
0x42: {  	_ =	shalt  }
0x43: {  	_ =	shalt  }
0x44: {  	_ =	shalt  }
0x45: {  	_ =	shalt  }
0x46: {  	_ =	shalt  }
0x47: {  	_ =	shalt  }
0x48: {  	_ =	shalt  }
0x49: {  	_ =	shalt  }
0x4a: {  	_ =	shalt  }
0x4b: {  	_ =	shalt  }
0x4c: {  	_ =	shalt  }
0x4d: {  	_ =	shalt  }
0x4e: {  	_ =	shalt  }
0x4f: {  	_ =	shalt  }
0x50: {  	_ =	shalt  }
0x51: {  	_ =	shalt  }
0x52: {  	_ =	shalt  }
0x53: {  	_ =	shalt  }
0x54: {  	_ =	shalt  }
0x55: {  	_ =	shalt  }
0x56: {  	_ =	shalt  }
0x57: {  	_ =	shalt  }
0x58: {  	_ =	shalt  }
0x59: {  	_ =	shalt  }
0x5a: {  	_ =	shalt  }
0x5b: {  	_ =	shalt  }
0x5c: {  	_ =	shalt  }
0x5d: {  	_ =	shalt  }
0x5e: {  	_ =	shalt  }
0x5f: {  	_ =	shalt  }
0x60: {  	_ =	shalt  }
0x61: {  	_ =	shalt  }
0x62: {  	_ =	shalt  }
0x63: {  	_ =	shalt  }
0x64: {  	_ =	shalt  }
0x65: {  	_ =	shalt  }
0x66: {  	_ =	shalt  }
0x67: {  	_ =	shalt  }
0x68: {  	_ =	shalt  }
0x69: {  	_ =	shalt  }
0x6a: {  	_ =	shalt  }
0x6b: {  	_ =	shalt  }
0x6c: {  	_ =	shalt  }
0x6d: {  	_ =	shalt  }
0x6e: {  	_ =	shalt  }
0x6f: {  	_ =	shalt  }
0x70: {  	_ =	shalt  }
0x71: {  	_ =	shalt  }
0x72: {  	_ =	shalt  }
0x73: {  	_ =	shalt  }
0x74: {  	_ =	shalt  }
0x75: {  	_ =	shalt  }
0x76: {  	_ =	shalt  }
0x77: {  	_ =	shalt  }
0x78: {  	_ =	shalt  }
0x79: {  	_ =	shalt  }
0x7a: {  	_ =	shalt  }
0x7b: {  	_ =	shalt  }
0x7c: {  	_ =	shalt  }
0x7d: {  	_ =	shalt  }
0x7e: {  	_ =	shalt  }
0x7f: {  	_ =	shalt  }
0x80: {  	_ =	shalt  }
0x81: {  	_ =	shalt  }
0x82: {  	_ =	shalt  }
0x83: {  	_ =	shalt  }
0x84: {  	_ =	shalt  }
0x85: {  	_ =	shalt  }
0x86: {  	_ =	shalt  }
0x87: {  	_ =	shalt  }
.Lfunc_end0:
.L_simem_size_0:
called_computation.1_lowered:
.L_overlay_start_0:
0x88: {  	s2 =	sld [smem:$0x3FD9]  }
0x89: {  	s3 =	sld [smem:$0x3FFE];
	_ =	sdelay $0x1  }
0x8a: {  	s1 =	srdreg.scid  }
0x8b: {  	s0 =	sand.u32 $0x1, s1  }
0x8c: {  	s16 =	sshll.u32 s0, $0xA;
	s2 =	sadd.s32 s3, s2  }
0x8d: {  	s2 =	sadd.s32 s2, s16  }
0x8e: {  	[smem:$0x3FBE] =	sst s2  }
0x8f: {  	_ = 	snop  }
0x90: {  	(tm) =	ssettm $0x1  }
0x91: {  	s17 =	sld [smem:$0x3FFB];
	_ =	sdelay $0x3  }
0x92: {  	_ =	strace s17  }
0x93: {  	s2 =	sld [smem:$0x3FFC];
	_ =	sdelay $0x3  }
0x94: {  	_ =	strace s2  }
0x95: {  	s2 =	sld [smem:$0x3FFD];
	_ =	sdelay $0x3  }
0x96: {  	_ =	strace s2  }
0x97: {  	_ =	strace $0x8FFFFFFF  }
0x98: {  	s18 =	sld [smem:$0x3FDB];
	_ =	sdelay $0x1  }
0x99: {  	s19 =	simm.s32 $_scs_section_size  }
0x9a: {  	s4 =	simm.s32 $_size__tile_overlayer_lowered;
	s5 =	simm.s32 $_tile_overlayer_lowered  }
0x9b: {  	s22 =	simm.s32 $0x1BFF;
	s21 =	sshll.u32 s5, $0x1;
	s2 =	sadd.s32 s19, s18  }
0x9c: {  	s6 =	simm.s32 $0x0;
	s20 =	sshll.u32 s4, $0x1;
	s4 =	sadd.s32 s21, s2  }
0x9d: {  	[timem:s6], [sflag:s22] =	dma.local [hbm:s4], s20  }
0x9e: {  	_ =	swait.ge [sflag:s22], s20  }
0x9f: {  	s3 =	ssub.s32 $0x0, s20;
	[sflag:s22] =	ssyncset.done $0x0  }
0xa0: {  	[sflag:s22] =	ssyncadd.s32 s3;
	_ =	sdelay $0x1  }
0xa1: {  	s23 =	simm.s32 $0x1B8B  }
0xa2: {  	_ =	swait.ge [sflag:s23], $0x1  }
0xa3: {  	[sflag:s23] =	ssyncset.done $0x0  }
0xa4: {  	s25 =	simm.s32 $0x1B8E;
	s24 =	sld [smem:$0x3FFE];
	[sflag:s23] =	ssyncadd.s32 $0xFFFFFFFF  }
0xa5: {  	s26 =	simm.s32 $execute0_lowered;
	[smem:$0x3FD2] =	sst s25  }
0xa6: {  	s4 =	sshll.u32 s26, $0x1;
	_ =	strace $0x80000049;
	[dreg:$0x1] =	wrdreg $0xFFFFFFFF  }
0xa7: {  	s28 =	simm.s32 $_size_execute0_lowered;
	s2 =	sadd.s32 s2, s4;
	[dreg:$0x0] =	wrdreg $0x0  }
0xa8: {  	s4 =	sshll.u32 s28, $0x1;
	[dreg:$0x2] =	wrdreg s2  }
0xa9: {  	[dreg:$0x3] =	wrdreg s4  }
0xaa: {  	[dreg:$0x4] =	wrdreg $0xC0  }
0xab: {  	_ =	task [dreg:s6], $0x5FFFF  }
0xac: {  	[dreg:$0x1] =	wrdreg $0xFFFFFFFF  }
0xad: {  	[dreg:$0x0] =	wrdreg $0x60  }
0xae: {  	[dreg:$0x2] =	wrdreg s24  }
0xaf: {  	[dreg:$0x3] =	wrdreg $0xA8000  }
0xb0: {  	[dreg:$0x4] =	wrdreg $0x9  }
0xb1: {  	_ =	task.clear_ibuf [dreg:s6], $0x5FFFF;
	_ =	strace $0x90000049  }
0xb2: {  	s29 =	simm.s32 $0x9;
	_ =	strace $0x8000004B  }
0xb3: {  	_ =	swait.ge [sflag:s29], $0x1  }
0xb4: {  	[sflag:s29] =	ssyncadd.s32 $0xFFFFFFFF  }
0xb5: {  	_ =	strace $0x9000004B  }
0xb6: {  	_ =	sfence  }
0xb7: {  	s30 =	sld [smem:$0x0];
	_ =	sdelay $0x2  }
0xb8: {  	s31 =	sshll.u32 s1, $0xD;
	s1 =	sshrl.u32 s1, $0x2  }
0xb9: {  	s3 =	sand.u32 $0x4000, s31;
	s1 =	sadd.s32 s1, s30  }
0xba: {  	s0 =	sor.u32 s3, s0;
	s1 =	sshll.u32 s1, $0x11  }
0xbb: {  	s0 =	sor.u32 s1, s0  }
0xbc: {  	s0 =	sadd.s32 $0x8F2B, s0  }
0xbd: {  	[sflag:s0] =	ssyncadd.remote.s32 $0x1  }
0xbe: {  	_ =	sfence.sel $0xFFFF  }
0xbf: {  	[dreg:$0x0] =	wrdreg $0xFFFFFFFF;
	(pc) =	sbr.abs _section_cstart, $3  }
0xc0: {  	[dreg:$0x1] =	wrdreg $0xFFFFFFFF  }
0xc1: {  	_ =	task.clear_ibuf [dreg:s6], $0x2FFFF;
	_ =	strace $0x9FFFFFFF  }
0xc2: {  	(tm) =	ssettm $0x7FFFFFFF  }
0xc3: {  	_ =	shalt  }
tec
execute0_lowered:
.L_overlay_start_1:
0x0: {  	(tag) =	ssettag $0x1  }
0x1: {  	s6 =	rddreg [dreg:$0x0]  }
0x2: {  	s1 =	rddreg [dreg:$0x1]  }
0x3: {  	s0 =	rddreg [dreg:$0x2];
	s2 =	simm.s32 $0x0  }
0x4: {  	s3 =	srdreg.scid;
	s15 =	simm.s32 $0x2800;
	s18 =	simm.s32 $0x6800  }
0x5: {  	s19 =	simm.s32 $0x1;
	s20 =	simm.s32 $0x2;
	s21 =	simm.s32 $0x1380  }
0x6: {  	s22 =	simm.s32 $0x2700;
	s23 =	simm.s32 $0x2780;
	s24 =	simm.s32 $0x0  }
0x7: {  	[smem:$0x7FF] =	sst s2;
	s7 =	sand.u32 $0x1, s3;
	s3 =	stileid.u32  }
0x8: {  	s4 =	sadd.s32 $0x10A00, s6;
	s10 =	sadd.s32 $0x5EE00, s6;
	s8 =	smul.u32 $0x139000, s7  }
0x9: {  	s11 =	sadd.s32 $0x3800, s6;
	_ =	strace $0x8000004A;
	s9 =	smul.u32 $0x13800, s3  }
0xa: {  	s5 =	sshll.u32 s7, $0x4;
	s7 =	ssub.s32 $0x2, s7;
	s26 =	smul.u32 $0x4E000, s3  }
0xb: {  	s16 =	sshll.u32 s3, $0x6;
	s12 =	sor.u32 s3, s5;
	s5 =	sadd.s32 $0xE000, s6  }
0xc: {  	s28 =	sshrl.u32 s7, $0x1;
	s16 =	sor.u32 $0x1C03, s16;
	s8 =	sadd.s32 s9, s8  }
0xd: {  	s25 =	smul.u32 $0x2800, s12;
	s14 =	ssub.s32 s7, s28;
	s30 =	sshrl.u32 s26, $0x2  }
0xe: {  	s12 =	simm.s32 $0x3;
	s8 =	sshrl.u32 s8, $0x3;
	s17 =	sadd.s32 s30, s1  }
0xf: {  	s13 =	sadd.s32 s8, s6;
	s29 =	sshrl.u32 s25, $0x3;
	s17 =	sshrl.u32 s17, $0x3  }
0x10: {  	s6 =	sadd.s32 s10, s29;
	s7 =	sadd.s32 s11, s29;
	s31 =	sadd.s32 $0x280, s29  }
0x11: {  	s8 =	sadd.s32 s10, s31;
	s9 =	sadd.s32 s11, s31;
	s10 =	sadd.s32 $0x68E00, s13  }
0x12: {  	s11 =	smax.u32 s14, $0x1;
	s13 =	simm.s32 $0x1400;
	s14 =	simm.s32 $0x80  }
.LBB2_1:
0x13: {  	[tilespmem:s2], [sflag:$0x3] =	stream.linear.gather [hbm4b:s6+s2], $0x1400, $0x38;
	[tilespmem:$0x1E100] =	vst v63  }
0x14: {  	_ =	swait.ge [sflag:s12], $0x1400  }
0x15: {  	[sflag:s12] =	ssyncset.done $0x0  }
0x16: {  	[sflag:s12] =	ssyncadd.s32 $0xFFFFEC00  }
0x17: {  	[tilespmem:s13], [sflag:$0x3] =	stream.linear.gather [hbm4b:s7+s2], $0x1400, $0x38;
	[tilespmem:$0x1E100] =	vst v63  }
0x18: {  	_ =	swait.ge [sflag:s12], $0x1400  }
0x19: {  	[sflag:s12] =	ssyncset.done $0x0  }
0x1a: {  	[sflag:s12] =	ssyncadd.s32 $0xFFFFEC00  }
0x1b: {  	[tilespmem:s15], [sflag:$0x1] =	stream.indirect.gather [hbm4b:s4+s14], $0x80, s2, s14, $0xb8;
	[tilespmem:$0x1E100] =	vst v63  }
0x1c: {  	[spmem:s17], [sflag:s16] =	dma.local [hbm:s5], $0x2900  }
0x1d: {  	_ =	swait.ge [sflag:s12], $0x2900  }
0x1e: {  	[sflag:s12] =	ssyncset.done $0x0  }
0x1f: {  	[sflag:s12] =	ssyncadd.s32 $0xFFFFD700  }
0x20: {  	s25 =	simm.s32 $0x80;
	[bflag:$0x0] =	sbarrier.arrive $0xFFFF  }
0x21: {  	[tilespmem:s18], [sflag:$0x2] =	stream.indirect.gather [hbm4b:s4+s14], $0x80, s25, s14, $0xb8;
	[tilespmem:$0x1E100] =	vst v63  }
0x22: {  	_ =	swait.ge [sflag:s19], $0x4000  }
0x23: {  	[sflag:s19] =	ssyncset.done $0x0  }
0x24: {  	s29 =	simm.s32 $0x1400;
	[sflag:s19] =	ssyncadd.s32 $0xFFFFC000  }
0x25: {  	[spmem:s1] =	stream.indirect.scatter.add.f32 [tilespmem:s15], [sflag:$0x3], $0x80, s29, s14, $0xb8;
	[tilespmem:$0x1E100] =	vst v63  }
0x26: {  	_ =	swait.ge [sflag:s12], $0x4000  }
0x27: {  	[sflag:s12] =	ssyncset.done $0x0  }
0x28: {  	s30 =	simm.s32 $0x100;
	[sflag:s12] =	ssyncadd.s32 $0xFFFFC000  }
0x29: {  	[tilespmem:s15], [sflag:$0x1] =	stream.indirect.gather [hbm4b:s4+s14], $0x80, s30, s14, $0xb8;
	[tilespmem:$0x1E100] =	vst v63  }
0x2a: {  	_ =	swait.ge [sflag:s20], $0x4000  }
0x2b: {  	[sflag:s20] =	ssyncset.done $0x0  }
0x2c: {  	s31 =	simm.s32 $0x1480;
	[sflag:s20] =	ssyncadd.s32 $0xFFFFC000  }
0x2d: {  	[spmem:s1] =	stream.indirect.scatter.add.f32 [tilespmem:s18], [sflag:$0x3], $0x80, s31, s14, $0xb8;
	[tilespmem:$0x1E100] =	vst v63  }
0x2e: {  	_ =	swait.ge [sflag:s12], $0x4000  }
0x2f: {  	s26 =	simm.s32 $0x800;
	s25 =	simm.s32 $0x100;
	[sflag:s12] =	ssyncset.done $0x0  }
.LBB2_2:
0x30: {  	s28 =	sadd.s32 $0x80, s25  }
0x31: {  	[sflag:s12] =	ssyncadd.s32 $0xFFFFC000;
	s29 =	smov.u32 s26;
	s30 =	sadd.s32 $0x400, s26  }
0x32: {  	[tilespmem:s18], [sflag:$0x2] =	stream.indirect.gather [hbm4b:s4+s14], $0x80, s28, s14, $0xb8;
	[tilespmem:$0x1E100] =	vst v63  }
0x33: {  	p0 =	sne.s32 s26, $0x4800;
	_ =	swait.ge [sflag:s19], $0x4000  }
0x34: {  	[sflag:s19] =	ssyncset.done $0x0  }
0x35: {  	s26 =	sadd.s32 $0x1400, s25;
	[sflag:s19] =	ssyncadd.s32 $0xFFFFC000  }
0x36: {  	[spmem:s1] =	stream.indirect.scatter.add.f32 [tilespmem:s15], [sflag:$0x3], $0x80, s26, s14, $0xb8;
	[tilespmem:$0x1E100] =	vst v63  }
0x37: {  	_ =	swait.ge [sflag:s12], $0x4000  }
0x38: {  	[sflag:s12] =	ssyncset.done $0x0  }
0x39: {  	s26 =	sadd.s32 $0x100, s25;
	[sflag:s12] =	ssyncadd.s32 $0xFFFFC000  }
0x3a: {  	[tilespmem:s15], [sflag:$0x1] =	stream.indirect.gather [hbm4b:s4+s14], $0x80, s26, s14, $0xb8;
	[tilespmem:$0x1E100] =	vst v63  }
0x3b: {  	_ =	swait.ge [sflag:s20], $0x4000  }
.Ltmp0:
0x3c: {  	[sflag:s20] =	ssyncset.done $0x0;
	(pc) =	sbr.rel @p0 .LBB2_2-.Ltmp0, $4  }
0x3d: {  	s25 =	sadd.s32 $0x1480, s25;
	[sflag:s20] =	ssyncadd.s32 $0xFFFFC000  }
0x3e: {  	[spmem:s1] =	stream.indirect.scatter.add.f32 [tilespmem:s18], [sflag:$0x3], $0x80, s25, s14, $0xb8;
	[tilespmem:$0x1E100] =	vst v63  }
0x3f: {  	_ =	swait.ge [sflag:s12], $0x4000  }
0x40: {  	s26 =	smov.u32 s30;
	s25 =	sshra.s32 s29, $0x2;
	[sflag:s12] =	ssyncset.done $0x0  }
0x41: {  	s26 =	sadd.s32 $0x80, s25;
	[sflag:s12] =	ssyncadd.s32 $0xFFFFC000  }
0x42: {  	[tilespmem:s18], [sflag:$0x2] =	stream.indirect.gather [hbm4b:s4+s14], $0x80, s26, s14, $0xb8;
	[tilespmem:$0x1E100] =	vst v63  }
0x43: {  	_ =	swait.ge [sflag:s19], $0x4000  }
0x44: {  	[sflag:s19] =	ssyncset.done $0x0  }
0x45: {  	s29 =	sadd.s32 $0x1400, s25;
	[sflag:s19] =	ssyncadd.s32 $0xFFFFC000  }
0x46: {  	[spmem:s1] =	stream.indirect.scatter.add.f32 [tilespmem:s15], [sflag:$0x3], $0x80, s29, s14, $0xb8;
	[tilespmem:$0x1E100] =	vst v63  }
0x47: {  	_ =	swait.ge [sflag:s12], $0x4000  }
0x48: {  	[sflag:s12] =	ssyncset.done $0x0  }
0x49: {  	s30 =	sadd.s32 $0x100, s25;
	[sflag:s12] =	ssyncadd.s32 $0xFFFFC000  }
0x4a: {  	[tilespmem:s15], [sflag:$0x1] =	stream.indirect.gather [hbm4b:s4+s14], $0x80, s30, s14, $0xb8;
	[tilespmem:$0x1E100] =	vst v63  }
0x4b: {  	_ =	swait.ge [sflag:s20], $0x4000  }
0x4c: {  	[sflag:s20] =	ssyncset.done $0x0  }
0x4d: {  	s31 =	sadd.s32 $0x1480, s25;
	[sflag:s20] =	ssyncadd.s32 $0xFFFFC000  }
0x4e: {  	[spmem:s1] =	stream.indirect.scatter.add.f32 [tilespmem:s18], [sflag:$0x3], $0x80, s31, s14, $0xb8;
	[tilespmem:$0x1E100] =	vst v63  }
0x4f: {  	_ =	swait.ge [sflag:s12], $0x4000  }
0x50: {  	[sflag:s12] =	ssyncset.done $0x0  }
0x51: {  	[sflag:s12] =	ssyncadd.s32 $0xFFFFC000  }
0x52: {  	[tilespmem:s18], [sflag:$0x2] =	stream.indirect.gather [hbm4b:s4+s14], $0x80, s21, s14, $0xb8;
	[tilespmem:$0x1E100] =	vst v63  }
0x53: {  	_ =	swait.ge [sflag:s19], $0x4000  }
0x54: {  	[sflag:s19] =	ssyncset.done $0x0  }
0x55: {  	[sflag:s19] =	ssyncadd.s32 $0xFFFFC000  }
0x56: {  	[spmem:s1] =	stream.indirect.scatter.add.f32 [tilespmem:s15], [sflag:$0x3], $0x80, s22, s14, $0xb8;
	[tilespmem:$0x1E100] =	vst v63  }
0x57: {  	_ =	swait.ge [sflag:s12], $0x4000  }
0x58: {  	[sflag:s12] =	ssyncset.done $0x0  }
0x59: {  	[sflag:s12] =	ssyncadd.s32 $0xFFFFC000  }
0x5a: {  	_ =	swait.ge [sflag:s20], $0x4000  }
0x5b: {  	[sflag:s20] =	ssyncset.done $0x0  }
0x5c: {  	[sflag:s20] =	ssyncadd.s32 $0xFFFFC000  }
0x5d: {  	[spmem:s1] =	stream.indirect.scatter.add.f32 [tilespmem:s18], [sflag:$0x3], $0x80, s23, s14, $0xb8;
	[tilespmem:$0x1E100] =	vst v63  }
0x5e: {  	_ =	swait.ge [sflag:s12], $0x4000  }
0x5f: {  	[sflag:s12] =	ssyncset.done $0x0  }
0x60: {  	s26 =	simm.s32 $0x0;
	[sflag:s12] =	ssyncadd.s32 $0xFFFFC000  }
0x61: {  	[tilespmem:s26], [sflag:$0x3] =	stream.linear.gather [hbm4b:s8+s26], $0x1400, $0x38;
	[tilespmem:$0x1E100] =	vst v63  }
0x62: {  	_ =	swait.ge [sflag:s12], $0x1400  }
0x63: {  	[sflag:s12] =	ssyncset.done $0x0  }
0x64: {  	[sflag:s12] =	ssyncadd.s32 $0xFFFFEC00  }
0x65: {  	[tilespmem:s13], [sflag:$0x3] =	stream.linear.gather [hbm4b:s9+s26], $0x1400, $0x38;
	[tilespmem:$0x1E100] =	vst v63  }
0x66: {  	_ =	swait.ge [sflag:s12], $0x1400  }
0x67: {  	[sflag:s12] =	ssyncset.done $0x0  }
0x68: {  	[sflag:s12] =	ssyncadd.s32 $0xFFFFEC00  }
0x69: {  	[tilespmem:s15], [sflag:$0x1] =	stream.indirect.gather [hbm4b:s4+s14], $0x80, s26, s14, $0xb8;
	[tilespmem:$0x1E100] =	vst v63  }
0x6a: {  	s28 =	simm.s32 $0x80  }
0x6b: {  	[tilespmem:s18], [sflag:$0x2] =	stream.indirect.gather [hbm4b:s4+s14], $0x80, s28, s14, $0xb8;
	[tilespmem:$0x1E100] =	vst v63  }
0x6c: {  	_ =	swait.ge [sflag:s19], $0x4000  }
0x6d: {  	[sflag:s19] =	ssyncset.done $0x0  }
0x6e: {  	s29 =	simm.s32 $0x1400;
	[sflag:s19] =	ssyncadd.s32 $0xFFFFC000  }
0x6f: {  	[spmem:s1] =	stream.indirect.scatter.add.f32 [tilespmem:s15], [sflag:$0x3], $0x80, s29, s14, $0xb8;
	[tilespmem:$0x1E100] =	vst v63  }
0x70: {  	_ =	swait.ge [sflag:s12], $0x4000  }
0x71: {  	[sflag:s12] =	ssyncset.done $0x0  }
0x72: {  	s30 =	simm.s32 $0x100;
	[sflag:s12] =	ssyncadd.s32 $0xFFFFC000  }
0x73: {  	[tilespmem:s15], [sflag:$0x1] =	stream.indirect.gather [hbm4b:s4+s14], $0x80, s30, s14, $0xb8;
	[tilespmem:$0x1E100] =	vst v63  }
0x74: {  	_ =	swait.ge [sflag:s20], $0x4000  }
0x75: {  	[sflag:s20] =	ssyncset.done $0x0  }
0x76: {  	s31 =	simm.s32 $0x1480;
	[sflag:s20] =	ssyncadd.s32 $0xFFFFC000  }
0x77: {  	[spmem:s1] =	stream.indirect.scatter.add.f32 [tilespmem:s18], [sflag:$0x3], $0x80, s31, s14, $0xb8;
	[tilespmem:$0x1E100] =	vst v63  }
0x78: {  	_ =	swait.ge [sflag:s12], $0x4000  }
0x79: {  	s25 =	simm.s32 $0x100;
	s26 =	simm.s32 $0x800;
	[sflag:s12] =	ssyncset.done $0x0  }
.LBB2_4:
0x7a: {  	s28 =	sadd.s32 $0x80, s25  }
0x7b: {  	[sflag:s12] =	ssyncadd.s32 $0xFFFFC000;
	s29 =	smov.u32 s26;
	s30 =	sadd.s32 $0x400, s26  }
0x7c: {  	[tilespmem:s18], [sflag:$0x2] =	stream.indirect.gather [hbm4b:s4+s14], $0x80, s28, s14, $0xb8;
	[tilespmem:$0x1E100] =	vst v63  }
0x7d: {  	p0 =	sne.s32 s26, $0x4800;
	_ =	swait.ge [sflag:s19], $0x4000  }
0x7e: {  	[sflag:s19] =	ssyncset.done $0x0  }
0x7f: {  	s26 =	sadd.s32 $0x1400, s25;
	[sflag:s19] =	ssyncadd.s32 $0xFFFFC000  }
0x80: {  	[spmem:s1] =	stream.indirect.scatter.add.f32 [tilespmem:s15], [sflag:$0x3], $0x80, s26, s14, $0xb8;
	[tilespmem:$0x1E100] =	vst v63  }
0x81: {  	_ =	swait.ge [sflag:s12], $0x4000  }
0x82: {  	[sflag:s12] =	ssyncset.done $0x0  }
0x83: {  	s26 =	sadd.s32 $0x100, s25;
	[sflag:s12] =	ssyncadd.s32 $0xFFFFC000  }
0x84: {  	[tilespmem:s15], [sflag:$0x1] =	stream.indirect.gather [hbm4b:s4+s14], $0x80, s26, s14, $0xb8;
	[tilespmem:$0x1E100] =	vst v63  }
0x85: {  	_ =	swait.ge [sflag:s20], $0x4000  }
.Ltmp1:
0x86: {  	[sflag:s20] =	ssyncset.done $0x0;
	(pc) =	sbr.rel @p0 .LBB2_4-.Ltmp1, $4  }
0x87: {  	s25 =	sadd.s32 $0x1480, s25;
	[sflag:s20] =	ssyncadd.s32 $0xFFFFC000  }
0x88: {  	[spmem:s1] =	stream.indirect.scatter.add.f32 [tilespmem:s18], [sflag:$0x3], $0x80, s25, s14, $0xb8;
	[tilespmem:$0x1E100] =	vst v63  }
0x89: {  	_ =	swait.ge [sflag:s12], $0x4000  }
0x8a: {  	s26 =	smov.u32 s30;
	s25 =	sshra.s32 s29, $0x2;
	[sflag:s12] =	ssyncset.done $0x0  }
0x8b: {  	s26 =	sadd.s32 $0x80, s25;
	[sflag:s12] =	ssyncadd.s32 $0xFFFFC000  }
0x8c: {  	[tilespmem:s18], [sflag:$0x2] =	stream.indirect.gather [hbm4b:s4+s14], $0x80, s26, s14, $0xb8;
	[tilespmem:$0x1E100] =	vst v63  }
0x8d: {  	_ =	swait.ge [sflag:s19], $0x4000  }
0x8e: {  	[sflag:s19] =	ssyncset.done $0x0  }
0x8f: {  	s29 =	sadd.s32 $0x1400, s25;
	[sflag:s19] =	ssyncadd.s32 $0xFFFFC000  }
0x90: {  	[spmem:s1] =	stream.indirect.scatter.add.f32 [tilespmem:s15], [sflag:$0x3], $0x80, s29, s14, $0xb8;
	[tilespmem:$0x1E100] =	vst v63  }
0x91: {  	_ =	swait.ge [sflag:s12], $0x4000  }
0x92: {  	[sflag:s12] =	ssyncset.done $0x0  }
0x93: {  	s30 =	sadd.s32 $0x100, s25;
	[sflag:s12] =	ssyncadd.s32 $0xFFFFC000  }
0x94: {  	[tilespmem:s15], [sflag:$0x1] =	stream.indirect.gather [hbm4b:s4+s14], $0x80, s30, s14, $0xb8;
	[tilespmem:$0x1E100] =	vst v63  }
0x95: {  	_ =	swait.ge [sflag:s20], $0x4000  }
0x96: {  	[sflag:s20] =	ssyncset.done $0x0  }
0x97: {  	s31 =	sadd.s32 $0x1480, s25;
	[sflag:s20] =	ssyncadd.s32 $0xFFFFC000  }
0x98: {  	[spmem:s1] =	stream.indirect.scatter.add.f32 [tilespmem:s18], [sflag:$0x3], $0x80, s31, s14, $0xb8;
	[tilespmem:$0x1E100] =	vst v63  }
0x99: {  	_ =	swait.ge [sflag:s12], $0x4000  }
0x9a: {  	[sflag:s12] =	ssyncset.done $0x0  }
0x9b: {  	[sflag:s12] =	ssyncadd.s32 $0xFFFFC000  }
0x9c: {  	[tilespmem:s18], [sflag:$0x2] =	stream.indirect.gather [hbm4b:s4+s14], $0x80, s21, s14, $0xb8;
	[tilespmem:$0x1E100] =	vst v63  }
0x9d: {  	_ =	swait.ge [sflag:s19], $0x4000  }
0x9e: {  	[sflag:s19] =	ssyncset.done $0x0  }
0x9f: {  	[sflag:s19] =	ssyncadd.s32 $0xFFFFC000  }
0xa0: {  	[spmem:s1] =	stream.indirect.scatter.add.f32 [tilespmem:s15], [sflag:$0x3], $0x80, s22, s14, $0xb8;
	[tilespmem:$0x1E100] =	vst v63  }
0xa1: {  	_ =	swait.ge [sflag:s12], $0x4000  }
0xa2: {  	[sflag:s12] =	ssyncset.done $0x0  }
0xa3: {  	[sflag:s12] =	ssyncadd.s32 $0xFFFFC000  }
0xa4: {  	_ =	swait.ge [sflag:s20], $0x4000  }
0xa5: {  	[sflag:s20] =	ssyncset.done $0x0  }
0xa6: {  	[sflag:s20] =	ssyncadd.s32 $0xFFFFC000  }
0xa7: {  	[spmem:s1] =	stream.indirect.scatter.add.f32 [tilespmem:s18], [sflag:$0x3], $0x80, s23, s14, $0xb8;
	[tilespmem:$0x1E100] =	vst v63  }
0xa8: {  	_ =	swait.ge [sflag:s12], $0x4000  }
0xa9: {  	s24 =	sadd.s32 $0x1, s24;
	[sflag:s12] =	ssyncset.done $0x0  }
0xaa: {  	p0 =	sne.s32 s24, s11;
	[sflag:s12] =	ssyncadd.s32 $0xFFFFC000  }
.Ltmp2:
0xab: {  	[bflag:$0x0] =	sbarrier.arrive $0xFFFF;
	(pc) =	sbr.rel @p0 .LBB2_1-.Ltmp2, $4  }
0xac: {  	[hbm:s10], [sflag:s16] =	dma.local [spmem:s17], $0x2900  }
0xad: {  	_ =	swait.ge [sflag:s12], $0x2900  }
0xae: {  	[sflag:s12] =	ssyncset.done $0x0  }
0xaf: {  	[sflag:s12] =	ssyncadd.s32 $0xFFFFD700  }
0xb0: {  	_ =	sfence.sel $0x180000  }
0xb1: {  	[bflag:$0x0] =	sbarrier.arrive $0xFFFF  }
0xb2: {  	p0 =	sne.s32 s3, $0x0;
	_ =	strace $0x9000004A  }
0xb3: {  	s0 =	sadd.s32 @!p0 $0x100000, s0;
	[bflag:$0x2] =	sbarrier.arrive $0xFFFF  }
0xb4: {  	[sflag:s0] =	ssyncadd.tile.s32 @!p0 $0x1;
	_ =	shalt  }
.Lfunc_end2:
_tile_overlayer_lowered:
.L_overlay_start_2:
0xb5: {  	(tag) =	ssettag $0x2  }
0xb6: {  	s0 =	rddreg [dreg:$0x0];
	s2 =	stileid.u32  }
0xb7: {  	s1 =	rddreg [dreg:$0x1];
	p0 =	sne.s32 s2, $0x0  }
0xb8: {  	s3 =	rddreg [dreg:$0x2];
	[bflag:$0x3] =	sbarrier.arrive $0xFFFF;
	s2 =	simm.s32 @!p0 $0x1C03  }
0xb9: {  	[timem:s3], [sflag:s2] =	dma.local @!p0 [hbm:s0], s1  }
0xba: {  	s0 =	simm.s32 @!p0 $0x3  }
0xbb: {  	_ =	swait.ge @!p0 [sflag:s0], s1  }
0xbc: {  	s1 =	ssub.s32 @!p0 $0x0, s1;
	[sflag:s0] =	ssyncset.done @!p0 $0x0  }
0xbd: {  	[sflag:s0] =	ssyncadd.s32 @!p0 s1  }
0xbe: {  	[bflag:$0x3] =	sbarrier.arrive $0xFFFF  }
0xbf: {  	_ =	shalt  }

// kernel: kernel.16.cloned.1.call-start
scs
__scs_entry_jumppad:
0x0: {  	(pc) =	sbr.rel $0x88, $3  }
0x1: {  	(tag) =	ssettag $0x0;
	lr =	simm.s32 $0x1  }
0x2: {  	[smem:$0x3F97] =	sst lr;
	_ =	strace $0xD0000000  }
0x3: {  	_ = 	snop  }
0x4: {  	_ = 	snop  }
0x5: {  	_ = 	snop  }
0x6: {  	_ = 	snop  }
0x7: {  	_ = 	snop  }
__scs_overlays_trampoline_lowered:
0x8: {  	[smem:$0x3FA6] =	sst s0  }
0x9: {  	[smem:$0x3FA7] =	sst s1  }
0xa: {  	[smem:$0x3FA8] =	sst s2  }
0xb: {  	[smem:$0x3FA9] =	sst s3  }
0xc: {  	[smem:$0x3FAA] =	sst s4  }
0xd: {  	[smem:$0x3FAB] =	sst s5  }
0xe: {  	[smem:$0x3FAC] =	sst s6  }
0xf: {  	[smem:$0x3FAD] =	sst s7  }
0x10: {  	[smem:$0x3FAE] =	sst s8  }
0x11: {  	[smem:$0x3FAF] =	sst s9;
	s0 =	simm.s32 @!p0 $0x0  }
0x12: {  	s1 =	sld [smem:$0x3F95];
	s0 =	simm.s32 @p0 $0x1  }
0x13: {  	[smem:$0x3FB0] =	sst s0;
	s0 =	simm.s32 @!p1 $0x0  }
0x14: {  	s2 =	sld [smem:$0x3F94];
	s0 =	simm.s32 @p1 $0x1  }
0x15: {  	[smem:$0x3FB1] =	sst s0;
	s0 =	simm.s32 @!p2 $0x0  }
0x16: {  	s3 =	sld [smem:$0x3FDB];
	s0 =	simm.s32 @p2 $0x1  }
0x17: {  	s4 =	simm.s32 $0x1BF5;
	[smem:$0x3FB3] =	sst s0  }
0x18: {  	s0 =	sld [smem:$0x3F96];
	_ =	swait.ge [sflag:s4], $0x0  }
0x19: {  	s7 =	sld [smem:$0x3F97]  }
0x1a: {  	s8 =	sadd.s32 $0xFFFFE003, lr  }
0x1b: {  	s9 =	sadd.s32 $0xFFFFFEF7, lr;
	s5 =	simm.s32 $0xFFFFFFFF;
	p2 =	slt.u32 s8, $0xFFFFF086  }
0x1c: {  	p1 =	slt.u32 s9, $0xF7A;
	s5 =	simm.s32 @!p2 $0x0  }
0x1d: {  	s5 =	simm.s32 @p1 $0x1;
	p0 =	seq.s32 s7, s2  }
0x1e: {  	s7 =	smul.u32 @!p0 $0xF7A, s2;
	p2 =	seq.s32 @!p0 s5, $0x0  }
0x1f: {  	s9 =	smul.u32 $0xF7A, s1;
	s8 =	simm.s32 @!p0 $0x1BF5;
	p2 =	por !p2, p0  }
0x20: {  	[sflag:s8] =	ssyncset.s32 @!p0 $0xFFFFF086;
	s6 =	sadd.s32 @!p0 s3, s7;
	s7 =	simm.s32 @!p0 $0x108  }
0x21: {  	s3 =	sadd.s32 s3, s9;
	s6 =	sadd.s32 @!p0 $0x88, s6;
	s7 =	simm.s32 @p2 $0x1082  }
0x22: {  	[simem:s7], [sflag:s8] =	dma.local @!p0 [hbm:s6], $0xF7A  }
0x23: {  	s9 =	sor.u32 $0xD0000000, s2;
	s6 =	simm.s32 $0x108;
	_ =	swait.ge @!p0 [sflag:s8], $0x0  }
0x24: {  	s3 =	sadd.s32 $0x88, s3;
	s6 =	simm.s32 @!p1 $0x1082;
	[sflag:s4] =	ssyncset.s32 $0xFFFFF086  }
0x25: {  	[simem:s6], [sflag:s4] =	dma.local [hbm:s3], $0xF7A  }
0x26: {  	[smem:$0x3F97] =	sst s1;
	(tag) =	ssettag s2;
	_ =	strace s9  }
0x27: {  	s1 =	sld [smem:$0x3FA7]  }
0x28: {  	s2 =	sld [smem:$0x3FA8]  }
0x29: {  	s4 =	sld [smem:$0x3FAA]  }
0x2a: {  	p0 =	seq.s32 s5, $0x0;
	s5 =	sld [smem:$0x3FAB]  }
0x2b: {  	s6 =	sld [smem:$0x3FAC]  }
0x2c: {  	s7 =	sld [smem:$0x3FAD]  }
0x2d: {  	s3 =	simm.s32 $0x108;
	s8 =	sld [smem:$0x3FAE]  }
0x2e: {  	s3 =	simm.s32 @!p0 $0x1082;
	s9 =	sld [smem:$0x3FAF]  }
0x2f: {  	lr =	sadd.s32 s0, s3;
	s0 =	sld [smem:$0x3FA6]  }
0x30: {  	s3 =	sld [smem:$0x3FA9]  }
0x31: {  	[smem:$0x3FB2] =	sst s10  }
0x32: {  	s10 =	sld [smem:$0x3FB0];
	_ =	sdelay $0x3  }
0x33: {  	p0 =	seq.s32 s10, $0x1;
	s10 =	sld [smem:$0x3FB2];
	_ =	sdelay $0x3  }
0x34: {  	[smem:$0x3FB2] =	sst s10  }
0x35: {  	s10 =	sld [smem:$0x3FB1];
	_ =	sdelay $0x3  }
0x36: {  	p1 =	seq.s32 s10, $0x1;
	s10 =	sld [smem:$0x3FB2];
	_ =	sdelay $0x3  }
0x37: {  	[smem:$0x3FB2] =	sst s10  }
0x38: {  	s10 =	sld [smem:$0x3FB3]  }
0x39: {  	_ = 	snop;
	(pc) =	sbr.ind lr, $3  }
0x3a: {  	_ = 	snop  }
0x3b: {  	_ = 	snop  }
0x3c: {  	p2 =	seq.s32 s10, $0x1;
	s10 =	sld [smem:$0x3FB2]  }
0x3d: {  	_ =	shalt  }
0x3e: {  	_ =	shalt  }
0x3f: {  	_ =	shalt  }
0x40: {  	_ =	shalt  }
0x41: {  	_ =	shalt  }
0x42: {  	_ =	shalt  }
0x43: {  	_ =	shalt  }
0x44: {  	_ =	shalt  }
0x45: {  	_ =	shalt  }
0x46: {  	_ =	shalt  }
0x47: {  	_ =	shalt  }
0x48: {  	_ =	shalt  }
0x49: {  	_ =	shalt  }
0x4a: {  	_ =	shalt  }
0x4b: {  	_ =	shalt  }
0x4c: {  	_ =	shalt  }
0x4d: {  	_ =	shalt  }
0x4e: {  	_ =	shalt  }
0x4f: {  	_ =	shalt  }
0x50: {  	_ =	shalt  }
0x51: {  	_ =	shalt  }
0x52: {  	_ =	shalt  }
0x53: {  	_ =	shalt  }
0x54: {  	_ =	shalt  }
0x55: {  	_ =	shalt  }
0x56: {  	_ =	shalt  }
0x57: {  	_ =	shalt  }
0x58: {  	_ =	shalt  }
0x59: {  	_ =	shalt  }
0x5a: {  	_ =	shalt  }
0x5b: {  	_ =	shalt  }
0x5c: {  	_ =	shalt  }
0x5d: {  	_ =	shalt  }
0x5e: {  	_ =	shalt  }
0x5f: {  	_ =	shalt  }
0x60: {  	_ =	shalt  }
0x61: {  	_ =	shalt  }
0x62: {  	_ =	shalt  }
0x63: {  	_ =	shalt  }
0x64: {  	_ =	shalt  }
0x65: {  	_ =	shalt  }
0x66: {  	_ =	shalt  }
0x67: {  	_ =	shalt  }
0x68: {  	_ =	shalt  }
0x69: {  	_ =	shalt  }
0x6a: {  	_ =	shalt  }
0x6b: {  	_ =	shalt  }
0x6c: {  	_ =	shalt  }
0x6d: {  	_ =	shalt  }
0x6e: {  	_ =	shalt  }
0x6f: {  	_ =	shalt  }
0x70: {  	_ =	shalt  }
0x71: {  	_ =	shalt  }
0x72: {  	_ =	shalt  }
0x73: {  	_ =	shalt  }
0x74: {  	_ =	shalt  }
0x75: {  	_ =	shalt  }
0x76: {  	_ =	shalt  }
0x77: {  	_ =	shalt  }
0x78: {  	_ =	shalt  }
0x79: {  	_ =	shalt  }
0x7a: {  	_ =	shalt  }
0x7b: {  	_ =	shalt  }
0x7c: {  	_ =	shalt  }
0x7d: {  	_ =	shalt  }
0x7e: {  	_ =	shalt  }
0x7f: {  	_ =	shalt  }
0x80: {  	_ =	shalt  }
0x81: {  	_ =	shalt  }
0x82: {  	_ =	shalt  }
0x83: {  	_ =	shalt  }
0x84: {  	_ =	shalt  }
0x85: {  	_ =	shalt  }
0x86: {  	_ =	shalt  }
0x87: {  	_ =	shalt  }
.Lfunc_end0:
.L_simem_size_0:
called_computation.2_lowered:
.L_overlay_start_0:
0x88: {  	s2 =	sld [smem:$0x3FD9]  }
0x89: {  	s3 =	sld [smem:$0x3FFE];
	_ =	sdelay $0x1  }
0x8a: {  	s1 =	srdreg.scid  }
0x8b: {  	s0 =	sand.u32 $0x1, s1  }
0x8c: {  	s16 =	sshll.u32 s0, $0xA;
	s2 =	sadd.s32 s3, s2  }
0x8d: {  	s2 =	sadd.s32 s2, s16  }
0x8e: {  	[smem:$0x3FBE] =	sst s2  }
0x8f: {  	_ = 	snop  }
0x90: {  	(tm) =	ssettm $0x1  }
0x91: {  	s17 =	sld [smem:$0x3FFB];
	_ =	sdelay $0x3  }
0x92: {  	_ =	strace s17  }
0x93: {  	s2 =	sld [smem:$0x3FFC];
	_ =	sdelay $0x3  }
0x94: {  	_ =	strace s2  }
0x95: {  	s2 =	sld [smem:$0x3FFD];
	_ =	sdelay $0x3  }
0x96: {  	_ =	strace s2  }
0x97: {  	_ =	strace $0x8FFFFFFF  }
0x98: {  	s18 =	sld [smem:$0x3FDB];
	_ =	sdelay $0x1  }
0x99: {  	s19 =	simm.s32 $_scs_section_size  }
0x9a: {  	s4 =	simm.s32 $_size__tile_overlayer_lowered;
	s5 =	simm.s32 $_tile_overlayer_lowered  }
0x9b: {  	s22 =	simm.s32 $0x1BFF;
	s21 =	sshll.u32 s5, $0x1;
	s2 =	sadd.s32 s19, s18  }
0x9c: {  	s6 =	simm.s32 $0x0;
	s20 =	sshll.u32 s4, $0x1;
	s4 =	sadd.s32 s21, s2  }
0x9d: {  	[timem:s6], [sflag:s22] =	dma.local [hbm:s4], s20  }
0x9e: {  	_ =	swait.ge [sflag:s22], s20  }
0x9f: {  	s3 =	ssub.s32 $0x0, s20;
	[sflag:s22] =	ssyncset.done $0x0  }
0xa0: {  	[sflag:s22] =	ssyncadd.s32 s3;
	_ =	sdelay $0x1  }
0xa1: {  	s23 =	simm.s32 $0x1B8B  }
0xa2: {  	_ =	swait.ge [sflag:s23], $0x1  }
0xa3: {  	[sflag:s23] =	ssyncset.done $0x0  }
0xa4: {  	s25 =	simm.s32 $0x1B8E;
	s24 =	sld [smem:$0x3FFE];
	[sflag:s23] =	ssyncadd.s32 $0xFFFFFFFF  }
0xa5: {  	s26 =	simm.s32 $execute0_lowered;
	[smem:$0x3FD2] =	sst s25  }
0xa6: {  	s4 =	sshll.u32 s26, $0x1;
	_ =	strace $0x8000004C;
	[dreg:$0x1] =	wrdreg $0xFFFFFFFF  }
0xa7: {  	s28 =	simm.s32 $_size_execute0_lowered;
	s2 =	sadd.s32 s2, s4;
	[dreg:$0x0] =	wrdreg $0x0  }
0xa8: {  	s4 =	sshll.u32 s28, $0x1;
	[dreg:$0x2] =	wrdreg s2  }
0xa9: {  	[dreg:$0x3] =	wrdreg s4  }
0xaa: {  	[dreg:$0x4] =	wrdreg $0xC0  }
0xab: {  	_ =	task [dreg:s6], $0x5FFFF  }
0xac: {  	[dreg:$0x1] =	wrdreg $0xFFFFFFFF  }
0xad: {  	[dreg:$0x0] =	wrdreg $0x60  }
0xae: {  	[dreg:$0x2] =	wrdreg s24  }
0xaf: {  	[dreg:$0x3] =	wrdreg $0xA8000  }
0xb0: {  	[dreg:$0x4] =	wrdreg $0x9  }
0xb1: {  	_ =	task.clear_ibuf [dreg:s6], $0x5FFFF;
	_ =	strace $0x9000004C  }
0xb2: {  	s29 =	simm.s32 $0x9;
	_ =	strace $0x8000004E  }
0xb3: {  	_ =	swait.ge [sflag:s29], $0x1  }
0xb4: {  	[sflag:s29] =	ssyncadd.s32 $0xFFFFFFFF  }
0xb5: {  	_ =	strace $0x9000004E  }
0xb6: {  	_ =	sfence  }
0xb7: {  	s30 =	sld [smem:$0x0];
	_ =	sdelay $0x2  }
0xb8: {  	s31 =	sshll.u32 s1, $0xD;
	s1 =	sshrl.u32 s1, $0x2  }
0xb9: {  	s3 =	sand.u32 $0x4000, s31;
	s1 =	sadd.s32 s1, s30  }
0xba: {  	s0 =	sor.u32 s3, s0;
	s1 =	sshll.u32 s1, $0x11  }
0xbb: {  	s0 =	sor.u32 s1, s0  }
0xbc: {  	s0 =	sadd.s32 $0x8F2B, s0  }
0xbd: {  	[sflag:s0] =	ssyncadd.remote.s32 $0x1  }
0xbe: {  	_ =	sfence.sel $0xFFFF  }
0xbf: {  	[dreg:$0x0] =	wrdreg $0xFFFFFFFF;
	(pc) =	sbr.abs _section_cstart, $3  }
0xc0: {  	[dreg:$0x1] =	wrdreg $0xFFFFFFFF  }
0xc1: {  	_ =	task.clear_ibuf [dreg:s6], $0x2FFFF;
	_ =	strace $0x9FFFFFFF  }
0xc2: {  	(tm) =	ssettm $0x7FFFFFFF  }
0xc3: {  	_ =	shalt  }
tec
execute0_lowered:
.L_overlay_start_1:
0x0: {  	(tag) =	ssettag $0x1  }
0x1: {  	s6 =	rddreg [dreg:$0x0]  }
0x2: {  	s1 =	rddreg [dreg:$0x1]  }
0x3: {  	s0 =	rddreg [dreg:$0x2];
	s2 =	simm.s32 $0x0  }
0x4: {  	s3 =	srdreg.scid;
	s15 =	simm.s32 $0x2800;
	s18 =	simm.s32 $0x6800  }
0x5: {  	s19 =	simm.s32 $0x1;
	s20 =	simm.s32 $0x2;
	s21 =	simm.s32 $0x1380  }
0x6: {  	s22 =	simm.s32 $0x2700;
	s23 =	simm.s32 $0x2780;
	s24 =	simm.s32 $0x0  }
0x7: {  	[smem:$0x7FF] =	sst s2;
	s7 =	sand.u32 $0x1, s3;
	s3 =	stileid.u32  }
0x8: {  	s4 =	sadd.s32 $0x10A00, s6;
	s10 =	sadd.s32 $0x5EE00, s6;
	s8 =	smul.u32 $0x139000, s7  }
0x9: {  	s11 =	sadd.s32 $0x3800, s6;
	_ =	strace $0x8000004D;
	s9 =	smul.u32 $0x13800, s3  }
0xa: {  	s5 =	sshll.u32 s7, $0x4;
	s7 =	ssub.s32 $0x2, s7;
	s26 =	smul.u32 $0x4E000, s3  }
0xb: {  	s16 =	sshll.u32 s3, $0x6;
	s12 =	sor.u32 s3, s5;
	s5 =	sadd.s32 $0xE000, s6  }
0xc: {  	s28 =	sshrl.u32 s7, $0x1;
	s16 =	sor.u32 $0x1C03, s16;
	s8 =	sadd.s32 s9, s8  }
0xd: {  	s25 =	smul.u32 $0x2800, s12;
	s14 =	ssub.s32 s7, s28;
	s30 =	sshrl.u32 s26, $0x2  }
0xe: {  	s12 =	simm.s32 $0x3;
	s8 =	sshrl.u32 s8, $0x3;
	s17 =	sadd.s32 s30, s1  }
0xf: {  	s13 =	sadd.s32 s8, s6;
	s29 =	sshrl.u32 s25, $0x3;
	s17 =	sshrl.u32 s17, $0x3  }
0x10: {  	s6 =	sadd.s32 s10, s29;
	s7 =	sadd.s32 s11, s29;
	s31 =	sadd.s32 $0x280, s29  }
0x11: {  	s8 =	sadd.s32 s10, s31;
	s9 =	sadd.s32 s11, s31;
	s10 =	sadd.s32 $0x68E00, s13  }
0x12: {  	s11 =	smax.u32 s14, $0x1;
	s13 =	simm.s32 $0x1400;
	s14 =	simm.s32 $0x80  }
.LBB2_1:
0x13: {  	[tilespmem:s2], [sflag:$0x3] =	stream.linear.gather [hbm4b:s6+s2], $0x1400, $0x38;
	[tilespmem:$0x1E100] =	vst v63  }
0x14: {  	_ =	swait.ge [sflag:s12], $0x1400  }
0x15: {  	[sflag:s12] =	ssyncset.done $0x0  }
0x16: {  	[sflag:s12] =	ssyncadd.s32 $0xFFFFEC00  }
0x17: {  	[tilespmem:s13], [sflag:$0x3] =	stream.linear.gather [hbm4b:s7+s2], $0x1400, $0x38;
	[tilespmem:$0x1E100] =	vst v63  }
0x18: {  	_ =	swait.ge [sflag:s12], $0x1400  }
0x19: {  	[sflag:s12] =	ssyncset.done $0x0  }
0x1a: {  	[sflag:s12] =	ssyncadd.s32 $0xFFFFEC00  }
0x1b: {  	[tilespmem:s15], [sflag:$0x1] =	stream.indirect.gather [hbm4b:s4+s14], $0x80, s2, s14, $0xb8;
	[tilespmem:$0x1E100] =	vst v63  }
0x1c: {  	[spmem:s17], [sflag:s16] =	dma.local [hbm:s5], $0x2900  }
0x1d: {  	_ =	swait.ge [sflag:s12], $0x2900  }
0x1e: {  	[sflag:s12] =	ssyncset.done $0x0  }
0x1f: {  	[sflag:s12] =	ssyncadd.s32 $0xFFFFD700  }
0x20: {  	s25 =	simm.s32 $0x80;
	[bflag:$0x0] =	sbarrier.arrive $0xFFFF  }
0x21: {  	[tilespmem:s18], [sflag:$0x2] =	stream.indirect.gather [hbm4b:s4+s14], $0x80, s25, s14, $0xb8;
	[tilespmem:$0x1E100] =	vst v63  }
0x22: {  	_ =	swait.ge [sflag:s19], $0x4000  }
0x23: {  	[sflag:s19] =	ssyncset.done $0x0  }
0x24: {  	s29 =	simm.s32 $0x1400;
	[sflag:s19] =	ssyncadd.s32 $0xFFFFC000  }
0x25: {  	[spmem:s1] =	stream.indirect.scatter.add.f32 [tilespmem:s15], [sflag:$0x3], $0x80, s29, s14, $0xb8;
	[tilespmem:$0x1E100] =	vst v63  }
0x26: {  	_ =	swait.ge [sflag:s12], $0x4000  }
0x27: {  	[sflag:s12] =	ssyncset.done $0x0  }
0x28: {  	s30 =	simm.s32 $0x100;
	[sflag:s12] =	ssyncadd.s32 $0xFFFFC000  }
0x29: {  	[tilespmem:s15], [sflag:$0x1] =	stream.indirect.gather [hbm4b:s4+s14], $0x80, s30, s14, $0xb8;
	[tilespmem:$0x1E100] =	vst v63  }
0x2a: {  	_ =	swait.ge [sflag:s20], $0x4000  }
0x2b: {  	[sflag:s20] =	ssyncset.done $0x0  }
0x2c: {  	s31 =	simm.s32 $0x1480;
	[sflag:s20] =	ssyncadd.s32 $0xFFFFC000  }
0x2d: {  	[spmem:s1] =	stream.indirect.scatter.add.f32 [tilespmem:s18], [sflag:$0x3], $0x80, s31, s14, $0xb8;
	[tilespmem:$0x1E100] =	vst v63  }
0x2e: {  	_ =	swait.ge [sflag:s12], $0x4000  }
0x2f: {  	s26 =	simm.s32 $0x800;
	s25 =	simm.s32 $0x100;
	[sflag:s12] =	ssyncset.done $0x0  }
.LBB2_2:
0x30: {  	s28 =	sadd.s32 $0x80, s25  }
0x31: {  	[sflag:s12] =	ssyncadd.s32 $0xFFFFC000;
	s29 =	smov.u32 s26;
	s30 =	sadd.s32 $0x400, s26  }
0x32: {  	[tilespmem:s18], [sflag:$0x2] =	stream.indirect.gather [hbm4b:s4+s14], $0x80, s28, s14, $0xb8;
	[tilespmem:$0x1E100] =	vst v63  }
0x33: {  	p0 =	sne.s32 s26, $0x4800;
	_ =	swait.ge [sflag:s19], $0x4000  }
0x34: {  	[sflag:s19] =	ssyncset.done $0x0  }
0x35: {  	s26 =	sadd.s32 $0x1400, s25;
	[sflag:s19] =	ssyncadd.s32 $0xFFFFC000  }
0x36: {  	[spmem:s1] =	stream.indirect.scatter.add.f32 [tilespmem:s15], [sflag:$0x3], $0x80, s26, s14, $0xb8;
	[tilespmem:$0x1E100] =	vst v63  }
0x37: {  	_ =	swait.ge [sflag:s12], $0x4000  }
0x38: {  	[sflag:s12] =	ssyncset.done $0x0  }
0x39: {  	s26 =	sadd.s32 $0x100, s25;
	[sflag:s12] =	ssyncadd.s32 $0xFFFFC000  }
0x3a: {  	[tilespmem:s15], [sflag:$0x1] =	stream.indirect.gather [hbm4b:s4+s14], $0x80, s26, s14, $0xb8;
	[tilespmem:$0x1E100] =	vst v63  }
0x3b: {  	_ =	swait.ge [sflag:s20], $0x4000  }
.Ltmp0:
0x3c: {  	[sflag:s20] =	ssyncset.done $0x0;
	(pc) =	sbr.rel @p0 .LBB2_2-.Ltmp0, $4  }
0x3d: {  	s25 =	sadd.s32 $0x1480, s25;
	[sflag:s20] =	ssyncadd.s32 $0xFFFFC000  }
0x3e: {  	[spmem:s1] =	stream.indirect.scatter.add.f32 [tilespmem:s18], [sflag:$0x3], $0x80, s25, s14, $0xb8;
	[tilespmem:$0x1E100] =	vst v63  }
0x3f: {  	_ =	swait.ge [sflag:s12], $0x4000  }
0x40: {  	s26 =	smov.u32 s30;
	s25 =	sshra.s32 s29, $0x2;
	[sflag:s12] =	ssyncset.done $0x0  }
0x41: {  	s26 =	sadd.s32 $0x80, s25;
	[sflag:s12] =	ssyncadd.s32 $0xFFFFC000  }
0x42: {  	[tilespmem:s18], [sflag:$0x2] =	stream.indirect.gather [hbm4b:s4+s14], $0x80, s26, s14, $0xb8;
	[tilespmem:$0x1E100] =	vst v63  }
0x43: {  	_ =	swait.ge [sflag:s19], $0x4000  }
0x44: {  	[sflag:s19] =	ssyncset.done $0x0  }
0x45: {  	s29 =	sadd.s32 $0x1400, s25;
	[sflag:s19] =	ssyncadd.s32 $0xFFFFC000  }
0x46: {  	[spmem:s1] =	stream.indirect.scatter.add.f32 [tilespmem:s15], [sflag:$0x3], $0x80, s29, s14, $0xb8;
	[tilespmem:$0x1E100] =	vst v63  }
0x47: {  	_ =	swait.ge [sflag:s12], $0x4000  }
0x48: {  	[sflag:s12] =	ssyncset.done $0x0  }
0x49: {  	s30 =	sadd.s32 $0x100, s25;
	[sflag:s12] =	ssyncadd.s32 $0xFFFFC000  }
0x4a: {  	[tilespmem:s15], [sflag:$0x1] =	stream.indirect.gather [hbm4b:s4+s14], $0x80, s30, s14, $0xb8;
	[tilespmem:$0x1E100] =	vst v63  }
0x4b: {  	_ =	swait.ge [sflag:s20], $0x4000  }
0x4c: {  	[sflag:s20] =	ssyncset.done $0x0  }
0x4d: {  	s31 =	sadd.s32 $0x1480, s25;
	[sflag:s20] =	ssyncadd.s32 $0xFFFFC000  }
0x4e: {  	[spmem:s1] =	stream.indirect.scatter.add.f32 [tilespmem:s18], [sflag:$0x3], $0x80, s31, s14, $0xb8;
	[tilespmem:$0x1E100] =	vst v63  }
0x4f: {  	_ =	swait.ge [sflag:s12], $0x4000  }
0x50: {  	[sflag:s12] =	ssyncset.done $0x0  }
0x51: {  	[sflag:s12] =	ssyncadd.s32 $0xFFFFC000  }
0x52: {  	[tilespmem:s18], [sflag:$0x2] =	stream.indirect.gather [hbm4b:s4+s14], $0x80, s21, s14, $0xb8;
	[tilespmem:$0x1E100] =	vst v63  }
0x53: {  	_ =	swait.ge [sflag:s19], $0x4000  }
0x54: {  	[sflag:s19] =	ssyncset.done $0x0  }
0x55: {  	[sflag:s19] =	ssyncadd.s32 $0xFFFFC000  }
0x56: {  	[spmem:s1] =	stream.indirect.scatter.add.f32 [tilespmem:s15], [sflag:$0x3], $0x80, s22, s14, $0xb8;
	[tilespmem:$0x1E100] =	vst v63  }
0x57: {  	_ =	swait.ge [sflag:s12], $0x4000  }
0x58: {  	[sflag:s12] =	ssyncset.done $0x0  }
0x59: {  	[sflag:s12] =	ssyncadd.s32 $0xFFFFC000  }
0x5a: {  	_ =	swait.ge [sflag:s20], $0x4000  }
0x5b: {  	[sflag:s20] =	ssyncset.done $0x0  }
0x5c: {  	[sflag:s20] =	ssyncadd.s32 $0xFFFFC000  }
0x5d: {  	[spmem:s1] =	stream.indirect.scatter.add.f32 [tilespmem:s18], [sflag:$0x3], $0x80, s23, s14, $0xb8;
	[tilespmem:$0x1E100] =	vst v63  }
0x5e: {  	_ =	swait.ge [sflag:s12], $0x4000  }
0x5f: {  	[sflag:s12] =	ssyncset.done $0x0  }
0x60: {  	s26 =	simm.s32 $0x0;
	[sflag:s12] =	ssyncadd.s32 $0xFFFFC000  }
0x61: {  	[tilespmem:s26], [sflag:$0x3] =	stream.linear.gather [hbm4b:s8+s26], $0x1400, $0x38;
	[tilespmem:$0x1E100] =	vst v63  }
0x62: {  	_ =	swait.ge [sflag:s12], $0x1400  }
0x63: {  	[sflag:s12] =	ssyncset.done $0x0  }
0x64: {  	[sflag:s12] =	ssyncadd.s32 $0xFFFFEC00  }
0x65: {  	[tilespmem:s13], [sflag:$0x3] =	stream.linear.gather [hbm4b:s9+s26], $0x1400, $0x38;
	[tilespmem:$0x1E100] =	vst v63  }
0x66: {  	_ =	swait.ge [sflag:s12], $0x1400  }
0x67: {  	[sflag:s12] =	ssyncset.done $0x0  }
0x68: {  	[sflag:s12] =	ssyncadd.s32 $0xFFFFEC00  }
0x69: {  	[tilespmem:s15], [sflag:$0x1] =	stream.indirect.gather [hbm4b:s4+s14], $0x80, s26, s14, $0xb8;
	[tilespmem:$0x1E100] =	vst v63  }
0x6a: {  	s28 =	simm.s32 $0x80  }
0x6b: {  	[tilespmem:s18], [sflag:$0x2] =	stream.indirect.gather [hbm4b:s4+s14], $0x80, s28, s14, $0xb8;
	[tilespmem:$0x1E100] =	vst v63  }
0x6c: {  	_ =	swait.ge [sflag:s19], $0x4000  }
0x6d: {  	[sflag:s19] =	ssyncset.done $0x0  }
0x6e: {  	s29 =	simm.s32 $0x1400;
	[sflag:s19] =	ssyncadd.s32 $0xFFFFC000  }
0x6f: {  	[spmem:s1] =	stream.indirect.scatter.add.f32 [tilespmem:s15], [sflag:$0x3], $0x80, s29, s14, $0xb8;
	[tilespmem:$0x1E100] =	vst v63  }
0x70: {  	_ =	swait.ge [sflag:s12], $0x4000  }
0x71: {  	[sflag:s12] =	ssyncset.done $0x0  }
0x72: {  	s30 =	simm.s32 $0x100;
	[sflag:s12] =	ssyncadd.s32 $0xFFFFC000  }
0x73: {  	[tilespmem:s15], [sflag:$0x1] =	stream.indirect.gather [hbm4b:s4+s14], $0x80, s30, s14, $0xb8;
	[tilespmem:$0x1E100] =	vst v63  }
0x74: {  	_ =	swait.ge [sflag:s20], $0x4000  }
0x75: {  	[sflag:s20] =	ssyncset.done $0x0  }
0x76: {  	s31 =	simm.s32 $0x1480;
	[sflag:s20] =	ssyncadd.s32 $0xFFFFC000  }
0x77: {  	[spmem:s1] =	stream.indirect.scatter.add.f32 [tilespmem:s18], [sflag:$0x3], $0x80, s31, s14, $0xb8;
	[tilespmem:$0x1E100] =	vst v63  }
0x78: {  	_ =	swait.ge [sflag:s12], $0x4000  }
0x79: {  	s25 =	simm.s32 $0x100;
	s26 =	simm.s32 $0x800;
	[sflag:s12] =	ssyncset.done $0x0  }
.LBB2_4:
0x7a: {  	s28 =	sadd.s32 $0x80, s25  }
0x7b: {  	[sflag:s12] =	ssyncadd.s32 $0xFFFFC000;
	s29 =	smov.u32 s26;
	s30 =	sadd.s32 $0x400, s26  }
0x7c: {  	[tilespmem:s18], [sflag:$0x2] =	stream.indirect.gather [hbm4b:s4+s14], $0x80, s28, s14, $0xb8;
	[tilespmem:$0x1E100] =	vst v63  }
0x7d: {  	p0 =	sne.s32 s26, $0x4800;
	_ =	swait.ge [sflag:s19], $0x4000  }
0x7e: {  	[sflag:s19] =	ssyncset.done $0x0  }
0x7f: {  	s26 =	sadd.s32 $0x1400, s25;
	[sflag:s19] =	ssyncadd.s32 $0xFFFFC000  }
0x80: {  	[spmem:s1] =	stream.indirect.scatter.add.f32 [tilespmem:s15], [sflag:$0x3], $0x80, s26, s14, $0xb8;
	[tilespmem:$0x1E100] =	vst v63  }
0x81: {  	_ =	swait.ge [sflag:s12], $0x4000  }
0x82: {  	[sflag:s12] =	ssyncset.done $0x0  }
0x83: {  	s26 =	sadd.s32 $0x100, s25;
	[sflag:s12] =	ssyncadd.s32 $0xFFFFC000  }
0x84: {  	[tilespmem:s15], [sflag:$0x1] =	stream.indirect.gather [hbm4b:s4+s14], $0x80, s26, s14, $0xb8;
	[tilespmem:$0x1E100] =	vst v63  }
0x85: {  	_ =	swait.ge [sflag:s20], $0x4000  }
.Ltmp1:
0x86: {  	[sflag:s20] =	ssyncset.done $0x0;
	(pc) =	sbr.rel @p0 .LBB2_4-.Ltmp1, $4  }
0x87: {  	s25 =	sadd.s32 $0x1480, s25;
	[sflag:s20] =	ssyncadd.s32 $0xFFFFC000  }
0x88: {  	[spmem:s1] =	stream.indirect.scatter.add.f32 [tilespmem:s18], [sflag:$0x3], $0x80, s25, s14, $0xb8;
	[tilespmem:$0x1E100] =	vst v63  }
0x89: {  	_ =	swait.ge [sflag:s12], $0x4000  }
0x8a: {  	s26 =	smov.u32 s30;
	s25 =	sshra.s32 s29, $0x2;
	[sflag:s12] =	ssyncset.done $0x0  }
0x8b: {  	s26 =	sadd.s32 $0x80, s25;
	[sflag:s12] =	ssyncadd.s32 $0xFFFFC000  }
0x8c: {  	[tilespmem:s18], [sflag:$0x2] =	stream.indirect.gather [hbm4b:s4+s14], $0x80, s26, s14, $0xb8;
	[tilespmem:$0x1E100] =	vst v63  }
0x8d: {  	_ =	swait.ge [sflag:s19], $0x4000  }
0x8e: {  	[sflag:s19] =	ssyncset.done $0x0  }
0x8f: {  	s29 =	sadd.s32 $0x1400, s25;
	[sflag:s19] =	ssyncadd.s32 $0xFFFFC000  }
0x90: {  	[spmem:s1] =	stream.indirect.scatter.add.f32 [tilespmem:s15], [sflag:$0x3], $0x80, s29, s14, $0xb8;
	[tilespmem:$0x1E100] =	vst v63  }
0x91: {  	_ =	swait.ge [sflag:s12], $0x4000  }
0x92: {  	[sflag:s12] =	ssyncset.done $0x0  }
0x93: {  	s30 =	sadd.s32 $0x100, s25;
	[sflag:s12] =	ssyncadd.s32 $0xFFFFC000  }
0x94: {  	[tilespmem:s15], [sflag:$0x1] =	stream.indirect.gather [hbm4b:s4+s14], $0x80, s30, s14, $0xb8;
	[tilespmem:$0x1E100] =	vst v63  }
0x95: {  	_ =	swait.ge [sflag:s20], $0x4000  }
0x96: {  	[sflag:s20] =	ssyncset.done $0x0  }
0x97: {  	s31 =	sadd.s32 $0x1480, s25;
	[sflag:s20] =	ssyncadd.s32 $0xFFFFC000  }
0x98: {  	[spmem:s1] =	stream.indirect.scatter.add.f32 [tilespmem:s18], [sflag:$0x3], $0x80, s31, s14, $0xb8;
	[tilespmem:$0x1E100] =	vst v63  }
0x99: {  	_ =	swait.ge [sflag:s12], $0x4000  }
0x9a: {  	[sflag:s12] =	ssyncset.done $0x0  }
0x9b: {  	[sflag:s12] =	ssyncadd.s32 $0xFFFFC000  }
0x9c: {  	[tilespmem:s18], [sflag:$0x2] =	stream.indirect.gather [hbm4b:s4+s14], $0x80, s21, s14, $0xb8;
	[tilespmem:$0x1E100] =	vst v63  }
0x9d: {  	_ =	swait.ge [sflag:s19], $0x4000  }
0x9e: {  	[sflag:s19] =	ssyncset.done $0x0  }
0x9f: {  	[sflag:s19] =	ssyncadd.s32 $0xFFFFC000  }
0xa0: {  	[spmem:s1] =	stream.indirect.scatter.add.f32 [tilespmem:s15], [sflag:$0x3], $0x80, s22, s14, $0xb8;
	[tilespmem:$0x1E100] =	vst v63  }
0xa1: {  	_ =	swait.ge [sflag:s12], $0x4000  }
0xa2: {  	[sflag:s12] =	ssyncset.done $0x0  }
0xa3: {  	[sflag:s12] =	ssyncadd.s32 $0xFFFFC000  }
0xa4: {  	_ =	swait.ge [sflag:s20], $0x4000  }
0xa5: {  	[sflag:s20] =	ssyncset.done $0x0  }
0xa6: {  	[sflag:s20] =	ssyncadd.s32 $0xFFFFC000  }
0xa7: {  	[spmem:s1] =	stream.indirect.scatter.add.f32 [tilespmem:s18], [sflag:$0x3], $0x80, s23, s14, $0xb8;
	[tilespmem:$0x1E100] =	vst v63  }
0xa8: {  	_ =	swait.ge [sflag:s12], $0x4000  }
0xa9: {  	s24 =	sadd.s32 $0x1, s24;
	[sflag:s12] =	ssyncset.done $0x0  }
0xaa: {  	p0 =	sne.s32 s24, s11;
	[sflag:s12] =	ssyncadd.s32 $0xFFFFC000  }
.Ltmp2:
0xab: {  	[bflag:$0x0] =	sbarrier.arrive $0xFFFF;
	(pc) =	sbr.rel @p0 .LBB2_1-.Ltmp2, $4  }
0xac: {  	[hbm:s10], [sflag:s16] =	dma.local [spmem:s17], $0x2900  }
0xad: {  	_ =	swait.ge [sflag:s12], $0x2900  }
0xae: {  	[sflag:s12] =	ssyncset.done $0x0  }
0xaf: {  	[sflag:s12] =	ssyncadd.s32 $0xFFFFD700  }
0xb0: {  	_ =	sfence.sel $0x180000  }
0xb1: {  	[bflag:$0x0] =	sbarrier.arrive $0xFFFF  }
0xb2: {  	p0 =	sne.s32 s3, $0x0;
	_ =	strace $0x9000004D  }
0xb3: {  	s0 =	sadd.s32 @!p0 $0x100000, s0;
	[bflag:$0x2] =	sbarrier.arrive $0xFFFF  }
0xb4: {  	[sflag:s0] =	ssyncadd.tile.s32 @!p0 $0x1;
	_ =	shalt  }
.Lfunc_end2:
_tile_overlayer_lowered:
.L_overlay_start_2:
0xb5: {  	(tag) =	ssettag $0x2  }
0xb6: {  	s0 =	rddreg [dreg:$0x0];
	s2 =	stileid.u32  }
0xb7: {  	s1 =	rddreg [dreg:$0x1];
	p0 =	sne.s32 s2, $0x0  }
0xb8: {  	s3 =	rddreg [dreg:$0x2];
	[bflag:$0x3] =	sbarrier.arrive $0xFFFF;
	s2 =	simm.s32 @!p0 $0x1C03  }
0xb9: {  	[timem:s3], [sflag:s2] =	dma.local @!p0 [hbm:s0], s1  }
0xba: {  	s0 =	simm.s32 @!p0 $0x3  }
0xbb: {  	_ =	swait.ge @!p0 [sflag:s0], s1  }
0xbc: {  	s1 =	ssub.s32 @!p0 $0x0, s1;
	[sflag:s0] =	ssyncset.done @!p0 $0x0  }
0xbd: {  	[sflag:s0] =	ssyncadd.s32 @!p0 s1  }
0xbe: {  	[bflag:$0x3] =	sbarrier.arrive $0xFFFF  }
0xbf: {  	_ =	shalt  }

// kernel: kernel.19.cloned.1.call-start
scs
__scs_entry_jumppad:
0x0: {  	(pc) =	sbr.rel $0x88, $3  }
0x1: {  	(tag) =	ssettag $0x0;
	lr =	simm.s32 $0x1  }
0x2: {  	[smem:$0x3F97] =	sst lr;
	_ =	strace $0xD0000000  }
0x3: {  	_ = 	snop  }
0x4: {  	_ = 	snop  }
0x5: {  	_ = 	snop  }
0x6: {  	_ = 	snop  }
0x7: {  	_ = 	snop  }
__scs_overlays_trampoline_lowered:
0x8: {  	[smem:$0x3FA6] =	sst s0  }
0x9: {  	[smem:$0x3FA7] =	sst s1  }
0xa: {  	[smem:$0x3FA8] =	sst s2  }
0xb: {  	[smem:$0x3FA9] =	sst s3  }
0xc: {  	[smem:$0x3FAA] =	sst s4  }
0xd: {  	[smem:$0x3FAB] =	sst s5  }
0xe: {  	[smem:$0x3FAC] =	sst s6  }
0xf: {  	[smem:$0x3FAD] =	sst s7  }
0x10: {  	[smem:$0x3FAE] =	sst s8  }
0x11: {  	[smem:$0x3FAF] =	sst s9;
	s0 =	simm.s32 @!p0 $0x0  }
0x12: {  	s1 =	sld [smem:$0x3F95];
	s0 =	simm.s32 @p0 $0x1  }
0x13: {  	[smem:$0x3FB0] =	sst s0;
	s0 =	simm.s32 @!p1 $0x0  }
0x14: {  	s2 =	sld [smem:$0x3F94];
	s0 =	simm.s32 @p1 $0x1  }
0x15: {  	[smem:$0x3FB1] =	sst s0;
	s0 =	simm.s32 @!p2 $0x0  }
0x16: {  	s3 =	sld [smem:$0x3FDB];
	s0 =	simm.s32 @p2 $0x1  }
0x17: {  	s4 =	simm.s32 $0x1BF5;
	[smem:$0x3FB3] =	sst s0  }
0x18: {  	s0 =	sld [smem:$0x3F96];
	_ =	swait.ge [sflag:s4], $0x0  }
0x19: {  	s7 =	sld [smem:$0x3F97]  }
0x1a: {  	s8 =	sadd.s32 $0xFFFFE003, lr  }
0x1b: {  	s9 =	sadd.s32 $0xFFFFFEF7, lr;
	s5 =	simm.s32 $0xFFFFFFFF;
	p2 =	slt.u32 s8, $0xFFFFF086  }
0x1c: {  	p1 =	slt.u32 s9, $0xF7A;
	s5 =	simm.s32 @!p2 $0x0  }
0x1d: {  	s5 =	simm.s32 @p1 $0x1;
	p0 =	seq.s32 s7, s2  }
0x1e: {  	s7 =	smul.u32 @!p0 $0xF7A, s2;
	p2 =	seq.s32 @!p0 s5, $0x0  }
0x1f: {  	s9 =	smul.u32 $0xF7A, s1;
	s8 =	simm.s32 @!p0 $0x1BF5;
	p2 =	por !p2, p0  }
0x20: {  	[sflag:s8] =	ssyncset.s32 @!p0 $0xFFFFF086;
	s6 =	sadd.s32 @!p0 s3, s7;
	s7 =	simm.s32 @!p0 $0x108  }
0x21: {  	s3 =	sadd.s32 s3, s9;
	s6 =	sadd.s32 @!p0 $0x88, s6;
	s7 =	simm.s32 @p2 $0x1082  }
0x22: {  	[simem:s7], [sflag:s8] =	dma.local @!p0 [hbm:s6], $0xF7A  }
0x23: {  	s9 =	sor.u32 $0xD0000000, s2;
	s6 =	simm.s32 $0x108;
	_ =	swait.ge @!p0 [sflag:s8], $0x0  }
0x24: {  	s3 =	sadd.s32 $0x88, s3;
	s6 =	simm.s32 @!p1 $0x1082;
	[sflag:s4] =	ssyncset.s32 $0xFFFFF086  }
0x25: {  	[simem:s6], [sflag:s4] =	dma.local [hbm:s3], $0xF7A  }
0x26: {  	[smem:$0x3F97] =	sst s1;
	(tag) =	ssettag s2;
	_ =	strace s9  }
0x27: {  	s1 =	sld [smem:$0x3FA7]  }
0x28: {  	s2 =	sld [smem:$0x3FA8]  }
0x29: {  	s4 =	sld [smem:$0x3FAA]  }
0x2a: {  	p0 =	seq.s32 s5, $0x0;
	s5 =	sld [smem:$0x3FAB]  }
0x2b: {  	s6 =	sld [smem:$0x3FAC]  }
0x2c: {  	s7 =	sld [smem:$0x3FAD]  }
0x2d: {  	s3 =	simm.s32 $0x108;
	s8 =	sld [smem:$0x3FAE]  }
0x2e: {  	s3 =	simm.s32 @!p0 $0x1082;
	s9 =	sld [smem:$0x3FAF]  }
0x2f: {  	lr =	sadd.s32 s0, s3;
	s0 =	sld [smem:$0x3FA6]  }
0x30: {  	s3 =	sld [smem:$0x3FA9]  }
0x31: {  	[smem:$0x3FB2] =	sst s10  }
0x32: {  	s10 =	sld [smem:$0x3FB0];
	_ =	sdelay $0x3  }
0x33: {  	p0 =	seq.s32 s10, $0x1;
	s10 =	sld [smem:$0x3FB2];
	_ =	sdelay $0x3  }
0x34: {  	[smem:$0x3FB2] =	sst s10  }
0x35: {  	s10 =	sld [smem:$0x3FB1];
	_ =	sdelay $0x3  }
0x36: {  	p1 =	seq.s32 s10, $0x1;
	s10 =	sld [smem:$0x3FB2];
	_ =	sdelay $0x3  }
0x37: {  	[smem:$0x3FB2] =	sst s10  }
0x38: {  	s10 =	sld [smem:$0x3FB3]  }
0x39: {  	_ = 	snop;
	(pc) =	sbr.ind lr, $3  }
0x3a: {  	_ = 	snop  }
0x3b: {  	_ = 	snop  }
0x3c: {  	p2 =	seq.s32 s10, $0x1;
	s10 =	sld [smem:$0x3FB2]  }
0x3d: {  	_ =	shalt  }
0x3e: {  	_ =	shalt  }
0x3f: {  	_ =	shalt  }
0x40: {  	_ =	shalt  }
0x41: {  	_ =	shalt  }
0x42: {  	_ =	shalt  }
0x43: {  	_ =	shalt  }
0x44: {  	_ =	shalt  }
0x45: {  	_ =	shalt  }
0x46: {  	_ =	shalt  }
0x47: {  	_ =	shalt  }
0x48: {  	_ =	shalt  }
0x49: {  	_ =	shalt  }
0x4a: {  	_ =	shalt  }
0x4b: {  	_ =	shalt  }
0x4c: {  	_ =	shalt  }
0x4d: {  	_ =	shalt  }
0x4e: {  	_ =	shalt  }
0x4f: {  	_ =	shalt  }
0x50: {  	_ =	shalt  }
0x51: {  	_ =	shalt  }
0x52: {  	_ =	shalt  }
0x53: {  	_ =	shalt  }
0x54: {  	_ =	shalt  }
0x55: {  	_ =	shalt  }
0x56: {  	_ =	shalt  }
0x57: {  	_ =	shalt  }
0x58: {  	_ =	shalt  }
0x59: {  	_ =	shalt  }
0x5a: {  	_ =	shalt  }
0x5b: {  	_ =	shalt  }
0x5c: {  	_ =	shalt  }
0x5d: {  	_ =	shalt  }
0x5e: {  	_ =	shalt  }
0x5f: {  	_ =	shalt  }
0x60: {  	_ =	shalt  }
0x61: {  	_ =	shalt  }
0x62: {  	_ =	shalt  }
0x63: {  	_ =	shalt  }
0x64: {  	_ =	shalt  }
0x65: {  	_ =	shalt  }
0x66: {  	_ =	shalt  }
0x67: {  	_ =	shalt  }
0x68: {  	_ =	shalt  }
0x69: {  	_ =	shalt  }
0x6a: {  	_ =	shalt  }
0x6b: {  	_ =	shalt  }
0x6c: {  	_ =	shalt  }
0x6d: {  	_ =	shalt  }
0x6e: {  	_ =	shalt  }
0x6f: {  	_ =	shalt  }
0x70: {  	_ =	shalt  }
0x71: {  	_ =	shalt  }
0x72: {  	_ =	shalt  }
0x73: {  	_ =	shalt  }
0x74: {  	_ =	shalt  }
0x75: {  	_ =	shalt  }
0x76: {  	_ =	shalt  }
0x77: {  	_ =	shalt  }
0x78: {  	_ =	shalt  }
0x79: {  	_ =	shalt  }
0x7a: {  	_ =	shalt  }
0x7b: {  	_ =	shalt  }
0x7c: {  	_ =	shalt  }
0x7d: {  	_ =	shalt  }
0x7e: {  	_ =	shalt  }
0x7f: {  	_ =	shalt  }
0x80: {  	_ =	shalt  }
0x81: {  	_ =	shalt  }
0x82: {  	_ =	shalt  }
0x83: {  	_ =	shalt  }
0x84: {  	_ =	shalt  }
0x85: {  	_ =	shalt  }
0x86: {  	_ =	shalt  }
0x87: {  	_ =	shalt  }
.Lfunc_end0:
.L_simem_size_0:
called_computation.3_lowered:
.L_overlay_start_0:
0x88: {  	s2 =	sld [smem:$0x3FD9]  }
0x89: {  	s3 =	sld [smem:$0x3FFE];
	_ =	sdelay $0x1  }
0x8a: {  	s1 =	srdreg.scid  }
0x8b: {  	s0 =	sand.u32 $0x1, s1  }
0x8c: {  	s16 =	sshll.u32 s0, $0xA;
	s2 =	sadd.s32 s3, s2  }
0x8d: {  	s2 =	sadd.s32 s2, s16  }
0x8e: {  	[smem:$0x3FBE] =	sst s2  }
0x8f: {  	_ = 	snop  }
0x90: {  	(tm) =	ssettm $0x1  }
0x91: {  	s17 =	sld [smem:$0x3FFB];
	_ =	sdelay $0x3  }
0x92: {  	_ =	strace s17  }
0x93: {  	s2 =	sld [smem:$0x3FFC];
	_ =	sdelay $0x3  }
0x94: {  	_ =	strace s2  }
0x95: {  	s2 =	sld [smem:$0x3FFD];
	_ =	sdelay $0x3  }
0x96: {  	_ =	strace s2  }
0x97: {  	_ =	strace $0x8FFFFFFF  }
0x98: {  	s18 =	sld [smem:$0x3FDB];
	_ =	sdelay $0x1  }
0x99: {  	s19 =	simm.s32 $_scs_section_size  }
0x9a: {  	s4 =	simm.s32 $_size__tile_overlayer_lowered;
	s5 =	simm.s32 $_tile_overlayer_lowered  }
0x9b: {  	s22 =	simm.s32 $0x1BFF;
	s21 =	sshll.u32 s5, $0x1;
	s2 =	sadd.s32 s19, s18  }
0x9c: {  	s6 =	simm.s32 $0x0;
	s20 =	sshll.u32 s4, $0x1;
	s4 =	sadd.s32 s21, s2  }
0x9d: {  	[timem:s6], [sflag:s22] =	dma.local [hbm:s4], s20  }
0x9e: {  	_ =	swait.ge [sflag:s22], s20  }
0x9f: {  	s3 =	ssub.s32 $0x0, s20;
	[sflag:s22] =	ssyncset.done $0x0  }
0xa0: {  	[sflag:s22] =	ssyncadd.s32 s3;
	_ =	sdelay $0x1  }
0xa1: {  	s23 =	simm.s32 $0x1B8B  }
0xa2: {  	_ =	swait.ge [sflag:s23], $0x1  }
0xa3: {  	[sflag:s23] =	ssyncset.done $0x0  }
0xa4: {  	s25 =	simm.s32 $0x1B8E;
	s24 =	sld [smem:$0x3FFE];
	[sflag:s23] =	ssyncadd.s32 $0xFFFFFFFF  }
0xa5: {  	s26 =	simm.s32 $execute0_lowered;
	[smem:$0x3FD2] =	sst s25  }
0xa6: {  	s4 =	sshll.u32 s26, $0x1;
	_ =	strace $0x8000004F;
	[dreg:$0x1] =	wrdreg $0xFFFFFFFF  }
0xa7: {  	s28 =	simm.s32 $_size_execute0_lowered;
	s2 =	sadd.s32 s2, s4;
	[dreg:$0x0] =	wrdreg $0x0  }
0xa8: {  	s4 =	sshll.u32 s28, $0x1;
	[dreg:$0x2] =	wrdreg s2  }
0xa9: {  	[dreg:$0x3] =	wrdreg s4  }
0xaa: {  	[dreg:$0x4] =	wrdreg $0xC0  }
0xab: {  	_ =	task [dreg:s6], $0x5FFFF  }
0xac: {  	[dreg:$0x1] =	wrdreg $0xFFFFFFFF  }
0xad: {  	[dreg:$0x0] =	wrdreg $0x60  }
0xae: {  	[dreg:$0x2] =	wrdreg s24  }
0xaf: {  	[dreg:$0x3] =	wrdreg $0xA8000  }
0xb0: {  	[dreg:$0x4] =	wrdreg $0x9  }
0xb1: {  	_ =	task.clear_ibuf [dreg:s6], $0x5FFFF;
	_ =	strace $0x9000004F  }
0xb2: {  	s29 =	simm.s32 $0x9;
	_ =	strace $0x80000051  }
0xb3: {  	_ =	swait.ge [sflag:s29], $0x1  }
0xb4: {  	[sflag:s29] =	ssyncadd.s32 $0xFFFFFFFF  }
0xb5: {  	_ =	strace $0x90000051  }
0xb6: {  	_ =	sfence  }
0xb7: {  	s30 =	sld [smem:$0x0];
	_ =	sdelay $0x2  }
0xb8: {  	s31 =	sshll.u32 s1, $0xD;
	s1 =	sshrl.u32 s1, $0x2  }
0xb9: {  	s3 =	sand.u32 $0x4000, s31;
	s1 =	sadd.s32 s1, s30  }
0xba: {  	s0 =	sor.u32 s3, s0;
	s1 =	sshll.u32 s1, $0x11  }
0xbb: {  	s0 =	sor.u32 s1, s0  }
0xbc: {  	s0 =	sadd.s32 $0x8F2B, s0  }
0xbd: {  	[sflag:s0] =	ssyncadd.remote.s32 $0x1  }
0xbe: {  	_ =	sfence.sel $0xFFFF  }
0xbf: {  	[dreg:$0x0] =	wrdreg $0xFFFFFFFF;
	(pc) =	sbr.abs _section_cstart, $3  }
0xc0: {  	[dreg:$0x1] =	wrdreg $0xFFFFFFFF  }
0xc1: {  	_ =	task.clear_ibuf [dreg:s6], $0x2FFFF;
	_ =	strace $0x9FFFFFFF  }
0xc2: {  	(tm) =	ssettm $0x7FFFFFFF  }
0xc3: {  	_ =	shalt  }
tec
execute0_lowered:
.L_overlay_start_1:
0x0: {  	(tag) =	ssettag $0x1  }
0x1: {  	s6 =	rddreg [dreg:$0x0]  }
0x2: {  	s1 =	rddreg [dreg:$0x1]  }
0x3: {  	s0 =	rddreg [dreg:$0x2];
	s2 =	simm.s32 $0x0  }
0x4: {  	s3 =	srdreg.scid;
	s15 =	simm.s32 $0x2800;
	s18 =	simm.s32 $0x6800  }
0x5: {  	s19 =	simm.s32 $0x1;
	s20 =	simm.s32 $0x2;
	s21 =	simm.s32 $0x1380  }
0x6: {  	s22 =	simm.s32 $0x2700;
	s23 =	simm.s32 $0x2780;
	s24 =	simm.s32 $0x0  }
0x7: {  	[smem:$0x7FF] =	sst s2;
	s7 =	sand.u32 $0x1, s3;
	s3 =	stileid.u32  }
0x8: {  	s4 =	sadd.s32 $0x10A00, s6;
	s10 =	sadd.s32 $0x5EE00, s6;
	s8 =	smul.u32 $0x139000, s7  }
0x9: {  	s11 =	sadd.s32 $0x3800, s6;
	_ =	strace $0x80000050;
	s9 =	smul.u32 $0x13800, s3  }
0xa: {  	s5 =	sshll.u32 s7, $0x4;
	s7 =	ssub.s32 $0x2, s7;
	s26 =	smul.u32 $0x4E000, s3  }
0xb: {  	s16 =	sshll.u32 s3, $0x6;
	s12 =	sor.u32 s3, s5;
	s5 =	sadd.s32 $0xE000, s6  }
0xc: {  	s28 =	sshrl.u32 s7, $0x1;
	s16 =	sor.u32 $0x1C03, s16;
	s8 =	sadd.s32 s9, s8  }
0xd: {  	s25 =	smul.u32 $0x2800, s12;
	s14 =	ssub.s32 s7, s28;
	s30 =	sshrl.u32 s26, $0x2  }
0xe: {  	s12 =	simm.s32 $0x3;
	s8 =	sshrl.u32 s8, $0x3;
	s17 =	sadd.s32 s30, s1  }
0xf: {  	s13 =	sadd.s32 s8, s6;
	s29 =	sshrl.u32 s25, $0x3;
	s17 =	sshrl.u32 s17, $0x3  }
0x10: {  	s6 =	sadd.s32 s10, s29;
	s7 =	sadd.s32 s11, s29;
	s31 =	sadd.s32 $0x280, s29  }
0x11: {  	s8 =	sadd.s32 s10, s31;
	s9 =	sadd.s32 s11, s31;
	s10 =	sadd.s32 $0x68E00, s13  }
0x12: {  	s11 =	smax.u32 s14, $0x1;
	s13 =	simm.s32 $0x1400;
	s14 =	simm.s32 $0x80  }
.LBB2_1:
0x13: {  	[tilespmem:s2], [sflag:$0x3] =	stream.linear.gather [hbm4b:s6+s2], $0x1400, $0x38;
	[tilespmem:$0x1E100] =	vst v63  }
0x14: {  	_ =	swait.ge [sflag:s12], $0x1400  }
0x15: {  	[sflag:s12] =	ssyncset.done $0x0  }
0x16: {  	[sflag:s12] =	ssyncadd.s32 $0xFFFFEC00  }
0x17: {  	[tilespmem:s13], [sflag:$0x3] =	stream.linear.gather [hbm4b:s7+s2], $0x1400, $0x38;
	[tilespmem:$0x1E100] =	vst v63  }
0x18: {  	_ =	swait.ge [sflag:s12], $0x1400  }
0x19: {  	[sflag:s12] =	ssyncset.done $0x0  }
0x1a: {  	[sflag:s12] =	ssyncadd.s32 $0xFFFFEC00  }
0x1b: {  	[tilespmem:s15], [sflag:$0x1] =	stream.indirect.gather [hbm4b:s4+s14], $0x80, s2, s14, $0xb8;
	[tilespmem:$0x1E100] =	vst v63  }
0x1c: {  	[spmem:s17], [sflag:s16] =	dma.local [hbm:s5], $0x2900  }
0x1d: {  	_ =	swait.ge [sflag:s12], $0x2900  }
0x1e: {  	[sflag:s12] =	ssyncset.done $0x0  }
0x1f: {  	[sflag:s12] =	ssyncadd.s32 $0xFFFFD700  }
0x20: {  	s25 =	simm.s32 $0x80;
	[bflag:$0x0] =	sbarrier.arrive $0xFFFF  }
0x21: {  	[tilespmem:s18], [sflag:$0x2] =	stream.indirect.gather [hbm4b:s4+s14], $0x80, s25, s14, $0xb8;
	[tilespmem:$0x1E100] =	vst v63  }
0x22: {  	_ =	swait.ge [sflag:s19], $0x4000  }
0x23: {  	[sflag:s19] =	ssyncset.done $0x0  }
0x24: {  	s29 =	simm.s32 $0x1400;
	[sflag:s19] =	ssyncadd.s32 $0xFFFFC000  }
0x25: {  	[spmem:s1] =	stream.indirect.scatter.add.f32 [tilespmem:s15], [sflag:$0x3], $0x80, s29, s14, $0xb8;
	[tilespmem:$0x1E100] =	vst v63  }
0x26: {  	_ =	swait.ge [sflag:s12], $0x4000  }
0x27: {  	[sflag:s12] =	ssyncset.done $0x0  }
0x28: {  	s30 =	simm.s32 $0x100;
	[sflag:s12] =	ssyncadd.s32 $0xFFFFC000  }
0x29: {  	[tilespmem:s15], [sflag:$0x1] =	stream.indirect.gather [hbm4b:s4+s14], $0x80, s30, s14, $0xb8;
	[tilespmem:$0x1E100] =	vst v63  }
0x2a: {  	_ =	swait.ge [sflag:s20], $0x4000  }
0x2b: {  	[sflag:s20] =	ssyncset.done $0x0  }
0x2c: {  	s31 =	simm.s32 $0x1480;
	[sflag:s20] =	ssyncadd.s32 $0xFFFFC000  }
0x2d: {  	[spmem:s1] =	stream.indirect.scatter.add.f32 [tilespmem:s18], [sflag:$0x3], $0x80, s31, s14, $0xb8;
	[tilespmem:$0x1E100] =	vst v63  }
0x2e: {  	_ =	swait.ge [sflag:s12], $0x4000  }
0x2f: {  	s26 =	simm.s32 $0x800;
	s25 =	simm.s32 $0x100;
	[sflag:s12] =	ssyncset.done $0x0  }
.LBB2_2:
0x30: {  	s28 =	sadd.s32 $0x80, s25  }
0x31: {  	[sflag:s12] =	ssyncadd.s32 $0xFFFFC000;
	s29 =	smov.u32 s26;
	s30 =	sadd.s32 $0x400, s26  }
0x32: {  	[tilespmem:s18], [sflag:$0x2] =	stream.indirect.gather [hbm4b:s4+s14], $0x80, s28, s14, $0xb8;
	[tilespmem:$0x1E100] =	vst v63  }
0x33: {  	p0 =	sne.s32 s26, $0x4800;
	_ =	swait.ge [sflag:s19], $0x4000  }
0x34: {  	[sflag:s19] =	ssyncset.done $0x0  }
0x35: {  	s26 =	sadd.s32 $0x1400, s25;
	[sflag:s19] =	ssyncadd.s32 $0xFFFFC000  }
0x36: {  	[spmem:s1] =	stream.indirect.scatter.add.f32 [tilespmem:s15], [sflag:$0x3], $0x80, s26, s14, $0xb8;
	[tilespmem:$0x1E100] =	vst v63  }
0x37: {  	_ =	swait.ge [sflag:s12], $0x4000  }
0x38: {  	[sflag:s12] =	ssyncset.done $0x0  }
0x39: {  	s26 =	sadd.s32 $0x100, s25;
	[sflag:s12] =	ssyncadd.s32 $0xFFFFC000  }
0x3a: {  	[tilespmem:s15], [sflag:$0x1] =	stream.indirect.gather [hbm4b:s4+s14], $0x80, s26, s14, $0xb8;
	[tilespmem:$0x1E100] =	vst v63  }
0x3b: {  	_ =	swait.ge [sflag:s20], $0x4000  }
.Ltmp0:
0x3c: {  	[sflag:s20] =	ssyncset.done $0x0;
	(pc) =	sbr.rel @p0 .LBB2_2-.Ltmp0, $4  }
0x3d: {  	s25 =	sadd.s32 $0x1480, s25;
	[sflag:s20] =	ssyncadd.s32 $0xFFFFC000  }
0x3e: {  	[spmem:s1] =	stream.indirect.scatter.add.f32 [tilespmem:s18], [sflag:$0x3], $0x80, s25, s14, $0xb8;
	[tilespmem:$0x1E100] =	vst v63  }
0x3f: {  	_ =	swait.ge [sflag:s12], $0x4000  }
0x40: {  	s26 =	smov.u32 s30;
	s25 =	sshra.s32 s29, $0x2;
	[sflag:s12] =	ssyncset.done $0x0  }
0x41: {  	s26 =	sadd.s32 $0x80, s25;
	[sflag:s12] =	ssyncadd.s32 $0xFFFFC000  }
0x42: {  	[tilespmem:s18], [sflag:$0x2] =	stream.indirect.gather [hbm4b:s4+s14], $0x80, s26, s14, $0xb8;
	[tilespmem:$0x1E100] =	vst v63  }
0x43: {  	_ =	swait.ge [sflag:s19], $0x4000  }
0x44: {  	[sflag:s19] =	ssyncset.done $0x0  }
0x45: {  	s29 =	sadd.s32 $0x1400, s25;
	[sflag:s19] =	ssyncadd.s32 $0xFFFFC000  }
0x46: {  	[spmem:s1] =	stream.indirect.scatter.add.f32 [tilespmem:s15], [sflag:$0x3], $0x80, s29, s14, $0xb8;
	[tilespmem:$0x1E100] =	vst v63  }
0x47: {  	_ =	swait.ge [sflag:s12], $0x4000  }
0x48: {  	[sflag:s12] =	ssyncset.done $0x0  }
0x49: {  	s30 =	sadd.s32 $0x100, s25;
	[sflag:s12] =	ssyncadd.s32 $0xFFFFC000  }
0x4a: {  	[tilespmem:s15], [sflag:$0x1] =	stream.indirect.gather [hbm4b:s4+s14], $0x80, s30, s14, $0xb8;
	[tilespmem:$0x1E100] =	vst v63  }
0x4b: {  	_ =	swait.ge [sflag:s20], $0x4000  }
0x4c: {  	[sflag:s20] =	ssyncset.done $0x0  }
0x4d: {  	s31 =	sadd.s32 $0x1480, s25;
	[sflag:s20] =	ssyncadd.s32 $0xFFFFC000  }
0x4e: {  	[spmem:s1] =	stream.indirect.scatter.add.f32 [tilespmem:s18], [sflag:$0x3], $0x80, s31, s14, $0xb8;
	[tilespmem:$0x1E100] =	vst v63  }
0x4f: {  	_ =	swait.ge [sflag:s12], $0x4000  }
0x50: {  	[sflag:s12] =	ssyncset.done $0x0  }
0x51: {  	[sflag:s12] =	ssyncadd.s32 $0xFFFFC000  }
0x52: {  	[tilespmem:s18], [sflag:$0x2] =	stream.indirect.gather [hbm4b:s4+s14], $0x80, s21, s14, $0xb8;
	[tilespmem:$0x1E100] =	vst v63  }
0x53: {  	_ =	swait.ge [sflag:s19], $0x4000  }
0x54: {  	[sflag:s19] =	ssyncset.done $0x0  }
0x55: {  	[sflag:s19] =	ssyncadd.s32 $0xFFFFC000  }
0x56: {  	[spmem:s1] =	stream.indirect.scatter.add.f32 [tilespmem:s15], [sflag:$0x3], $0x80, s22, s14, $0xb8;
	[tilespmem:$0x1E100] =	vst v63  }
0x57: {  	_ =	swait.ge [sflag:s12], $0x4000  }
0x58: {  	[sflag:s12] =	ssyncset.done $0x0  }
0x59: {  	[sflag:s12] =	ssyncadd.s32 $0xFFFFC000  }
0x5a: {  	_ =	swait.ge [sflag:s20], $0x4000  }
0x5b: {  	[sflag:s20] =	ssyncset.done $0x0  }
0x5c: {  	[sflag:s20] =	ssyncadd.s32 $0xFFFFC000  }
0x5d: {  	[spmem:s1] =	stream.indirect.scatter.add.f32 [tilespmem:s18], [sflag:$0x3], $0x80, s23, s14, $0xb8;
	[tilespmem:$0x1E100] =	vst v63  }
0x5e: {  	_ =	swait.ge [sflag:s12], $0x4000  }
0x5f: {  	[sflag:s12] =	ssyncset.done $0x0  }
0x60: {  	s26 =	simm.s32 $0x0;
	[sflag:s12] =	ssyncadd.s32 $0xFFFFC000  }
0x61: {  	[tilespmem:s26], [sflag:$0x3] =	stream.linear.gather [hbm4b:s8+s26], $0x1400, $0x38;
	[tilespmem:$0x1E100] =	vst v63  }
0x62: {  	_ =	swait.ge [sflag:s12], $0x1400  }
0x63: {  	[sflag:s12] =	ssyncset.done $0x0  }
0x64: {  	[sflag:s12] =	ssyncadd.s32 $0xFFFFEC00  }
0x65: {  	[tilespmem:s13], [sflag:$0x3] =	stream.linear.gather [hbm4b:s9+s26], $0x1400, $0x38;
	[tilespmem:$0x1E100] =	vst v63  }
0x66: {  	_ =	swait.ge [sflag:s12], $0x1400  }
0x67: {  	[sflag:s12] =	ssyncset.done $0x0  }
0x68: {  	[sflag:s12] =	ssyncadd.s32 $0xFFFFEC00  }
0x69: {  	[tilespmem:s15], [sflag:$0x1] =	stream.indirect.gather [hbm4b:s4+s14], $0x80, s26, s14, $0xb8;
	[tilespmem:$0x1E100] =	vst v63  }
0x6a: {  	s28 =	simm.s32 $0x80  }
0x6b: {  	[tilespmem:s18], [sflag:$0x2] =	stream.indirect.gather [hbm4b:s4+s14], $0x80, s28, s14, $0xb8;
	[tilespmem:$0x1E100] =	vst v63  }
0x6c: {  	_ =	swait.ge [sflag:s19], $0x4000  }
0x6d: {  	[sflag:s19] =	ssyncset.done $0x0  }
0x6e: {  	s29 =	simm.s32 $0x1400;
	[sflag:s19] =	ssyncadd.s32 $0xFFFFC000  }
0x6f: {  	[spmem:s1] =	stream.indirect.scatter.add.f32 [tilespmem:s15], [sflag:$0x3], $0x80, s29, s14, $0xb8;
	[tilespmem:$0x1E100] =	vst v63  }
0x70: {  	_ =	swait.ge [sflag:s12], $0x4000  }
0x71: {  	[sflag:s12] =	ssyncset.done $0x0  }
0x72: {  	s30 =	simm.s32 $0x100;
	[sflag:s12] =	ssyncadd.s32 $0xFFFFC000  }
0x73: {  	[tilespmem:s15], [sflag:$0x1] =	stream.indirect.gather [hbm4b:s4+s14], $0x80, s30, s14, $0xb8;
	[tilespmem:$0x1E100] =	vst v63  }
0x74: {  	_ =	swait.ge [sflag:s20], $0x4000  }
0x75: {  	[sflag:s20] =	ssyncset.done $0x0  }
0x76: {  	s31 =	simm.s32 $0x1480;
	[sflag:s20] =	ssyncadd.s32 $0xFFFFC000  }
0x77: {  	[spmem:s1] =	stream.indirect.scatter.add.f32 [tilespmem:s18], [sflag:$0x3], $0x80, s31, s14, $0xb8;
	[tilespmem:$0x1E100] =	vst v63  }
0x78: {  	_ =	swait.ge [sflag:s12], $0x4000  }
0x79: {  	s25 =	simm.s32 $0x100;
	s26 =	simm.s32 $0x800;
	[sflag:s12] =	ssyncset.done $0x0  }
.LBB2_4:
0x7a: {  	s28 =	sadd.s32 $0x80, s25  }
0x7b: {  	[sflag:s12] =	ssyncadd.s32 $0xFFFFC000;
	s29 =	smov.u32 s26;
	s30 =	sadd.s32 $0x400, s26  }
0x7c: {  	[tilespmem:s18], [sflag:$0x2] =	stream.indirect.gather [hbm4b:s4+s14], $0x80, s28, s14, $0xb8;
	[tilespmem:$0x1E100] =	vst v63  }
0x7d: {  	p0 =	sne.s32 s26, $0x4800;
	_ =	swait.ge [sflag:s19], $0x4000  }
0x7e: {  	[sflag:s19] =	ssyncset.done $0x0  }
0x7f: {  	s26 =	sadd.s32 $0x1400, s25;
	[sflag:s19] =	ssyncadd.s32 $0xFFFFC000  }
0x80: {  	[spmem:s1] =	stream.indirect.scatter.add.f32 [tilespmem:s15], [sflag:$0x3], $0x80, s26, s14, $0xb8;
	[tilespmem:$0x1E100] =	vst v63  }
0x81: {  	_ =	swait.ge [sflag:s12], $0x4000  }
0x82: {  	[sflag:s12] =	ssyncset.done $0x0  }
0x83: {  	s26 =	sadd.s32 $0x100, s25;
	[sflag:s12] =	ssyncadd.s32 $0xFFFFC000  }
0x84: {  	[tilespmem:s15], [sflag:$0x1] =	stream.indirect.gather [hbm4b:s4+s14], $0x80, s26, s14, $0xb8;
	[tilespmem:$0x1E100] =	vst v63  }
0x85: {  	_ =	swait.ge [sflag:s20], $0x4000  }
.Ltmp1:
0x86: {  	[sflag:s20] =	ssyncset.done $0x0;
	(pc) =	sbr.rel @p0 .LBB2_4-.Ltmp1, $4  }
0x87: {  	s25 =	sadd.s32 $0x1480, s25;
	[sflag:s20] =	ssyncadd.s32 $0xFFFFC000  }
0x88: {  	[spmem:s1] =	stream.indirect.scatter.add.f32 [tilespmem:s18], [sflag:$0x3], $0x80, s25, s14, $0xb8;
	[tilespmem:$0x1E100] =	vst v63  }
0x89: {  	_ =	swait.ge [sflag:s12], $0x4000  }
0x8a: {  	s26 =	smov.u32 s30;
	s25 =	sshra.s32 s29, $0x2;
	[sflag:s12] =	ssyncset.done $0x0  }
0x8b: {  	s26 =	sadd.s32 $0x80, s25;
	[sflag:s12] =	ssyncadd.s32 $0xFFFFC000  }
0x8c: {  	[tilespmem:s18], [sflag:$0x2] =	stream.indirect.gather [hbm4b:s4+s14], $0x80, s26, s14, $0xb8;
	[tilespmem:$0x1E100] =	vst v63  }
0x8d: {  	_ =	swait.ge [sflag:s19], $0x4000  }
0x8e: {  	[sflag:s19] =	ssyncset.done $0x0  }
0x8f: {  	s29 =	sadd.s32 $0x1400, s25;
	[sflag:s19] =	ssyncadd.s32 $0xFFFFC000  }
0x90: {  	[spmem:s1] =	stream.indirect.scatter.add.f32 [tilespmem:s15], [sflag:$0x3], $0x80, s29, s14, $0xb8;
	[tilespmem:$0x1E100] =	vst v63  }
0x91: {  	_ =	swait.ge [sflag:s12], $0x4000  }
0x92: {  	[sflag:s12] =	ssyncset.done $0x0  }
0x93: {  	s30 =	sadd.s32 $0x100, s25;
	[sflag:s12] =	ssyncadd.s32 $0xFFFFC000  }
0x94: {  	[tilespmem:s15], [sflag:$0x1] =	stream.indirect.gather [hbm4b:s4+s14], $0x80, s30, s14, $0xb8;
	[tilespmem:$0x1E100] =	vst v63  }
0x95: {  	_ =	swait.ge [sflag:s20], $0x4000  }
0x96: {  	[sflag:s20] =	ssyncset.done $0x0  }
0x97: {  	s31 =	sadd.s32 $0x1480, s25;
	[sflag:s20] =	ssyncadd.s32 $0xFFFFC000  }
0x98: {  	[spmem:s1] =	stream.indirect.scatter.add.f32 [tilespmem:s18], [sflag:$0x3], $0x80, s31, s14, $0xb8;
	[tilespmem:$0x1E100] =	vst v63  }
0x99: {  	_ =	swait.ge [sflag:s12], $0x4000  }
0x9a: {  	[sflag:s12] =	ssyncset.done $0x0  }
0x9b: {  	[sflag:s12] =	ssyncadd.s32 $0xFFFFC000  }
0x9c: {  	[tilespmem:s18], [sflag:$0x2] =	stream.indirect.gather [hbm4b:s4+s14], $0x80, s21, s14, $0xb8;
	[tilespmem:$0x1E100] =	vst v63  }
0x9d: {  	_ =	swait.ge [sflag:s19], $0x4000  }
0x9e: {  	[sflag:s19] =	ssyncset.done $0x0  }
0x9f: {  	[sflag:s19] =	ssyncadd.s32 $0xFFFFC000  }
0xa0: {  	[spmem:s1] =	stream.indirect.scatter.add.f32 [tilespmem:s15], [sflag:$0x3], $0x80, s22, s14, $0xb8;
	[tilespmem:$0x1E100] =	vst v63  }
0xa1: {  	_ =	swait.ge [sflag:s12], $0x4000  }
0xa2: {  	[sflag:s12] =	ssyncset.done $0x0  }
0xa3: {  	[sflag:s12] =	ssyncadd.s32 $0xFFFFC000  }
0xa4: {  	_ =	swait.ge [sflag:s20], $0x4000  }
0xa5: {  	[sflag:s20] =	ssyncset.done $0x0  }
0xa6: {  	[sflag:s20] =	ssyncadd.s32 $0xFFFFC000  }
0xa7: {  	[spmem:s1] =	stream.indirect.scatter.add.f32 [tilespmem:s18], [sflag:$0x3], $0x80, s23, s14, $0xb8;
	[tilespmem:$0x1E100] =	vst v63  }
0xa8: {  	_ =	swait.ge [sflag:s12], $0x4000  }
0xa9: {  	s24 =	sadd.s32 $0x1, s24;
	[sflag:s12] =	ssyncset.done $0x0  }
0xaa: {  	p0 =	sne.s32 s24, s11;
	[sflag:s12] =	ssyncadd.s32 $0xFFFFC000  }
.Ltmp2:
0xab: {  	[bflag:$0x0] =	sbarrier.arrive $0xFFFF;
	(pc) =	sbr.rel @p0 .LBB2_1-.Ltmp2, $4  }
0xac: {  	[hbm:s10], [sflag:s16] =	dma.local [spmem:s17], $0x2900  }
0xad: {  	_ =	swait.ge [sflag:s12], $0x2900  }
0xae: {  	[sflag:s12] =	ssyncset.done $0x0  }
0xaf: {  	[sflag:s12] =	ssyncadd.s32 $0xFFFFD700  }
0xb0: {  	_ =	sfence.sel $0x180000  }
0xb1: {  	[bflag:$0x0] =	sbarrier.arrive $0xFFFF  }
0xb2: {  	p0 =	sne.s32 s3, $0x0;
	_ =	strace $0x90000050  }
0xb3: {  	s0 =	sadd.s32 @!p0 $0x100000, s0;
	[bflag:$0x2] =	sbarrier.arrive $0xFFFF  }
0xb4: {  	[sflag:s0] =	ssyncadd.tile.s32 @!p0 $0x1;
	_ =	shalt  }
.Lfunc_end2:
_tile_overlayer_lowered:
.L_overlay_start_2:
0xb5: {  	(tag) =	ssettag $0x2  }
0xb6: {  	s0 =	rddreg [dreg:$0x0];
	s2 =	stileid.u32  }
0xb7: {  	s1 =	rddreg [dreg:$0x1];
	p0 =	sne.s32 s2, $0x0  }
0xb8: {  	s3 =	rddreg [dreg:$0x2];
	[bflag:$0x3] =	sbarrier.arrive $0xFFFF;
	s2 =	simm.s32 @!p0 $0x1C03  }
0xb9: {  	[timem:s3], [sflag:s2] =	dma.local @!p0 [hbm:s0], s1  }
0xba: {  	s0 =	simm.s32 @!p0 $0x3  }
0xbb: {  	_ =	swait.ge @!p0 [sflag:s0], s1  }
0xbc: {  	s1 =	ssub.s32 @!p0 $0x0, s1;
	[sflag:s0] =	ssyncset.done @!p0 $0x0  }
0xbd: {  	[sflag:s0] =	ssyncadd.s32 @!p0 s1  }
0xbe: {  	[bflag:$0x3] =	sbarrier.arrive $0xFFFF  }
0xbf: {  	_ =	shalt  }

</sc_bundles>
